<compile_context>
chip_gen: v7x
topology: tpu7x:2x2x1
jax: 0.10.2.dev20260603
libtpu: 0.0.44.dev20260713+nightly
codegen_flags: <defaults>
</compile_context>

<pallas_src>
import functools

import jax
import jax.numpy as jnp
from jax import lax
from jax.experimental import pallas as pl
from jax.experimental.pallas import tpu as pltpu
from jax.experimental.pallas import tpu_sc as plsc

_PROB = 0.5
_CHUNK = 64


def _rank_body(L, noise_ref, noise_t_ref, out_ref):
    G = out_ref.shape[0]
    q = pl.program_id(0)
    B = noise_ref.shape[0]
    Pp = out_ref.shape[2]
    ii = lax.broadcasted_iota(jnp.int32, (L, L), 0)
    jj = lax.broadcasted_iota(jnp.int32, (L, L), 1)
    jlt = jj < ii
    p = lax.broadcasted_iota(jnp.int32, (L, Pp), 1)
    ival = lax.broadcasted_iota(jnp.int32, (L, Pp), 0) + 1
    for u in range(G):
        b = q * G + u
        bsel0 = lax.broadcasted_iota(jnp.int32, (B, L), 0) == b
        row = jnp.sum(jnp.where(bsel0, noise_ref[...], 0.0), axis=0,
                      keepdims=True)
        bsel1 = lax.broadcasted_iota(jnp.int32, (L, B), 1) == b
        col = jnp.sum(jnp.where(bsel1, noise_t_ref[...], 0.0), axis=1,
                      keepdims=True)
        lt = row < col
        eq = row == col
        before = lt | (eq & jlt)
        cnt = jnp.sum(jnp.where(before, 1, 0), axis=1,
                      keepdims=True)
        match = cnt == (p - 1)
        idx = jnp.sum(jnp.where(match, ival, 0), axis=0,
                      keepdims=True)
        out_ref[u] = idx


def _gather_rows(xt, gidx, n_rows, D):
    mesh = plsc.VectorSubcoreMesh(core_axis_name="c", subcore_axis_name="s")
    C = _CHUNK
    n_chunks = n_rows // C
    n_workers = 32
    per_worker = (n_chunks + n_workers - 1) // n_workers
    min_cnt = n_chunks // n_workers

    @functools.partial(
        pl.kernel,
        out_type=jax.ShapeDtypeStruct((n_rows, D), xt.dtype),
        mesh=mesh,
        scratch_types=[
            pltpu.VMEM((per_worker * C,), jnp.int32),
            pltpu.VMEM((C, D), xt.dtype),
            pltpu.VMEM((C, D), xt.dtype),
            pltpu.SemaphoreType.DMA,
            pltpu.SemaphoreType.DMA,
            pltpu.SemaphoreType.DMA,
            pltpu.SemaphoreType.DMA,
        ],
    )
    def gather_kernel(x_hbm, i_hbm, o_hbm, idx_v, rows0, rows1,
                      gs0, gs1, ws0, ws1):
        wid = lax.axis_index("s") * 2 + lax.axis_index("c")
        c0 = wid * n_chunks // n_workers
        c1 = (wid + 1) * n_chunks // n_workers
        rows, gs, ws = [rows0, rows1], [gs0, gs1], [ws0, ws1]

        def g_start(j, s):
            pltpu.async_copy(x_hbm.at[idx_v.at[pl.ds(j * C, C)]],
                             rows[s], gs[s])

        def g_wait(s):
            pltpu.make_async_copy(x_hbm.at[pl.ds(0, C)], rows[s],
                                  gs[s]).wait()

        def w_start(j, s):
            pltpu.async_copy(rows[s], o_hbm.at[pl.ds((c0 + j) * C, C)],
                             ws[s])

        def w_wait(s):
            pltpu.make_async_copy(rows[s], o_hbm.at[pl.ds(0, C)],
                                  ws[s]).wait()

        pltpu.sync_copy(i_hbm.at[pl.ds(c0 * C, per_worker * C)], idx_v)
        g_start(0, 0)
        for j in range(per_worker):
            s, t = j % 2, (j + 1) % 2
            if j + 1 < per_worker:
                def pre(j=j, t=t):
                    if j >= 1:
                        w_wait(t)
                    g_start(j + 1, t)
                if j + 1 <= min_cnt - 1:
                    pre()
                else:
                    pl.when(c0 + j + 1 < c1)(pre)

            def cons(j=j, s=s):
                g_wait(s)
                w_start(j, s)
            if j <= min_cnt - 1:
                cons()
            else:
                pl.when(c0 + j < c1)(cons)
        w_wait(0)
        w_wait(1)

    return gather_kernel(xt, gidx)


def kernel(x, noise):
    B, SEQ, D = x.shape
    L = SEQ - 1
    K = max(1, int(L * (1.0 - _PROB)))
    P = 1 + K
    Pp = (P + 7) & ~7

    G = 16
    lidx3 = pl.pallas_call(
        functools.partial(_rank_body, L),
        grid=(B // G,),
        in_specs=[
            pl.BlockSpec((B, L), lambda q: (0, 0)),
            pl.BlockSpec((L, B), lambda q: (0, 0)),
        ],
        out_specs=pl.BlockSpec((G, 1, Pp), lambda q: (q, 0, 0)),
        out_shape=jax.ShapeDtypeStruct((B, 1, Pp), jnp.int32),
    )(noise, noise.T)

    lidx = lidx3[:, 0, :P]
    gidx = (lidx.T * B + jnp.arange(B, dtype=jnp.int32)[None, :]).reshape(-1)

    xt = x.transpose(1, 0, 2).reshape(SEQ * B, D)
    out_t = _gather_rows(xt, gidx, P * B, D)
    return out_t.reshape(P, B, D).transpose(1, 0, 2)

# --- scband reference (transcript-rebuilt; emitter-appended) ---
"""Pipeline reference for scband-patch-dropout-20486994002005 (READ-ONLY COPY).

The authoritative reference and input builder live on the scoring server;
editing this copy changes nothing except your own understanding.
"""

import jax, jax.numpy as jnp
import numpy as np

PROB = 0.5
NUM_PREFIX = 1
ORDERED = False

B = 64
SEQ = 577
D = 768

def setup_inputs(seed: int = 0) -> dict:
    key = jax.random.key(seed)
    k1, k2 = jax.random.split(key)
    x = jax.random.normal(k1, (B, SEQ, D), dtype=jnp.float32)
    # noise replaces torch.randn(B, L) used inside forward; passed explicitly for determinism
    noise = jax.random.normal(k2, (B, SEQ - NUM_PREFIX), dtype=jnp.float32)
    return {"x": x, "noise": noise}

def reference(x, noise):
    prefix_tokens = x[:, :NUM_PREFIX]
    body = x[:, NUM_PREFIX:]
    Bb, L = body.shape[0], body.shape[1]
    num_keep = max(1, int(L * (1.0 - PROB)))
    keep_indices = jnp.argsort(noise, axis=-1)[:, :num_keep]
    if ORDERED:
        keep_indices = jnp.sort(keep_indices, axis=-1)
    gathered = jnp.take_along_axis(body, keep_indices[:, :, None], axis=1)
    out = jnp.concatenate([prefix_tokens, gathered], axis=1)
    return out

if __name__ == "__main__":
    import jax
    _d = setup_inputs()
    print(jax.jit(kernel)(*tuple(_d.values())))

</pallas_src>

<mosaic_0001>
#map = affine_map<(d0, d1) -> (0, 0)>
#map1 = affine_map<(d0, d1) -> (0)>
module attributes {stable_mosaic.version = 14 : i64} {
  func.func @gather_kernel(%arg0: i32, %arg1: i32, %arg2: memref<36928x768xf32, #tpu.memory_space<hbm>>, %arg3: memref<18496xi32, #tpu.memory_space<hbm>>, %arg4: memref<18496x768xf32, #tpu.memory_space<hbm>>, %arg5: memref<640xi32, #tpu.memory_space<vmem>>, %arg6: memref<64x768xf32, #tpu.memory_space<vmem>>, %arg7: memref<64x768xf32, #tpu.memory_space<vmem>>, %arg8: memref<!tpu.dma_semaphore, #tpu.memory_space<semaphore_mem>>, %arg9: memref<!tpu.dma_semaphore, #tpu.memory_space<semaphore_mem>>, %arg10: memref<!tpu.dma_semaphore, #tpu.memory_space<semaphore_mem>>, %arg11: memref<!tpu.dma_semaphore, #tpu.memory_space<semaphore_mem>>) attributes {dimension_semantics = [#tpu.dimension_semantics<core_parallel>, #tpu.dimension_semantics<subcore_parallel>], iteration_bounds = array<i64: 2, 16>, scalar_prefetch = 0 : i64, scratch_operands = 7 : i64, tpu.core_type = #tpu.core_type<sc_vector_subcore>, window_params = [{transform_indices = #map}, {transform_indices = #map1}, {transform_indices = #map}]} {
    %mul3A = arith.constant 2 : i32
    %mul3A_0 = arith.muli %arg1, %mul3A : i32
    %add3A = arith.addi %mul3A_0, %arg0 : i32
    %mul3A_1 = arith.constant 289 : i32
    %mul3A_2 = arith.muli %add3A, %mul3A_1 : i32
    %jit3A = arith.constant 32 : i32
    %div3A = arith.divsi %mul3A_2, %jit3A : i32
    %sign3A = arith.constant 0 : i32
    %sign3A_3 = arith.cmpi sgt, %mul3A_2, %sign3A : i32
    %sign3A_4 = arith.extui %sign3A_3 : i1 to i32
    %sign3A_5 = arith.constant 0 : i32
    %sign3A_6 = arith.cmpi slt, %mul3A_2, %sign3A_5 : i32
    %sign3A_7 = arith.extui %sign3A_6 : i1 to i32
    %sign3A_8 = arith.subi %sign3A_4, %sign3A_7 : i32
    %sign3A_9 = arith.constant 0 : i32
    %sign3A_10 = arith.cmpi sgt, %jit3A, %sign3A_9 : i32
    %sign3A_11 = arith.extui %sign3A_10 : i1 to i32
    %sign3A_12 = arith.constant 0 : i32
    %sign3A_13 = arith.cmpi slt, %jit3A, %sign3A_12 : i32
    %sign3A_14 = arith.extui %sign3A_13 : i1 to i32
    %sign3A_15 = arith.subi %sign3A_11, %sign3A_14 : i32
    %ne3A = arith.cmpi ne, %sign3A_8, %sign3A_15 : i32
    %rem3A = arith.remsi %mul3A_2, %jit3A : i32
    %ne3A_16 = arith.constant 0 : i32
    %ne3A_17 = arith.cmpi ne, %rem3A, %ne3A_16 : i32
    %and3A = arith.andi %ne3A, %ne3A_17 : i1
    %sub3A = arith.constant 1 : i32
    %sub3A_18 = arith.subi %div3A, %sub3A : i32
    %select_n3A = arith.select %and3A, %sub3A_18, %div3A : i32
    %add3A_19 = arith.constant 1 : i32
    %add3A_20 = arith.addi %add3A, %add3A_19 : i32
    %mul3A_21 = arith.constant 289 : i32
    %mul3A_22 = arith.muli %add3A_20, %mul3A_21 : i32
    %jit3A_23 = arith.constant 32 : i32
    %div3A_24 = arith.divsi %mul3A_22, %jit3A_23 : i32
    %sign3A_25 = arith.constant 0 : i32
    %sign3A_26 = arith.cmpi sgt, %mul3A_22, %sign3A_25 : i32
    %sign3A_27 = arith.extui %sign3A_26 : i1 to i32
    %sign3A_28 = arith.constant 0 : i32
    %sign3A_29 = arith.cmpi slt, %mul3A_22, %sign3A_28 : i32
    %sign3A_30 = arith.extui %sign3A_29 : i1 to i32
    %sign3A_31 = arith.subi %sign3A_27, %sign3A_30 : i32
    %sign3A_32 = arith.constant 0 : i32
    %sign3A_33 = arith.cmpi sgt, %jit3A_23, %sign3A_32 : i32
    %sign3A_34 = arith.extui %sign3A_33 : i1 to i32
    %sign3A_35 = arith.constant 0 : i32
    %sign3A_36 = arith.cmpi slt, %jit3A_23, %sign3A_35 : i32
    %sign3A_37 = arith.extui %sign3A_36 : i1 to i32
    %sign3A_38 = arith.subi %sign3A_34, %sign3A_37 : i32
    %ne3A_39 = arith.cmpi ne, %sign3A_31, %sign3A_38 : i32
    %rem3A_40 = arith.remsi %mul3A_22, %jit3A_23 : i32
    %ne3A_41 = arith.constant 0 : i32
    %ne3A_42 = arith.cmpi ne, %rem3A_40, %ne3A_41 : i32
    %and3A_43 = arith.andi %ne3A_39, %ne3A_42 : i1
    %sub3A_44 = arith.constant 1 : i32
    %sub3A_45 = arith.subi %div3A_24, %sub3A_44 : i32
    %select_n3A_46 = arith.select %and3A_43, %sub3A_45, %div3A_24 : i32
    %mul3A_47 = arith.constant 64 : i32
    %mul3A_48 = arith.muli %select_n3A, %mul3A_47 : i32
    "tpu.region"() ({
      %run_scoped3A = tpu.sem_alloc : memref<!tpu.dma_semaphore, #tpu.memory_space<semaphore_mem>>
      %dma_start3A_283 = tpu.memref_slice %arg3[%mul3A_48] : memref<18496xi32, #tpu.memory_space<hbm>> -> memref<640xi32, #tpu.memory_space<hbm>>
      %dma_start3A_284 = tpu.memref_slice %arg3[%mul3A_48] : memref<18496xi32, #tpu.memory_space<hbm>> -> memref<640xi32, #tpu.memory_space<hbm>>
      tpu.enqueue_dma source(%dma_start3A_284 : memref<640xi32, #tpu.memory_space<hbm>>) target(%arg5 : memref<640xi32, #tpu.memory_space<vmem>>) target_semaphore(%run_scoped3A : memref<!tpu.dma_semaphore, #tpu.memory_space<semaphore_mem>>)
      %dma_wait3A_285 = tpu.memref_slice %arg3[%mul3A_48] : memref<18496xi32, #tpu.memory_space<hbm>> -> memref<640xi32, #tpu.memory_space<hbm>>
      %dma_wait3A_286 = tpu.memref_slice %arg3[%mul3A_48] : memref<18496xi32, #tpu.memory_space<hbm>> -> memref<640xi32, #tpu.memory_space<hbm>>
      tpu.wait_dma2 semaphore(%run_scoped3A : memref<!tpu.dma_semaphore, #tpu.memory_space<semaphore_mem>>) src(%dma_wait3A_286 : memref<640xi32, #tpu.memory_space<hbm>>) dst(%arg5 : memref<640xi32, #tpu.memory_space<vmem>>)
      tpu.yield
    }) : () -> ()
    %dma_start3A = arith.constant 0 : i32
    %dma_start3A_49 = tpu.memref_slice %arg5[%dma_start3A] : memref<640xi32, #tpu.memory_space<vmem>> -> memref<64xi32, #tpu.memory_space<vmem>>
    %dma_start3A_50 = arith.constant 0 : i32
    %dma_start3A_51 = arith.constant 0 : i32
    %dma_start3A_52 = tpu.memref_slice %arg2[%dma_start3A_50, %dma_start3A_51] : memref<36928x768xf32, #tpu.memory_space<hbm>> -> memref<36928x768xf32, #tpu.memory_space<hbm>>
    tpu.enqueue_indirect_dma source(%dma_start3A_52 : memref<36928x768xf32, #tpu.memory_space<hbm>>) target(%arg6 : memref<64x768xf32, #tpu.memory_space<vmem>>) offsets(%dma_start3A_49 : memref<64xi32, #tpu.memory_space<vmem>>) semaphore(%arg8 : memref<!tpu.dma_semaphore, #tpu.memory_space<semaphore_mem>>)
    %dma_start3A_53 = arith.constant 64 : i32
    %dma_start3A_54 = tpu.memref_slice %arg5[%dma_start3A_53] : memref<640xi32, #tpu.memory_space<vmem>> -> memref<64xi32, #tpu.memory_space<vmem>>
    %dma_start3A_55 = arith.constant 0 : i32
    %dma_start3A_56 = arith.constant 0 : i32
    %dma_start3A_57 = tpu.memref_slice %arg2[%dma_start3A_55, %dma_start3A_56] : memref<36928x768xf32, #tpu.memory_space<hbm>> -> memref<36928x768xf32, #tpu.memory_space<hbm>>
    tpu.enqueue_indirect_dma source(%dma_start3A_57 : memref<36928x768xf32, #tpu.memory_space<hbm>>) target(%arg7 : memref<64x768xf32, #tpu.memory_space<vmem>>) offsets(%dma_start3A_54 : memref<64xi32, #tpu.memory_space<vmem>>) semaphore(%arg9 : memref<!tpu.dma_semaphore, #tpu.memory_space<semaphore_mem>>)
    %dma_wait3A = arith.constant 0 : i32
    %dma_wait3A_58 = arith.constant 0 : i32
    %dma_wait3A_59 = tpu.memref_slice %arg2[%dma_wait3A, %dma_wait3A_58] : memref<36928x768xf32, #tpu.memory_space<hbm>> -> memref<64x768xf32, #tpu.memory_space<hbm>>
    %dma_wait3A_60 = arith.constant 0 : i32
    %dma_wait3A_61 = arith.constant 0 : i32
    %dma_wait3A_62 = tpu.memref_slice %arg2[%dma_wait3A_60, %dma_wait3A_61] : memref<36928x768xf32, #tpu.memory_space<hbm>> -> memref<64x768xf32, #tpu.memory_space<hbm>>
    tpu.wait_dma2 semaphore(%arg8 : memref<!tpu.dma_semaphore, #tpu.memory_space<semaphore_mem>>) src(%dma_wait3A_62 : memref<64x768xf32, #tpu.memory_space<hbm>>) dst(%arg6 : memref<64x768xf32, #tpu.memory_space<vmem>>)
    %add3A_63 = arith.constant 0 : i32
    %add3A_64 = arith.addi %select_n3A, %add3A_63 : i32
    %mul3A_65 = arith.constant 64 : i32
    %mul3A_66 = arith.muli %add3A_64, %mul3A_65 : i32
    %dma_start3A_67 = arith.constant 0 : i32
    %dma_start3A_68 = tpu.memref_slice %arg4[%mul3A_66, %dma_start3A_67] : memref<18496x768xf32, #tpu.memory_space<hbm>> -> memref<64x768xf32, #tpu.memory_space<hbm>>
    %dma_start3A_69 = arith.constant 0 : i32
    %dma_start3A_70 = tpu.memref_slice %arg4[%mul3A_66, %dma_start3A_69] : memref<18496x768xf32, #tpu.memory_space<hbm>> -> memref<64x768xf32, #tpu.memory_space<hbm>>
    tpu.enqueue_dma source(%arg6 : memref<64x768xf32, #tpu.memory_space<vmem>>) target(%dma_start3A_70 : memref<64x768xf32, #tpu.memory_space<hbm>>) target_semaphore(%arg10 : memref<!tpu.dma_semaphore, #tpu.memory_space<semaphore_mem>>)
    %dma_wait3A_71 = arith.constant 0 : i32
    %dma_wait3A_72 = arith.constant 0 : i32
    %dma_wait3A_73 = tpu.memref_slice %arg4[%dma_wait3A_71, %dma_wait3A_72] : memref<18496x768xf32, #tpu.memory_space<hbm>> -> memref<64x768xf32, #tpu.memory_space<hbm>>
    %dma_wait3A_74 = arith.constant 0 : i32
    %dma_wait3A_75 = arith.constant 0 : i32
    %dma_wait3A_76 = tpu.memref_slice %arg4[%dma_wait3A_74, %dma_wait3A_75] : memref<18496x768xf32, #tpu.memory_space<hbm>> -> memref<64x768xf32, #tpu.memory_space<hbm>>
    tpu.wait_dma2 semaphore(%arg10 : memref<!tpu.dma_semaphore, #tpu.memory_space<semaphore_mem>>) src(%arg6 : memref<64x768xf32, #tpu.memory_space<vmem>>) dst(%dma_wait3A_76 : memref<64x768xf32, #tpu.memory_space<hbm>>)
    %dma_start3A_77 = arith.constant 128 : i32
    %dma_start3A_78 = tpu.memref_slice %arg5[%dma_start3A_77] : memref<640xi32, #tpu.memory_space<vmem>> -> memref<64xi32, #tpu.memory_space<vmem>>
    %dma_start3A_79 = arith.constant 0 : i32
    %dma_start3A_80 = arith.constant 0 : i32
    %dma_start3A_81 = tpu.memref_slice %arg2[%dma_start3A_79, %dma_start3A_80] : memref<36928x768xf32, #tpu.memory_space<hbm>> -> memref<36928x768xf32, #tpu.memory_space<hbm>>
    tpu.enqueue_indirect_dma source(%dma_start3A_81 : memref<36928x768xf32, #tpu.memory_space<hbm>>) target(%arg6 : memref<64x768xf32, #tpu.memory_space<vmem>>) offsets(%dma_start3A_78 : memref<64xi32, #tpu.memory_space<vmem>>) semaphore(%arg8 : memref<!tpu.dma_semaphore, #tpu.memory_space<semaphore_mem>>)
    %dma_wait3A_82 = arith.constant 0 : i32
    %dma_wait3A_83 = arith.constant 0 : i32
    %dma_wait3A_84 = tpu.memref_slice %arg2[%dma_wait3A_82, %dma_wait3A_83] : memref<36928x768xf32, #tpu.memory_space<hbm>> -> memref<64x768xf32, #tpu.memory_space<hbm>>
    %dma_wait3A_85 = arith.constant 0 : i32
    %dma_wait3A_86 = arith.constant 0 : i32
    %dma_wait3A_87 = tpu.memref_slice %arg2[%dma_wait3A_85, %dma_wait3A_86] : memref<36928x768xf32, #tpu.memory_space<hbm>> -> memref<64x768xf32, #tpu.memory_space<hbm>>
    tpu.wait_dma2 semaphore(%arg9 : memref<!tpu.dma_semaphore, #tpu.memory_space<semaphore_mem>>) src(%dma_wait3A_87 : memref<64x768xf32, #tpu.memory_space<hbm>>) dst(%arg7 : memref<64x768xf32, #tpu.memory_space<vmem>>)
    %add3A_88 = arith.constant 1 : i32
    %add3A_89 = arith.addi %select_n3A, %add3A_88 : i32
    %mul3A_90 = arith.constant 64 : i32
    %mul3A_91 = arith.muli %add3A_89, %mul3A_90 : i32
    %dma_start3A_92 = arith.constant 0 : i32
    %dma_start3A_93 = tpu.memref_slice %arg4[%mul3A_91, %dma_start3A_92] : memref<18496x768xf32, #tpu.memory_space<hbm>> -> memref<64x768xf32, #tpu.memory_space<hbm>>
    %dma_start3A_94 = arith.constant 0 : i32
    %dma_start3A_95 = tpu.memref_slice %arg4[%mul3A_91, %dma_start3A_94] : memref<18496x768xf32, #tpu.memory_space<hbm>> -> memref<64x768xf32, #tpu.memory_space<hbm>>
    tpu.enqueue_dma source(%arg7 : memref<64x768xf32, #tpu.memory_space<vmem>>) target(%dma_start3A_95 : memref<64x768xf32, #tpu.memory_space<hbm>>) target_semaphore(%arg11 : memref<!tpu.dma_semaphore, #tpu.memory_space<semaphore_mem>>)
    %dma_wait3A_96 = arith.constant 0 : i32
    %dma_wait3A_97 = arith.constant 0 : i32
    %dma_wait3A_98 = tpu.memref_slice %arg4[%dma_wait3A_96, %dma_wait3A_97] : memref<18496x768xf32, #tpu.memory_space<hbm>> -> memref<64x768xf32, #tpu.memory_space<hbm>>
    %dma_wait3A_99 = arith.constant 0 : i32
    %dma_wait3A_100 = arith.constant 0 : i32
    %dma_wait3A_101 = tpu.memref_slice %arg4[%dma_wait3A_99, %dma_wait3A_100] : memref<18496x768xf32, #tpu.memory_space<hbm>> -> memref<64x768xf32, #tpu.memory_space<hbm>>
    tpu.wait_dma2 semaphore(%arg11 : memref<!tpu.dma_semaphore, #tpu.memory_space<semaphore_mem>>) src(%arg7 : memref<64x768xf32, #tpu.memory_space<vmem>>) dst(%dma_wait3A_101 : memref<64x768xf32, #tpu.memory_space<hbm>>)
    %dma_start3A_102 = arith.constant 192 : i32
    %dma_start3A_103 = tpu.memref_slice %arg5[%dma_start3A_102] : memref<640xi32, #tpu.memory_space<vmem>> -> memref<64xi32, #tpu.memory_space<vmem>>
    %dma_start3A_104 = arith.constant 0 : i32
    %dma_start3A_105 = arith.constant 0 : i32
    %dma_start3A_106 = tpu.memref_slice %arg2[%dma_start3A_104, %dma_start3A_105] : memref<36928x768xf32, #tpu.memory_space<hbm>> -> memref<36928x768xf32, #tpu.memory_space<hbm>>
    tpu.enqueue_indirect_dma source(%dma_start3A_106 : memref<36928x768xf32, #tpu.memory_space<hbm>>) target(%arg7 : memref<64x768xf32, #tpu.memory_space<vmem>>) offsets(%dma_start3A_103 : memref<64xi32, #tpu.memory_space<vmem>>) semaphore(%arg9 : memref<!tpu.dma_semaphore, #tpu.memory_space<semaphore_mem>>)
    %dma_wait3A_107 = arith.constant 0 : i32
    %dma_wait3A_108 = arith.constant 0 : i32
    %dma_wait3A_109 = tpu.memref_slice %arg2[%dma_wait3A_107, %dma_wait3A_108] : memref<36928x768xf32, #tpu.memory_space<hbm>> -> memref<64x768xf32, #tpu.memory_space<hbm>>
    %dma_wait3A_110 = arith.constant 0 : i32
    %dma_wait3A_111 = arith.constant 0 : i32
    %dma_wait3A_112 = tpu.memref_slice %arg2[%dma_wait3A_110, %dma_wait3A_111] : memref<36928x768xf32, #tpu.memory_space<hbm>> -> memref<64x768xf32, #tpu.memory_space<hbm>>
    tpu.wait_dma2 semaphore(%arg8 : memref<!tpu.dma_semaphore, #tpu.memory_space<semaphore_mem>>) src(%dma_wait3A_112 : memref<64x768xf32, #tpu.memory_space<hbm>>) dst(%arg6 : memref<64x768xf32, #tpu.memory_space<vmem>>)
    %add3A_113 = arith.constant 2 : i32
    %add3A_114 = arith.addi %select_n3A, %add3A_113 : i32
    %mul3A_115 = arith.constant 64 : i32
    %mul3A_116 = arith.muli %add3A_114, %mul3A_115 : i32
    %dma_start3A_117 = arith.constant 0 : i32
    %dma_start3A_118 = tpu.memref_slice %arg4[%mul3A_116, %dma_start3A_117] : memref<18496x768xf32, #tpu.memory_space<hbm>> -> memref<64x768xf32, #tpu.memory_space<hbm>>
    %dma_start3A_119 = arith.constant 0 : i32
    %dma_start3A_120 = tpu.memref_slice %arg4[%mul3A_116, %dma_start3A_119] : memref<18496x768xf32, #tpu.memory_space<hbm>> -> memref<64x768xf32, #tpu.memory_space<hbm>>
    tpu.enqueue_dma source(%arg6 : memref<64x768xf32, #tpu.memory_space<vmem>>) target(%dma_start3A_120 : memref<64x768xf32, #tpu.memory_space<hbm>>) target_semaphore(%arg10 : memref<!tpu.dma_semaphore, #tpu.memory_space<semaphore_mem>>)
    %dma_wait3A_121 = arith.constant 0 : i32
    %dma_wait3A_122 = arith.constant 0 : i32
    %dma_wait3A_123 = tpu.memref_slice %arg4[%dma_wait3A_121, %dma_wait3A_122] : memref<18496x768xf32, #tpu.memory_space<hbm>> -> memref<64x768xf32, #tpu.memory_space<hbm>>
    %dma_wait3A_124 = arith.constant 0 : i32
    %dma_wait3A_125 = arith.constant 0 : i32
    %dma_wait3A_126 = tpu.memref_slice %arg4[%dma_wait3A_124, %dma_wait3A_125] : memref<18496x768xf32, #tpu.memory_space<hbm>> -> memref<64x768xf32, #tpu.memory_space<hbm>>
    tpu.wait_dma2 semaphore(%arg10 : memref<!tpu.dma_semaphore, #tpu.memory_space<semaphore_mem>>) src(%arg6 : memref<64x768xf32, #tpu.memory_space<vmem>>) dst(%dma_wait3A_126 : memref<64x768xf32, #tpu.memory_space<hbm>>)
    %dma_start3A_127 = arith.constant 256 : i32
    %dma_start3A_128 = tpu.memref_slice %arg5[%dma_start3A_127] : memref<640xi32, #tpu.memory_space<vmem>> -> memref<64xi32, #tpu.memory_space<vmem>>
    %dma_start3A_129 = arith.constant 0 : i32
    %dma_start3A_130 = arith.constant 0 : i32
    %dma_start3A_131 = tpu.memref_slice %arg2[%dma_start3A_129, %dma_start3A_130] : memref<36928x768xf32, #tpu.memory_space<hbm>> -> memref<36928x768xf32, #tpu.memory_space<hbm>>
    tpu.enqueue_indirect_dma source(%dma_start3A_131 : memref<36928x768xf32, #tpu.memory_space<hbm>>) target(%arg6 : memref<64x768xf32, #tpu.memory_space<vmem>>) offsets(%dma_start3A_128 : memref<64xi32, #tpu.memory_space<vmem>>) semaphore(%arg8 : memref<!tpu.dma_semaphore, #tpu.memory_space<semaphore_mem>>)
    %dma_wait3A_132 = arith.constant 0 : i32
    %dma_wait3A_133 = arith.constant 0 : i32
    %dma_wait3A_134 = tpu.memref_slice %arg2[%dma_wait3A_132, %dma_wait3A_133] : memref<36928x768xf32, #tpu.memory_space<hbm>> -> memref<64x768xf32, #tpu.memory_space<hbm>>
    %dma_wait3A_135 = arith.constant 0 : i32
    %dma_wait3A_136 = arith.constant 0 : i32
    %dma_wait3A_137 = tpu.memref_slice %arg2[%dma_wait3A_135, %dma_wait3A_136] : memref<36928x768xf32, #tpu.memory_space<hbm>> -> memref<64x768xf32, #tpu.memory_space<hbm>>
    tpu.wait_dma2 semaphore(%arg9 : memref<!tpu.dma_semaphore, #tpu.memory_space<semaphore_mem>>) src(%dma_wait3A_137 : memref<64x768xf32, #tpu.memory_space<hbm>>) dst(%arg7 : memref<64x768xf32, #tpu.memory_space<vmem>>)
    %add3A_138 = arith.constant 3 : i32
    %add3A_139 = arith.addi %select_n3A, %add3A_138 : i32
    %mul3A_140 = arith.constant 64 : i32
    %mul3A_141 = arith.muli %add3A_139, %mul3A_140 : i32
    %dma_start3A_142 = arith.constant 0 : i32
    %dma_start3A_143 = tpu.memref_slice %arg4[%mul3A_141, %dma_start3A_142] : memref<18496x768xf32, #tpu.memory_space<hbm>> -> memref<64x768xf32, #tpu.memory_space<hbm>>
    %dma_start3A_144 = arith.constant 0 : i32
    %dma_start3A_145 = tpu.memref_slice %arg4[%mul3A_141, %dma_start3A_144] : memref<18496x768xf32, #tpu.memory_space<hbm>> -> memref<64x768xf32, #tpu.memory_space<hbm>>
    tpu.enqueue_dma source(%arg7 : memref<64x768xf32, #tpu.memory_space<vmem>>) target(%dma_start3A_145 : memref<64x768xf32, #tpu.memory_space<hbm>>) target_semaphore(%arg11 : memref<!tpu.dma_semaphore, #tpu.memory_space<semaphore_mem>>)
    %dma_wait3A_146 = arith.constant 0 : i32
    %dma_wait3A_147 = arith.constant 0 : i32
    %dma_wait3A_148 = tpu.memref_slice %arg4[%dma_wait3A_146, %dma_wait3A_147] : memref<18496x768xf32, #tpu.memory_space<hbm>> -> memref<64x768xf32, #tpu.memory_space<hbm>>
    %dma_wait3A_149 = arith.constant 0 : i32
    %dma_wait3A_150 = arith.constant 0 : i32
    %dma_wait3A_151 = tpu.memref_slice %arg4[%dma_wait3A_149, %dma_wait3A_150] : memref<18496x768xf32, #tpu.memory_space<hbm>> -> memref<64x768xf32, #tpu.memory_space<hbm>>
    tpu.wait_dma2 semaphore(%arg11 : memref<!tpu.dma_semaphore, #tpu.memory_space<semaphore_mem>>) src(%arg7 : memref<64x768xf32, #tpu.memory_space<vmem>>) dst(%dma_wait3A_151 : memref<64x768xf32, #tpu.memory_space<hbm>>)
    %dma_start3A_152 = arith.constant 320 : i32
    %dma_start3A_153 = tpu.memref_slice %arg5[%dma_start3A_152] : memref<640xi32, #tpu.memory_space<vmem>> -> memref<64xi32, #tpu.memory_space<vmem>>
    %dma_start3A_154 = arith.constant 0 : i32
    %dma_start3A_155 = arith.constant 0 : i32
    %dma_start3A_156 = tpu.memref_slice %arg2[%dma_start3A_154, %dma_start3A_155] : memref<36928x768xf32, #tpu.memory_space<hbm>> -> memref<36928x768xf32, #tpu.memory_space<hbm>>
    tpu.enqueue_indirect_dma source(%dma_start3A_156 : memref<36928x768xf32, #tpu.memory_space<hbm>>) target(%arg7 : memref<64x768xf32, #tpu.memory_space<vmem>>) offsets(%dma_start3A_153 : memref<64xi32, #tpu.memory_space<vmem>>) semaphore(%arg9 : memref<!tpu.dma_semaphore, #tpu.memory_space<semaphore_mem>>)
    %dma_wait3A_157 = arith.constant 0 : i32
    %dma_wait3A_158 = arith.constant 0 : i32
    %dma_wait3A_159 = tpu.memref_slice %arg2[%dma_wait3A_157, %dma_wait3A_158] : memref<36928x768xf32, #tpu.memory_space<hbm>> -> memref<64x768xf32, #tpu.memory_space<hbm>>
    %dma_wait3A_160 = arith.constant 0 : i32
    %dma_wait3A_161 = arith.constant 0 : i32
    %dma_wait3A_162 = tpu.memref_slice %arg2[%dma_wait3A_160, %dma_wait3A_161] : memref<36928x768xf32, #tpu.memory_space<hbm>> -> memref<64x768xf32, #tpu.memory_space<hbm>>
    tpu.wait_dma2 semaphore(%arg8 : memref<!tpu.dma_semaphore, #tpu.memory_space<semaphore_mem>>) src(%dma_wait3A_162 : memref<64x768xf32, #tpu.memory_space<hbm>>) dst(%arg6 : memref<64x768xf32, #tpu.memory_space<vmem>>)
    %add3A_163 = arith.constant 4 : i32
    %add3A_164 = arith.addi %select_n3A, %add3A_163 : i32
    %mul3A_165 = arith.constant 64 : i32
    %mul3A_166 = arith.muli %add3A_164, %mul3A_165 : i32
    %dma_start3A_167 = arith.constant 0 : i32
    %dma_start3A_168 = tpu.memref_slice %arg4[%mul3A_166, %dma_start3A_167] : memref<18496x768xf32, #tpu.memory_space<hbm>> -> memref<64x768xf32, #tpu.memory_space<hbm>>
    %dma_start3A_169 = arith.constant 0 : i32
    %dma_start3A_170 = tpu.memref_slice %arg4[%mul3A_166, %dma_start3A_169] : memref<18496x768xf32, #tpu.memory_space<hbm>> -> memref<64x768xf32, #tpu.memory_space<hbm>>
    tpu.enqueue_dma source(%arg6 : memref<64x768xf32, #tpu.memory_space<vmem>>) target(%dma_start3A_170 : memref<64x768xf32, #tpu.memory_space<hbm>>) target_semaphore(%arg10 : memref<!tpu.dma_semaphore, #tpu.memory_space<semaphore_mem>>)
    %dma_wait3A_171 = arith.constant 0 : i32
    %dma_wait3A_172 = arith.constant 0 : i32
    %dma_wait3A_173 = tpu.memref_slice %arg4[%dma_wait3A_171, %dma_wait3A_172] : memref<18496x768xf32, #tpu.memory_space<hbm>> -> memref<64x768xf32, #tpu.memory_space<hbm>>
    %dma_wait3A_174 = arith.constant 0 : i32
    %dma_wait3A_175 = arith.constant 0 : i32
    %dma_wait3A_176 = tpu.memref_slice %arg4[%dma_wait3A_174, %dma_wait3A_175] : memref<18496x768xf32, #tpu.memory_space<hbm>> -> memref<64x768xf32, #tpu.memory_space<hbm>>
    tpu.wait_dma2 semaphore(%arg10 : memref<!tpu.dma_semaphore, #tpu.memory_space<semaphore_mem>>) src(%arg6 : memref<64x768xf32, #tpu.memory_space<vmem>>) dst(%dma_wait3A_176 : memref<64x768xf32, #tpu.memory_space<hbm>>)
    %dma_start3A_177 = arith.constant 384 : i32
    %dma_start3A_178 = tpu.memref_slice %arg5[%dma_start3A_177] : memref<640xi32, #tpu.memory_space<vmem>> -> memref<64xi32, #tpu.memory_space<vmem>>
    %dma_start3A_179 = arith.constant 0 : i32
    %dma_start3A_180 = arith.constant 0 : i32
    %dma_start3A_181 = tpu.memref_slice %arg2[%dma_start3A_179, %dma_start3A_180] : memref<36928x768xf32, #tpu.memory_space<hbm>> -> memref<36928x768xf32, #tpu.memory_space<hbm>>
    tpu.enqueue_indirect_dma source(%dma_start3A_181 : memref<36928x768xf32, #tpu.memory_space<hbm>>) target(%arg6 : memref<64x768xf32, #tpu.memory_space<vmem>>) offsets(%dma_start3A_178 : memref<64xi32, #tpu.memory_space<vmem>>) semaphore(%arg8 : memref<!tpu.dma_semaphore, #tpu.memory_space<semaphore_mem>>)
    %dma_wait3A_182 = arith.constant 0 : i32
    %dma_wait3A_183 = arith.constant 0 : i32
    %dma_wait3A_184 = tpu.memref_slice %arg2[%dma_wait3A_182, %dma_wait3A_183] : memref<36928x768xf32, #tpu.memory_space<hbm>> -> memref<64x768xf32, #tpu.memory_space<hbm>>
    %dma_wait3A_185 = arith.constant 0 : i32
    %dma_wait3A_186 = arith.constant 0 : i32
    %dma_wait3A_187 = tpu.memref_slice %arg2[%dma_wait3A_185, %dma_wait3A_186] : memref<36928x768xf32, #tpu.memory_space<hbm>> -> memref<64x768xf32, #tpu.memory_space<hbm>>
    tpu.wait_dma2 semaphore(%arg9 : memref<!tpu.dma_semaphore, #tpu.memory_space<semaphore_mem>>) src(%dma_wait3A_187 : memref<64x768xf32, #tpu.memory_space<hbm>>) dst(%arg7 : memref<64x768xf32, #tpu.memory_space<vmem>>)
    %add3A_188 = arith.constant 5 : i32
    %add3A_189 = arith.addi %select_n3A, %add3A_188 : i32
    %mul3A_190 = arith.constant 64 : i32
    %mul3A_191 = arith.muli %add3A_189, %mul3A_190 : i32
    %dma_start3A_192 = arith.constant 0 : i32
    %dma_start3A_193 = tpu.memref_slice %arg4[%mul3A_191, %dma_start3A_192] : memref<18496x768xf32, #tpu.memory_space<hbm>> -> memref<64x768xf32, #tpu.memory_space<hbm>>
    %dma_start3A_194 = arith.constant 0 : i32
    %dma_start3A_195 = tpu.memref_slice %arg4[%mul3A_191, %dma_start3A_194] : memref<18496x768xf32, #tpu.memory_space<hbm>> -> memref<64x768xf32, #tpu.memory_space<hbm>>
    tpu.enqueue_dma source(%arg7 : memref<64x768xf32, #tpu.memory_space<vmem>>) target(%dma_start3A_195 : memref<64x768xf32, #tpu.memory_space<hbm>>) target_semaphore(%arg11 : memref<!tpu.dma_semaphore, #tpu.memory_space<semaphore_mem>>)
    %dma_wait3A_196 = arith.constant 0 : i32
    %dma_wait3A_197 = arith.constant 0 : i32
    %dma_wait3A_198 = tpu.memref_slice %arg4[%dma_wait3A_196, %dma_wait3A_197] : memref<18496x768xf32, #tpu.memory_space<hbm>> -> memref<64x768xf32, #tpu.memory_space<hbm>>
    %dma_wait3A_199 = arith.constant 0 : i32
    %dma_wait3A_200 = arith.constant 0 : i32
    %dma_wait3A_201 = tpu.memref_slice %arg4[%dma_wait3A_199, %dma_wait3A_200] : memref<18496x768xf32, #tpu.memory_space<hbm>> -> memref<64x768xf32, #tpu.memory_space<hbm>>
    tpu.wait_dma2 semaphore(%arg11 : memref<!tpu.dma_semaphore, #tpu.memory_space<semaphore_mem>>) src(%arg7 : memref<64x768xf32, #tpu.memory_space<vmem>>) dst(%dma_wait3A_201 : memref<64x768xf32, #tpu.memory_space<hbm>>)
    %dma_start3A_202 = arith.constant 448 : i32
    %dma_start3A_203 = tpu.memref_slice %arg5[%dma_start3A_202] : memref<640xi32, #tpu.memory_space<vmem>> -> memref<64xi32, #tpu.memory_space<vmem>>
    %dma_start3A_204 = arith.constant 0 : i32
    %dma_start3A_205 = arith.constant 0 : i32
    %dma_start3A_206 = tpu.memref_slice %arg2[%dma_start3A_204, %dma_start3A_205] : memref<36928x768xf32, #tpu.memory_space<hbm>> -> memref<36928x768xf32, #tpu.memory_space<hbm>>
    tpu.enqueue_indirect_dma source(%dma_start3A_206 : memref<36928x768xf32, #tpu.memory_space<hbm>>) target(%arg7 : memref<64x768xf32, #tpu.memory_space<vmem>>) offsets(%dma_start3A_203 : memref<64xi32, #tpu.memory_space<vmem>>) semaphore(%arg9 : memref<!tpu.dma_semaphore, #tpu.memory_space<semaphore_mem>>)
    %dma_wait3A_207 = arith.constant 0 : i32
    %dma_wait3A_208 = arith.constant 0 : i32
    %dma_wait3A_209 = tpu.memref_slice %arg2[%dma_wait3A_207, %dma_wait3A_208] : memref<36928x768xf32, #tpu.memory_space<hbm>> -> memref<64x768xf32, #tpu.memory_space<hbm>>
    %dma_wait3A_210 = arith.constant 0 : i32
    %dma_wait3A_211 = arith.constant 0 : i32
    %dma_wait3A_212 = tpu.memref_slice %arg2[%dma_wait3A_210, %dma_wait3A_211] : memref<36928x768xf32, #tpu.memory_space<hbm>> -> memref<64x768xf32, #tpu.memory_space<hbm>>
    tpu.wait_dma2 semaphore(%arg8 : memref<!tpu.dma_semaphore, #tpu.memory_space<semaphore_mem>>) src(%dma_wait3A_212 : memref<64x768xf32, #tpu.memory_space<hbm>>) dst(%arg6 : memref<64x768xf32, #tpu.memory_space<vmem>>)
    %add3A_213 = arith.constant 6 : i32
    %add3A_214 = arith.addi %select_n3A, %add3A_213 : i32
    %mul3A_215 = arith.constant 64 : i32
    %mul3A_216 = arith.muli %add3A_214, %mul3A_215 : i32
    %dma_start3A_217 = arith.constant 0 : i32
    %dma_start3A_218 = tpu.memref_slice %arg4[%mul3A_216, %dma_start3A_217] : memref<18496x768xf32, #tpu.memory_space<hbm>> -> memref<64x768xf32, #tpu.memory_space<hbm>>
    %dma_start3A_219 = arith.constant 0 : i32
    %dma_start3A_220 = tpu.memref_slice %arg4[%mul3A_216, %dma_start3A_219] : memref<18496x768xf32, #tpu.memory_space<hbm>> -> memref<64x768xf32, #tpu.memory_space<hbm>>
    tpu.enqueue_dma source(%arg6 : memref<64x768xf32, #tpu.memory_space<vmem>>) target(%dma_start3A_220 : memref<64x768xf32, #tpu.memory_space<hbm>>) target_semaphore(%arg10 : memref<!tpu.dma_semaphore, #tpu.memory_space<semaphore_mem>>)
    %dma_wait3A_221 = arith.constant 0 : i32
    %dma_wait3A_222 = arith.constant 0 : i32
    %dma_wait3A_223 = tpu.memref_slice %arg4[%dma_wait3A_221, %dma_wait3A_222] : memref<18496x768xf32, #tpu.memory_space<hbm>> -> memref<64x768xf32, #tpu.memory_space<hbm>>
    %dma_wait3A_224 = arith.constant 0 : i32
    %dma_wait3A_225 = arith.constant 0 : i32
    %dma_wait3A_226 = tpu.memref_slice %arg4[%dma_wait3A_224, %dma_wait3A_225] : memref<18496x768xf32, #tpu.memory_space<hbm>> -> memref<64x768xf32, #tpu.memory_space<hbm>>
    tpu.wait_dma2 semaphore(%arg10 : memref<!tpu.dma_semaphore, #tpu.memory_space<semaphore_mem>>) src(%arg6 : memref<64x768xf32, #tpu.memory_space<vmem>>) dst(%dma_wait3A_226 : memref<64x768xf32, #tpu.memory_space<hbm>>)
    %dma_start3A_227 = arith.constant 512 : i32
    %dma_start3A_228 = tpu.memref_slice %arg5[%dma_start3A_227] : memref<640xi32, #tpu.memory_space<vmem>> -> memref<64xi32, #tpu.memory_space<vmem>>
    %dma_start3A_229 = arith.constant 0 : i32
    %dma_start3A_230 = arith.constant 0 : i32
    %dma_start3A_231 = tpu.memref_slice %arg2[%dma_start3A_229, %dma_start3A_230] : memref<36928x768xf32, #tpu.memory_space<hbm>> -> memref<36928x768xf32, #tpu.memory_space<hbm>>
    tpu.enqueue_indirect_dma source(%dma_start3A_231 : memref<36928x768xf32, #tpu.memory_space<hbm>>) target(%arg6 : memref<64x768xf32, #tpu.memory_space<vmem>>) offsets(%dma_start3A_228 : memref<64xi32, #tpu.memory_space<vmem>>) semaphore(%arg8 : memref<!tpu.dma_semaphore, #tpu.memory_space<semaphore_mem>>)
    %dma_wait3A_232 = arith.constant 0 : i32
    %dma_wait3A_233 = arith.constant 0 : i32
    %dma_wait3A_234 = tpu.memref_slice %arg2[%dma_wait3A_232, %dma_wait3A_233] : memref<36928x768xf32, #tpu.memory_space<hbm>> -> memref<64x768xf32, #tpu.memory_space<hbm>>
    %dma_wait3A_235 = arith.constant 0 : i32
    %dma_wait3A_236 = arith.constant 0 : i32
    %dma_wait3A_237 = tpu.memref_slice %arg2[%dma_wait3A_235, %dma_wait3A_236] : memref<36928x768xf32, #tpu.memory_space<hbm>> -> memref<64x768xf32, #tpu.memory_space<hbm>>
    tpu.wait_dma2 semaphore(%arg9 : memref<!tpu.dma_semaphore, #tpu.memory_space<semaphore_mem>>) src(%dma_wait3A_237 : memref<64x768xf32, #tpu.memory_space<hbm>>) dst(%arg7 : memref<64x768xf32, #tpu.memory_space<vmem>>)
    %add3A_238 = arith.constant 7 : i32
    %add3A_239 = arith.addi %select_n3A, %add3A_238 : i32
    %mul3A_240 = arith.constant 64 : i32
    %mul3A_241 = arith.muli %add3A_239, %mul3A_240 : i32
    %dma_start3A_242 = arith.constant 0 : i32
    %dma_start3A_243 = tpu.memref_slice %arg4[%mul3A_241, %dma_start3A_242] : memref<18496x768xf32, #tpu.memory_space<hbm>> -> memref<64x768xf32, #tpu.memory_space<hbm>>
    %dma_start3A_244 = arith.constant 0 : i32
    %dma_start3A_245 = tpu.memref_slice %arg4[%mul3A_241, %dma_start3A_244] : memref<18496x768xf32, #tpu.memory_space<hbm>> -> memref<64x768xf32, #tpu.memory_space<hbm>>
    tpu.enqueue_dma source(%arg7 : memref<64x768xf32, #tpu.memory_space<vmem>>) target(%dma_start3A_245 : memref<64x768xf32, #tpu.memory_space<hbm>>) target_semaphore(%arg11 : memref<!tpu.dma_semaphore, #tpu.memory_space<semaphore_mem>>)
    %add3A_246 = arith.constant 8 : i32
    %add3A_247 = arith.addi %select_n3A, %add3A_246 : i32
    %add3A_248 = arith.constant 1 : i32
    %add3A_249 = arith.addi %add3A_247, %add3A_248 : i32
    %lt3A = arith.cmpi slt, %add3A_249, %select_n3A_46 : i32
    %convert_element_type3A = arith.extui %lt3A : i1 to i32
    %cond3A = arith.constant 0 : i32
    %cond3A_250 = arith.cmpi ne, %convert_element_type3A, %cond3A : i32
    scf.if %cond3A_250 {
      %dma_wait3A_283 = arith.constant 0 : i32
      %dma_wait3A_284 = arith.constant 0 : i32
      %dma_wait3A_285 = tpu.memref_slice %arg4[%dma_wait3A_283, %dma_wait3A_284] : memref<18496x768xf32, #tpu.memory_space<hbm>> -> memref<64x768xf32, #tpu.memory_space<hbm>>
      %dma_wait3A_286 = arith.constant 0 : i32
      %dma_wait3A_287 = arith.constant 0 : i32
      %dma_wait3A_288 = tpu.memref_slice %arg4[%dma_wait3A_286, %dma_wait3A_287] : memref<18496x768xf32, #tpu.memory_space<hbm>> -> memref<64x768xf32, #tpu.memory_space<hbm>>
      tpu.wait_dma2 semaphore(%arg11 : memref<!tpu.dma_semaphore, #tpu.memory_space<semaphore_mem>>) src(%arg7 : memref<64x768xf32, #tpu.memory_space<vmem>>) dst(%dma_wait3A_288 : memref<64x768xf32, #tpu.memory_space<hbm>>)
      %dma_start3A_289 = arith.constant 576 : i32
      %dma_start3A_290 = tpu.memref_slice %arg5[%dma_start3A_289] : memref<640xi32, #tpu.memory_space<vmem>> -> memref<64xi32, #tpu.memory_space<vmem>>
      %dma_start3A_291 = arith.constant 0 : i32
      %dma_start3A_292 = arith.constant 0 : i32
      %dma_start3A_293 = tpu.memref_slice %arg2[%dma_start3A_291, %dma_start3A_292] : memref<36928x768xf32, #tpu.memory_space<hbm>> -> memref<36928x768xf32, #tpu.memory_space<hbm>>
      tpu.enqueue_indirect_dma source(%dma_start3A_293 : memref<36928x768xf32, #tpu.memory_space<hbm>>) target(%arg7 : memref<64x768xf32, #tpu.memory_space<vmem>>) offsets(%dma_start3A_290 : memref<64xi32, #tpu.memory_space<vmem>>) semaphore(%arg9 : memref<!tpu.dma_semaphore, #tpu.memory_space<semaphore_mem>>)
    } else {
    }
    %dma_wait3A_251 = arith.constant 0 : i32
    %dma_wait3A_252 = arith.constant 0 : i32
    %dma_wait3A_253 = tpu.memref_slice %arg2[%dma_wait3A_251, %dma_wait3A_252] : memref<36928x768xf32, #tpu.memory_space<hbm>> -> memref<64x768xf32, #tpu.memory_space<hbm>>
    %dma_wait3A_254 = arith.constant 0 : i32
    %dma_wait3A_255 = arith.constant 0 : i32
    %dma_wait3A_256 = tpu.memref_slice %arg2[%dma_wait3A_254, %dma_wait3A_255] : memref<36928x768xf32, #tpu.memory_space<hbm>> -> memref<64x768xf32, #tpu.memory_space<hbm>>
    tpu.wait_dma2 semaphore(%arg8 : memref<!tpu.dma_semaphore, #tpu.memory_space<semaphore_mem>>) src(%dma_wait3A_256 : memref<64x768xf32, #tpu.memory_space<hbm>>) dst(%arg6 : memref<64x768xf32, #tpu.memory_space<vmem>>)
    %add3A_257 = arith.constant 8 : i32
    %add3A_258 = arith.addi %select_n3A, %add3A_257 : i32
    %mul3A_259 = arith.constant 64 : i32
    %mul3A_260 = arith.muli %add3A_258, %mul3A_259 : i32
    %dma_start3A_261 = arith.constant 0 : i32
    %dma_start3A_262 = tpu.memref_slice %arg4[%mul3A_260, %dma_start3A_261] : memref<18496x768xf32, #tpu.memory_space<hbm>> -> memref<64x768xf32, #tpu.memory_space<hbm>>
    %dma_start3A_263 = arith.constant 0 : i32
    %dma_start3A_264 = tpu.memref_slice %arg4[%mul3A_260, %dma_start3A_263] : memref<18496x768xf32, #tpu.memory_space<hbm>> -> memref<64x768xf32, #tpu.memory_space<hbm>>
    tpu.enqueue_dma source(%arg6 : memref<64x768xf32, #tpu.memory_space<vmem>>) target(%dma_start3A_264 : memref<64x768xf32, #tpu.memory_space<hbm>>) target_semaphore(%arg10 : memref<!tpu.dma_semaphore, #tpu.memory_space<semaphore_mem>>)
    %add3A_265 = arith.constant 9 : i32
    %add3A_266 = arith.addi %select_n3A, %add3A_265 : i32
    %lt3A_267 = arith.cmpi slt, %add3A_266, %select_n3A_46 : i32
    %convert_element_type3A_268 = arith.extui %lt3A_267 : i1 to i32
    %cond3A_269 = arith.constant 0 : i32
    %cond3A_270 = arith.cmpi ne, %convert_element_type3A_268, %cond3A_269 : i32
    scf.if %cond3A_270 {
      %dma_wait3A_283 = arith.constant 0 : i32
      %dma_wait3A_284 = arith.constant 0 : i32
      %dma_wait3A_285 = tpu.memref_slice %arg2[%dma_wait3A_283, %dma_wait3A_284] : memref<36928x768xf32, #tpu.memory_space<hbm>> -> memref<64x768xf32, #tpu.memory_space<hbm>>
      %dma_wait3A_286 = arith.constant 0 : i32
      %dma_wait3A_287 = arith.constant 0 : i32
      %dma_wait3A_288 = tpu.memref_slice %arg2[%dma_wait3A_286, %dma_wait3A_287] : memref<36928x768xf32, #tpu.memory_space<hbm>> -> memref<64x768xf32, #tpu.memory_space<hbm>>
      tpu.wait_dma2 semaphore(%arg9 : memref<!tpu.dma_semaphore, #tpu.memory_space<semaphore_mem>>) src(%dma_wait3A_288 : memref<64x768xf32, #tpu.memory_space<hbm>>) dst(%arg7 : memref<64x768xf32, #tpu.memory_space<vmem>>)
      %add3A_289 = arith.constant 9 : i32
      %add3A_290 = arith.addi %select_n3A, %add3A_289 : i32
      %mul3A_291 = arith.constant 64 : i32
      %mul3A_292 = arith.muli %add3A_290, %mul3A_291 : i32
      %dma_start3A_293 = arith.constant 0 : i32
      %dma_start3A_294 = tpu.memref_slice %arg4[%mul3A_292, %dma_start3A_293] : memref<18496x768xf32, #tpu.memory_space<hbm>> -> memref<64x768xf32, #tpu.memory_space<hbm>>
      %dma_start3A_295 = arith.constant 0 : i32
      %dma_start3A_296 = tpu.memref_slice %arg4[%mul3A_292, %dma_start3A_295] : memref<18496x768xf32, #tpu.memory_space<hbm>> -> memref<64x768xf32, #tpu.memory_space<hbm>>
      tpu.enqueue_dma source(%arg7 : memref<64x768xf32, #tpu.memory_space<vmem>>) target(%dma_start3A_296 : memref<64x768xf32, #tpu.memory_space<hbm>>) target_semaphore(%arg11 : memref<!tpu.dma_semaphore, #tpu.memory_space<semaphore_mem>>)
    } else {
    }
    %dma_wait3A_271 = arith.constant 0 : i32
    %dma_wait3A_272 = arith.constant 0 : i32
    %dma_wait3A_273 = tpu.memref_slice %arg4[%dma_wait3A_271, %dma_wait3A_272] : memref<18496x768xf32, #tpu.memory_space<hbm>> -> memref<64x768xf32, #tpu.memory_space<hbm>>
    %dma_wait3A_274 = arith.constant 0 : i32
    %dma_wait3A_275 = arith.constant 0 : i32
    %dma_wait3A_276 = tpu.memref_slice %arg4[%dma_wait3A_274, %dma_wait3A_275] : memref<18496x768xf32, #tpu.memory_space<hbm>> -> memref<64x768xf32, #tpu.memory_space<hbm>>
    tpu.wait_dma2 semaphore(%arg10 : memref<!tpu.dma_semaphore, #tpu.memory_space<semaphore_mem>>) src(%arg6 : memref<64x768xf32, #tpu.memory_space<vmem>>) dst(%dma_wait3A_276 : memref<64x768xf32, #tpu.memory_space<hbm>>)
    %dma_wait3A_277 = arith.constant 0 : i32
    %dma_wait3A_278 = arith.constant 0 : i32
    %dma_wait3A_279 = tpu.memref_slice %arg4[%dma_wait3A_277, %dma_wait3A_278] : memref<18496x768xf32, #tpu.memory_space<hbm>> -> memref<64x768xf32, #tpu.memory_space<hbm>>
    %dma_wait3A_280 = arith.constant 0 : i32
    %dma_wait3A_281 = arith.constant 0 : i32
    %dma_wait3A_282 = tpu.memref_slice %arg4[%dma_wait3A_280, %dma_wait3A_281] : memref<18496x768xf32, #tpu.memory_space<hbm>> -> memref<64x768xf32, #tpu.memory_space<hbm>>
    tpu.wait_dma2 semaphore(%arg11 : memref<!tpu.dma_semaphore, #tpu.memory_space<semaphore_mem>>) src(%arg7 : memref<64x768xf32, #tpu.memory_space<vmem>>) dst(%dma_wait3A_282 : memref<64x768xf32, #tpu.memory_space<hbm>>)
    return
  }
}

module attributes {stable_mosaic.version = 14 : i64} {
  func.func @_rank_body(%arg0: i32, %arg1: memref<64x576xf32, #tpu.memory_space<vmem>>, %arg2: memref<576x64xf32, #tpu.memory_space<vmem>>, %arg3: memref<16x1x296xi32, #tpu.memory_space<vmem>>) attributes {dimension_semantics = [#tpu.dimension_semantics<arbitrary>], iteration_bounds = array<i64: 4>, scalar_prefetch = 0 : i64, scratch_operands = 0 : i64, tpu.core_type = #tpu.core_type<tc>, window_params = [{pipeline_mode = #tpu.pipeline_mode<synchronous>, transform_indices = @transform_0, window_bounds = array<i64: 64, 576>}, {pipeline_mode = #tpu.pipeline_mode<synchronous>, transform_indices = @transform_1, window_bounds = array<i64: 576, 64>}, {transform_indices = @transform_2, window_bounds = array<i64: 16, 1, 296>}]} {
    %iota3A = tpu.iota {dimensions = array<i32: 0>} : vector<576x576xi32>
    %iota3A_0 = tpu.iota {dimensions = array<i32: 1>} : vector<576x576xi32>
    %lt3A = arith.cmpi slt, %iota3A_0, %iota3A : vector<576x576xi32>
    %iota3A_1 = tpu.iota {dimensions = array<i32: 1>} : vector<576x296xi32>
    %iota3A_2 = tpu.iota {dimensions = array<i32: 0>} : vector<576x296xi32>
    %add3A = arith.constant 1 : i32
    %add3A_3 = vector.broadcast %add3A : i32 to vector<576x296xi32>
    %add3A_4 = arith.addi %iota3A_2, %add3A_3 : vector<576x296xi32>
    %mul3A = arith.constant 16 : i32
    %mul3A_5 = arith.muli %arg0, %mul3A : i32
    %add3A_6 = arith.constant 0 : i32
    %add3A_7 = arith.addi %mul3A_5, %add3A_6 : i32
    %iota3A_8 = tpu.iota {dimensions = array<i32: 0>} : vector<64x576xi32>
    %eq3A = vector.broadcast %add3A_7 : i32 to vector<64x576xi32>
    %eq3A_9 = arith.cmpi eq, %iota3A_8, %eq3A : vector<64x576xi32>
    %get3A = arith.constant 0 : index
    %get3A_10 = arith.constant 0 : index
    %get3A_11 = vector.load %arg1[%get3A, %get3A_10] : memref<64x576xf32, #tpu.memory_space<vmem>>, vector<64x576xf32>
    %jit3A = arith.constant 0.000000e+00 : f32
    %broadcast_in_dim3A = vector.broadcast %jit3A : f32 to vector<64x576xf32>
    %select_n3A = arith.select %eq3A_9, %get3A_11, %broadcast_in_dim3A : vector<64x576xi1>, vector<64x576xf32>
    %reduce_sum3A = arith.constant dense<0.000000e+00> : vector<576xf32>
    %reduce_sum3A_12 = vector.multi_reduction <add>, %select_n3A, %reduce_sum3A [0] : vector<64x576xf32> to vector<576xf32>
    %broadcast_in_dim3A_13 = vector.shape_cast %reduce_sum3A_12 : vector<576xf32> to vector<1x576xf32>
    %iota3A_14 = tpu.iota {dimensions = array<i32: 1>} : vector<576x64xi32>
    %eq3A_15 = vector.broadcast %add3A_7 : i32 to vector<576x64xi32>
    %eq3A_16 = arith.cmpi eq, %iota3A_14, %eq3A_15 : vector<576x64xi32>
    %get3A_17 = arith.constant 0 : index
    %get3A_18 = arith.constant 0 : index
    %get3A_19 = vector.load %arg2[%get3A_17, %get3A_18] : memref<576x64xf32, #tpu.memory_space<vmem>>, vector<576x64xf32>
    %jit3A_20 = arith.constant 0.000000e+00 : f32
    %broadcast_in_dim3A_21 = vector.broadcast %jit3A_20 : f32 to vector<576x64xf32>
    %select_n3A_22 = arith.select %eq3A_16, %get3A_19, %broadcast_in_dim3A_21 : vector<576x64xi1>, vector<576x64xf32>
    %reduce_sum3A_23 = arith.constant dense<0.000000e+00> : vector<576xf32>
    %reduce_sum3A_24 = vector.multi_reduction <add>, %select_n3A_22, %reduce_sum3A_23 [1] : vector<576x64xf32> to vector<576xf32>
    %broadcast_in_dim3A_25 = vector.shape_cast %reduce_sum3A_24 : vector<576xf32> to vector<576x1xf32>
    %lt3A_26 = vector.broadcast %broadcast_in_dim3A_13 : vector<1x576xf32> to vector<576x576xf32>
    %lt3A_27 = vector.broadcast %broadcast_in_dim3A_25 : vector<576x1xf32> to vector<576x576xf32>
    %lt3A_28 = arith.cmpf olt, %lt3A_26, %lt3A_27 : vector<576x576xf32>
    %eq3A_29 = vector.broadcast %broadcast_in_dim3A_13 : vector<1x576xf32> to vector<576x576xf32>
    %eq3A_30 = vector.broadcast %broadcast_in_dim3A_25 : vector<576x1xf32> to vector<576x576xf32>
    %eq3A_31 = arith.cmpf oeq, %eq3A_29, %eq3A_30 : vector<576x576xf32>
    %and3A = arith.andi %eq3A_31, %lt3A : vector<576x576xi1>
    %or3A = arith.ori %lt3A_28, %and3A : vector<576x576xi1>
    %jit3A_32 = arith.constant 1 : i32
    %jit3A_33 = arith.constant 0 : i32
    %broadcast_in_dim3A_34 = vector.broadcast %jit3A_32 : i32 to vector<576x576xi32>
    %broadcast_in_dim3A_35 = vector.broadcast %jit3A_33 : i32 to vector<576x576xi32>
    %select_n3A_36 = arith.select %or3A, %broadcast_in_dim3A_34, %broadcast_in_dim3A_35 : vector<576x576xi1>, vector<576x576xi32>
    %reduce_sum3A_37 = arith.constant dense<0> : vector<576xi32>
    %reduce_sum3A_38 = vector.multi_reduction <add>, %select_n3A_36, %reduce_sum3A_37 [1] : vector<576x576xi32> to vector<576xi32>
    %broadcast_in_dim3A_39 = vector.shape_cast %reduce_sum3A_38 : vector<576xi32> to vector<576x1xi32>
    %sub3A = arith.constant 1 : i32
    %sub3A_40 = vector.broadcast %sub3A : i32 to vector<576x296xi32>
    %sub3A_41 = arith.subi %iota3A_1, %sub3A_40 : vector<576x296xi32>
    %eq3A_42 = vector.broadcast %broadcast_in_dim3A_39 : vector<576x1xi32> to vector<576x296xi32>
    %eq3A_43 = arith.cmpi eq, %eq3A_42, %sub3A_41 : vector<576x296xi32>
    %jit3A_44 = arith.constant 0 : i32
    %broadcast_in_dim3A_45 = vector.broadcast %jit3A_44 : i32 to vector<576x296xi32>
    %select_n3A_46 = arith.select %eq3A_43, %add3A_4, %broadcast_in_dim3A_45 : vector<576x296xi1>, vector<576x296xi32>
    %reduce_sum3A_47 = arith.constant dense<0> : vector<296xi32>
    %reduce_sum3A_48 = vector.multi_reduction <add>, %select_n3A_46, %reduce_sum3A_47 [0] : vector<576x296xi32> to vector<296xi32>
    %broadcast_in_dim3A_49 = vector.shape_cast %reduce_sum3A_48 : vector<296xi32> to vector<1x296xi32>
    %swap3A = arith.constant 0 : index
    %swap3A_50 = arith.constant 0 : index
    %swap3A_51 = arith.constant 0 : index
    %swap3A_52 = vector.load %arg3[%swap3A, %swap3A_50, %swap3A_51] : memref<16x1x296xi32, #tpu.memory_space<vmem>>, vector<1x1x296xi32>
    %swap3A_53 = vector.shape_cast %swap3A_52 : vector<1x1x296xi32> to vector<1x296xi32>
    %swap3A_54 = vector.shape_cast %broadcast_in_dim3A_49 : vector<1x296xi32> to vector<1x1x296xi32>
    tpu.vector_store %arg3[%swap3A, %swap3A_50, %swap3A_51], %swap3A_54 {strides = array<i32>} : memref<16x1x296xi32, #tpu.memory_space<vmem>>, vector<1x1x296xi32>,
    %mul3A_55 = arith.constant 16 : i32
    %mul3A_56 = arith.muli %arg0, %mul3A_55 : i32
    %add3A_57 = arith.constant 1 : i32
    %add3A_58 = arith.addi %mul3A_56, %add3A_57 : i32
    %iota3A_59 = tpu.iota {dimensions = array<i32: 0>} : vector<64x576xi32>
    %eq3A_60 = vector.broadcast %add3A_58 : i32 to vector<64x576xi32>
    %eq3A_61 = arith.cmpi eq, %iota3A_59, %eq3A_60 : vector<64x576xi32>
    %get3A_62 = arith.constant 0 : index
    %get3A_63 = arith.constant 0 : index
    %get3A_64 = vector.load %arg1[%get3A_62, %get3A_63] : memref<64x576xf32, #tpu.memory_space<vmem>>, vector<64x576xf32>
    %jit3A_65 = arith.constant 0.000000e+00 : f32
    %broadcast_in_dim3A_66 = vector.broadcast %jit3A_65 : f32 to vector<64x576xf32>
    %select_n3A_67 = arith.select %eq3A_61, %get3A_64, %broadcast_in_dim3A_66 : vector<64x576xi1>, vector<64x576xf32>
    %reduce_sum3A_68 = arith.constant dense<0.000000e+00> : vector<576xf32>
    %reduce_sum3A_69 = vector.multi_reduction <add>, %select_n3A_67, %reduce_sum3A_68 [0] : vector<64x576xf32> to vector<576xf32>
    %broadcast_in_dim3A_70 = vector.shape_cast %reduce_sum3A_69 : vector<576xf32> to vector<1x576xf32>
    %iota3A_71 = tpu.iota {dimensions = array<i32: 1>} : vector<576x64xi32>
    %eq3A_72 = vector.broadcast %add3A_58 : i32 to vector<576x64xi32>
    %eq3A_73 = arith.cmpi eq, %iota3A_71, %eq3A_72 : vector<576x64xi32>
    %get3A_74 = arith.constant 0 : index
    %get3A_75 = arith.constant 0 : index
    %get3A_76 = vector.load %arg2[%get3A_74, %get3A_75] : memref<576x64xf32, #tpu.memory_space<vmem>>, vector<576x64xf32>
    %jit3A_77 = arith.constant 0.000000e+00 : f32
    %broadcast_in_dim3A_78 = vector.broadcast %jit3A_77 : f32 to vector<576x64xf32>
    %select_n3A_79 = arith.select %eq3A_73, %get3A_76, %broadcast_in_dim3A_78 : vector<576x64xi1>, vector<576x64xf32>
    %reduce_sum3A_80 = arith.constant dense<0.000000e+00> : vector<576xf32>
    %reduce_sum3A_81 = vector.multi_reduction <add>, %select_n3A_79, %reduce_sum3A_80 [1] : vector<576x64xf32> to vector<576xf32>
    %broadcast_in_dim3A_82 = vector.shape_cast %reduce_sum3A_81 : vector<576xf32> to vector<576x1xf32>
    %lt3A_83 = vector.broadcast %broadcast_in_dim3A_70 : vector<1x576xf32> to vector<576x576xf32>
    %lt3A_84 = vector.broadcast %broadcast_in_dim3A_82 : vector<576x1xf32> to vector<576x576xf32>
    %lt3A_85 = arith.cmpf olt, %lt3A_83, %lt3A_84 : vector<576x576xf32>
    %eq3A_86 = vector.broadcast %broadcast_in_dim3A_70 : vector<1x576xf32> to vector<576x576xf32>
    %eq3A_87 = vector.broadcast %broadcast_in_dim3A_82 : vector<576x1xf32> to vector<576x576xf32>
    %eq3A_88 = arith.cmpf oeq, %eq3A_86, %eq3A_87 : vector<576x576xf32>
    %and3A_89 = arith.andi %eq3A_88, %lt3A : vector<576x576xi1>
    %or3A_90 = arith.ori %lt3A_85, %and3A_89 : vector<576x576xi1>
    %jit3A_91 = arith.constant 1 : i32
    %jit3A_92 = arith.constant 0 : i32
    %broadcast_in_dim3A_93 = vector.broadcast %jit3A_91 : i32 to vector<576x576xi32>
    %broadcast_in_dim3A_94 = vector.broadcast %jit3A_92 : i32 to vector<576x576xi32>
    %select_n3A_95 = arith.select %or3A_90, %broadcast_in_dim3A_93, %broadcast_in_dim3A_94 : vector<576x576xi1>, vector<576x576xi32>
    %reduce_sum3A_96 = arith.constant dense<0> : vector<576xi32>
    %reduce_sum3A_97 = vector.multi_reduction <add>, %select_n3A_95, %reduce_sum3A_96 [1] : vector<576x576xi32> to vector<576xi32>
    %broadcast_in_dim3A_98 = vector.shape_cast %reduce_sum3A_97 : vector<576xi32> to vector<576x1xi32>
    %sub3A_99 = arith.constant 1 : i32
    %sub3A_100 = vector.broadcast %sub3A_99 : i32 to vector<576x296xi32>
    %sub3A_101 = arith.subi %iota3A_1, %sub3A_100 : vector<576x296xi32>
    %eq3A_102 = vector.broadcast %broadcast_in_dim3A_98 : vector<576x1xi32> to vector<576x296xi32>
    %eq3A_103 = arith.cmpi eq, %eq3A_102, %sub3A_101 : vector<576x296xi32>
    %jit3A_104 = arith.constant 0 : i32
    %broadcast_in_dim3A_105 = vector.broadcast %jit3A_104 : i32 to vector<576x296xi32>
    %select_n3A_106 = arith.select %eq3A_103, %add3A_4, %broadcast_in_dim3A_105 : vector<576x296xi1>, vector<576x296xi32>
    %reduce_sum3A_107 = arith.constant dense<0> : vector<296xi32>
    %reduce_sum3A_108 = vector.multi_reduction <add>, %select_n3A_106, %reduce_sum3A_107 [0] : vector<576x296xi32> to vector<296xi32>
    %broadcast_in_dim3A_109 = vector.shape_cast %reduce_sum3A_108 : vector<296xi32> to vector<1x296xi32>
    %swap3A_110 = arith.constant 1 : index
    %swap3A_111 = arith.constant 0 : index
    %swap3A_112 = arith.constant 0 : index
    %swap3A_113 = vector.load %arg3[%swap3A_110, %swap3A_111, %swap3A_112] : memref<16x1x296xi32, #tpu.memory_space<vmem>>, vector<1x1x296xi32>
    %swap3A_114 = vector.shape_cast %swap3A_113 : vector<1x1x296xi32> to vector<1x296xi32>
    %swap3A_115 = vector.shape_cast %broadcast_in_dim3A_109 : vector<1x296xi32> to vector<1x1x296xi32>
    tpu.vector_store %arg3[%swap3A_110, %swap3A_111, %swap3A_112], %swap3A_115 {strides = array<i32>} : memref<16x1x296xi32, #tpu.memory_space<vmem>>, vector<1x1x296xi32>,
    %mul3A_116 = arith.constant 16 : i32
    %mul3A_117 = arith.muli %arg0, %mul3A_116 : i32
    %add3A_118 = arith.constant 2 : i32
    %add3A_119 = arith.addi %mul3A_117, %add3A_118 : i32
    %iota3A_120 = tpu.iota {dimensions = array<i32: 0>} : vector<64x576xi32>
    %eq3A_121 = vector.broadcast %add3A_119 : i32 to vector<64x576xi32>
    %eq3A_122 = arith.cmpi eq, %iota3A_120, %eq3A_121 : vector<64x576xi32>
    %get3A_123 = arith.constant 0 : index
    %get3A_124 = arith.constant 0 : index
    %get3A_125 = vector.load %arg1[%get3A_123, %get3A_124] : memref<64x576xf32, #tpu.memory_space<vmem>>, vector<64x576xf32>
    %jit3A_126 = arith.constant 0.000000e+00 : f32
    %broadcast_in_dim3A_127 = vector.broadcast %jit3A_126 : f32 to vector<64x576xf32>
    %select_n3A_128 = arith.select %eq3A_122, %get3A_125, %broadcast_in_dim3A_127 : vector<64x576xi1>, vector<64x576xf32>
    %reduce_sum3A_129 = arith.constant dense<0.000000e+00> : vector<576xf32>
    %reduce_sum3A_130 = vector.multi_reduction <add>, %select_n3A_128, %reduce_sum3A_129 [0] : vector<64x576xf32> to vector<576xf32>
    %broadcast_in_dim3A_131 = vector.shape_cast %reduce_sum3A_130 : vector<576xf32> to vector<1x576xf32>
    %iota3A_132 = tpu.iota {dimensions = array<i32: 1>} : vector<576x64xi32>
    %eq3A_133 = vector.broadcast %add3A_119 : i32 to vector<576x64xi32>
    %eq3A_134 = arith.cmpi eq, %iota3A_132, %eq3A_133 : vector<576x64xi32>
    %get3A_135 = arith.constant 0 : index
    %get3A_136 = arith.constant 0 : index
    %get3A_137 = vector.load %arg2[%get3A_135, %get3A_136] : memref<576x64xf32, #tpu.memory_space<vmem>>, vector<576x64xf32>
    %jit3A_138 = arith.constant 0.000000e+00 : f32
    %broadcast_in_dim3A_139 = vector.broadcast %jit3A_138 : f32 to vector<576x64xf32>
    %select_n3A_140 = arith.select %eq3A_134, %get3A_137, %broadcast_in_dim3A_139 : vector<576x64xi1>, vector<576x64xf32>
    %reduce_sum3A_141 = arith.constant dense<0.000000e+00> : vector<576xf32>
    %reduce_sum3A_142 = vector.multi_reduction <add>, %select_n3A_140, %reduce_sum3A_141 [1] : vector<576x64xf32> to vector<576xf32>
    %broadcast_in_dim3A_143 = vector.shape_cast %reduce_sum3A_142 : vector<576xf32> to vector<576x1xf32>
    %lt3A_144 = vector.broadcast %broadcast_in_dim3A_131 : vector<1x576xf32> to vector<576x576xf32>
    %lt3A_145 = vector.broadcast %broadcast_in_dim3A_143 : vector<576x1xf32> to vector<576x576xf32>
    %lt3A_146 = arith.cmpf olt, %lt3A_144, %lt3A_145 : vector<576x576xf32>
    %eq3A_147 = vector.broadcast %broadcast_in_dim3A_131 : vector<1x576xf32> to vector<576x576xf32>
    %eq3A_148 = vector.broadcast %broadcast_in_dim3A_143 : vector<576x1xf32> to vector<576x576xf32>
    %eq3A_149 = arith.cmpf oeq, %eq3A_147, %eq3A_148 : vector<576x576xf32>
    %and3A_150 = arith.andi %eq3A_149, %lt3A : vector<576x576xi1>
    %or3A_151 = arith.ori %lt3A_146, %and3A_150 : vector<576x576xi1>
    %jit3A_152 = arith.constant 1 : i32
    %jit3A_153 = arith.constant 0 : i32
    %broadcast_in_dim3A_154 = vector.broadcast %jit3A_152 : i32 to vector<576x576xi32>
    %broadcast_in_dim3A_155 = vector.broadcast %jit3A_153 : i32 to vector<576x576xi32>
    %select_n3A_156 = arith.select %or3A_151, %broadcast_in_dim3A_154, %broadcast_in_dim3A_155 : vector<576x576xi1>, vector<576x576xi32>
    %reduce_sum3A_157 = arith.constant dense<0> : vector<576xi32>
    %reduce_sum3A_158 = vector.multi_reduction <add>, %select_n3A_156, %reduce_sum3A_157 [1] : vector<576x576xi32> to vector<576xi32>
    %broadcast_in_dim3A_159 = vector.shape_cast %reduce_sum3A_158 : vector<576xi32> to vector<576x1xi32>
    %sub3A_160 = arith.constant 1 : i32
    %sub3A_161 = vector.broadcast %sub3A_160 : i32 to vector<576x296xi32>
    %sub3A_162 = arith.subi %iota3A_1, %sub3A_161 : vector<576x296xi32>
    %eq3A_163 = vector.broadcast %broadcast_in_dim3A_159 : vector<576x1xi32> to vector<576x296xi32>
    %eq3A_164 = arith.cmpi eq, %eq3A_163, %sub3A_162 : vector<576x296xi32>
    %jit3A_165 = arith.constant 0 : i32
    %broadcast_in_dim3A_166 = vector.broadcast %jit3A_165 : i32 to vector<576x296xi32>
    %select_n3A_167 = arith.select %eq3A_164, %add3A_4, %broadcast_in_dim3A_166 : vector<576x296xi1>, vector<576x296xi32>
    %reduce_sum3A_168 = arith.constant dense<0> : vector<296xi32>
    %reduce_sum3A_169 = vector.multi_reduction <add>, %select_n3A_167, %reduce_sum3A_168 [0] : vector<576x296xi32> to vector<296xi32>
    %broadcast_in_dim3A_170 = vector.shape_cast %reduce_sum3A_169 : vector<296xi32> to vector<1x296xi32>
    %swap3A_171 = arith.constant 2 : index
    %swap3A_172 = arith.constant 0 : index
    %swap3A_173 = arith.constant 0 : index
    %swap3A_174 = vector.load %arg3[%swap3A_171, %swap3A_172, %swap3A_173] : memref<16x1x296xi32, #tpu.memory_space<vmem>>, vector<1x1x296xi32>
    %swap3A_175 = vector.shape_cast %swap3A_174 : vector<1x1x296xi32> to vector<1x296xi32>
    %swap3A_176 = vector.shape_cast %broadcast_in_dim3A_170 : vector<1x296xi32> to vector<1x1x296xi32>
    tpu.vector_store %arg3[%swap3A_171, %swap3A_172, %swap3A_173], %swap3A_176 {strides = array<i32>} : memref<16x1x296xi32, #tpu.memory_space<vmem>>, vector<1x1x296xi32>,
    %mul3A_177 = arith.constant 16 : i32
    %mul3A_178 = arith.muli %arg0, %mul3A_177 : i32
    %add3A_179 = arith.constant 3 : i32
    %add3A_180 = arith.addi %mul3A_178, %add3A_179 : i32
    %iota3A_181 = tpu.iota {dimensions = array<i32: 0>} : vector<64x576xi32>
    %eq3A_182 = vector.broadcast %add3A_180 : i32 to vector<64x576xi32>
    %eq3A_183 = arith.cmpi eq, %iota3A_181, %eq3A_182 : vector<64x576xi32>
    %get3A_184 = arith.constant 0 : index
    %get3A_185 = arith.constant 0 : index
    %get3A_186 = vector.load %arg1[%get3A_184, %get3A_185] : memref<64x576xf32, #tpu.memory_space<vmem>>, vector<64x576xf32>
    %jit3A_187 = arith.constant 0.000000e+00 : f32
    %broadcast_in_dim3A_188 = vector.broadcast %jit3A_187 : f32 to vector<64x576xf32>
    %select_n3A_189 = arith.select %eq3A_183, %get3A_186, %broadcast_in_dim3A_188 : vector<64x576xi1>, vector<64x576xf32>
    %reduce_sum3A_190 = arith.constant dense<0.000000e+00> : vector<576xf32>
    %reduce_sum3A_191 = vector.multi_reduction <add>, %select_n3A_189, %reduce_sum3A_190 [0] : vector<64x576xf32> to vector<576xf32>
    %broadcast_in_dim3A_192 = vector.shape_cast %reduce_sum3A_191 : vector<576xf32> to vector<1x576xf32>
    %iota3A_193 = tpu.iota {dimensions = array<i32: 1>} : vector<576x64xi32>
    %eq3A_194 = vector.broadcast %add3A_180 : i32 to vector<576x64xi32>
    %eq3A_195 = arith.cmpi eq, %iota3A_193, %eq3A_194 : vector<576x64xi32>
    %get3A_196 = arith.constant 0 : index
    %get3A_197 = arith.constant 0 : index
    %get3A_198 = vector.load %arg2[%get3A_196, %get3A_197] : memref<576x64xf32, #tpu.memory_space<vmem>>, vector<576x64xf32>
    %jit3A_199 = arith.constant 0.000000e+00 : f32
    %broadcast_in_dim3A_200 = vector.broadcast %jit3A_199 : f32 to vector<576x64xf32>
    %select_n3A_201 = arith.select %eq3A_195, %get3A_198, %broadcast_in_dim3A_200 : vector<576x64xi1>, vector<576x64xf32>
    %reduce_sum3A_202 = arith.constant dense<0.000000e+00> : vector<576xf32>
    %reduce_sum3A_203 = vector.multi_reduction <add>, %select_n3A_201, %reduce_sum3A_202 [1] : vector<576x64xf32> to vector<576xf32>
    %broadcast_in_dim3A_204 = vector.shape_cast %reduce_sum3A_203 : vector<576xf32> to vector<576x1xf32>
    %lt3A_205 = vector.broadcast %broadcast_in_dim3A_192 : vector<1x576xf32> to vector<576x576xf32>
    %lt3A_206 = vector.broadcast %broadcast_in_dim3A_204 : vector<576x1xf32> to vector<576x576xf32>
    %lt3A_207 = arith.cmpf olt, %lt3A_205, %lt3A_206 : vector<576x576xf32>
    %eq3A_208 = vector.broadcast %broadcast_in_dim3A_192 : vector<1x576xf32> to vector<576x576xf32>
    %eq3A_209 = vector.broadcast %broadcast_in_dim3A_204 : vector<576x1xf32> to vector<576x576xf32>
    %eq3A_210 = arith.cmpf oeq, %eq3A_208, %eq3A_209 : vector<576x576xf32>
    %and3A_211 = arith.andi %eq3A_210, %lt3A : vector<576x576xi1>
    %or3A_212 = arith.ori %lt3A_207, %and3A_211 : vector<576x576xi1>
    %jit3A_213 = arith.constant 1 : i32
    %jit3A_214 = arith.constant 0 : i32
    %broadcast_in_dim3A_215 = vector.broadcast %jit3A_213 : i32 to vector<576x576xi32>
    %broadcast_in_dim3A_216 = vector.broadcast %jit3A_214 : i32 to vector<576x576xi32>
    %select_n3A_217 = arith.select %or3A_212, %broadcast_in_dim3A_215, %broadcast_in_dim3A_216 : vector<576x576xi1>, vector<576x576xi32>
    %reduce_sum3A_218 = arith.constant dense<0> : vector<576xi32>
    %reduce_sum3A_219 = vector.multi_reduction <add>, %select_n3A_217, %reduce_sum3A_218 [1] : vector<576x576xi32> to vector<576xi32>
    %broadcast_in_dim3A_220 = vector.shape_cast %reduce_sum3A_219 : vector<576xi32> to vector<576x1xi32>
    %sub3A_221 = arith.constant 1 : i32
    %sub3A_222 = vector.broadcast %sub3A_221 : i32 to vector<576x296xi32>
    %sub3A_223 = arith.subi %iota3A_1, %sub3A_222 : vector<576x296xi32>
    %eq3A_224 = vector.broadcast %broadcast_in_dim3A_220 : vector<576x1xi32> to vector<576x296xi32>
    %eq3A_225 = arith.cmpi eq, %eq3A_224, %sub3A_223 : vector<576x296xi32>
    %jit3A_226 = arith.constant 0 : i32
    %broadcast_in_dim3A_227 = vector.broadcast %jit3A_226 : i32 to vector<576x296xi32>
    %select_n3A_228 = arith.select %eq3A_225, %add3A_4, %broadcast_in_dim3A_227 : vector<576x296xi1>, vector<576x296xi32>
    %reduce_sum3A_229 = arith.constant dense<0> : vector<296xi32>
    %reduce_sum3A_230 = vector.multi_reduction <add>, %select_n3A_228, %reduce_sum3A_229 [0] : vector<576x296xi32> to vector<296xi32>
    %broadcast_in_dim3A_231 = vector.shape_cast %reduce_sum3A_230 : vector<296xi32> to vector<1x296xi32>
    %swap3A_232 = arith.constant 3 : index
    %swap3A_233 = arith.constant 0 : index
    %swap3A_234 = arith.constant 0 : index
    %swap3A_235 = vector.load %arg3[%swap3A_232, %swap3A_233, %swap3A_234] : memref<16x1x296xi32, #tpu.memory_space<vmem>>, vector<1x1x296xi32>
    %swap3A_236 = vector.shape_cast %swap3A_235 : vector<1x1x296xi32> to vector<1x296xi32>
    %swap3A_237 = vector.shape_cast %broadcast_in_dim3A_231 : vector<1x296xi32> to vector<1x1x296xi32>
    tpu.vector_store %arg3[%swap3A_232, %swap3A_233, %swap3A_234], %swap3A_237 {strides = array<i32>} : memref<16x1x296xi32, #tpu.memory_space<vmem>>, vector<1x1x296xi32>,
    %mul3A_238 = arith.constant 16 : i32
    %mul3A_239 = arith.muli %arg0, %mul3A_238 : i32
    %add3A_240 = arith.constant 4 : i32
    %add3A_241 = arith.addi %mul3A_239, %add3A_240 : i32
    %iota3A_242 = tpu.iota {dimensions = array<i32: 0>} : vector<64x576xi32>
    %eq3A_243 = vector.broadcast %add3A_241 : i32 to vector<64x576xi32>
    %eq3A_244 = arith.cmpi eq, %iota3A_242, %eq3A_243 : vector<64x576xi32>
    %get3A_245 = arith.constant 0 : index
    %get3A_246 = arith.constant 0 : index
    %get3A_247 = vector.load %arg1[%get3A_245, %get3A_246] : memref<64x576xf32, #tpu.memory_space<vmem>>, vector<64x576xf32>
    %jit3A_248 = arith.constant 0.000000e+00 : f32
    %broadcast_in_dim3A_249 = vector.broadcast %jit3A_248 : f32 to vector<64x576xf32>
    %select_n3A_250 = arith.select %eq3A_244, %get3A_247, %broadcast_in_dim3A_249 : vector<64x576xi1>, vector<64x576xf32>
    %reduce_sum3A_251 = arith.constant dense<0.000000e+00> : vector<576xf32>
    %reduce_sum3A_252 = vector.multi_reduction <add>, %select_n3A_250, %reduce_sum3A_251 [0] : vector<64x576xf32> to vector<576xf32>
    %broadcast_in_dim3A_253 = vector.shape_cast %reduce_sum3A_252 : vector<576xf32> to vector<1x576xf32>
    %iota3A_254 = tpu.iota {dimensions = array<i32: 1>} : vector<576x64xi32>
    %eq3A_255 = vector.broadcast %add3A_241 : i32 to vector<576x64xi32>
    %eq3A_256 = arith.cmpi eq, %iota3A_254, %eq3A_255 : vector<576x64xi32>
    %get3A_257 = arith.constant 0 : index
    %get3A_258 = arith.constant 0 : index
    %get3A_259 = vector.load %arg2[%get3A_257, %get3A_258] : memref<576x64xf32, #tpu.memory_space<vmem>>, vector<576x64xf32>
    %jit3A_260 = arith.constant 0.000000e+00 : f32
    %broadcast_in_dim3A_261 = vector.broadcast %jit3A_260 : f32 to vector<576x64xf32>
    %select_n3A_262 = arith.select %eq3A_256, %get3A_259, %broadcast_in_dim3A_261 : vector<576x64xi1>, vector<576x64xf32>
    %reduce_sum3A_263 = arith.constant dense<0.000000e+00> : vector<576xf32>
    %reduce_sum3A_264 = vector.multi_reduction <add>, %select_n3A_262, %reduce_sum3A_263 [1] : vector<576x64xf32> to vector<576xf32>
    %broadcast_in_dim3A_265 = vector.shape_cast %reduce_sum3A_264 : vector<576xf32> to vector<576x1xf32>
    %lt3A_266 = vector.broadcast %broadcast_in_dim3A_253 : vector<1x576xf32> to vector<576x576xf32>
    %lt3A_267 = vector.broadcast %broadcast_in_dim3A_265 : vector<576x1xf32> to vector<576x576xf32>
    %lt3A_268 = arith.cmpf olt, %lt3A_266, %lt3A_267 : vector<576x576xf32>
    %eq3A_269 = vector.broadcast %broadcast_in_dim3A_253 : vector<1x576xf32> to vector<576x576xf32>
    %eq3A_270 = vector.broadcast %broadcast_in_dim3A_265 : vector<576x1xf32> to vector<576x576xf32>
    %eq3A_271 = arith.cmpf oeq, %eq3A_269, %eq3A_270 : vector<576x576xf32>
    %and3A_272 = arith.andi %eq3A_271, %lt3A : vector<576x576xi1>
    %or3A_273 = arith.ori %lt3A_268, %and3A_272 : vector<576x576xi1>
    %jit3A_274 = arith.constant 1 : i32
    %jit3A_275 = arith.constant 0 : i32
    %broadcast_in_dim3A_276 = vector.broadcast %jit3A_274 : i32 to vector<576x576xi32>
    %broadcast_in_dim3A_277 = vector.broadcast %jit3A_275 : i32 to vector<576x576xi32>
    %select_n3A_278 = arith.select %or3A_273, %broadcast_in_dim3A_276, %broadcast_in_dim3A_277 : vector<576x576xi1>, vector<576x576xi32>
    %reduce_sum3A_279 = arith.constant dense<0> : vector<576xi32>
    %reduce_sum3A_280 = vector.multi_reduction <add>, %select_n3A_278, %reduce_sum3A_279 [1] : vector<576x576xi32> to vector<576xi32>
    %broadcast_in_dim3A_281 = vector.shape_cast %reduce_sum3A_280 : vector<576xi32> to vector<576x1xi32>
    %sub3A_282 = arith.constant 1 : i32
    %sub3A_283 = vector.broadcast %sub3A_282 : i32 to vector<576x296xi32>
    %sub3A_284 = arith.subi %iota3A_1, %sub3A_283 : vector<576x296xi32>
    %eq3A_285 = vector.broadcast %broadcast_in_dim3A_281 : vector<576x1xi32> to vector<576x296xi32>
    %eq3A_286 = arith.cmpi eq, %eq3A_285, %sub3A_284 : vector<576x296xi32>
    %jit3A_287 = arith.constant 0 : i32
    %broadcast_in_dim3A_288 = vector.broadcast %jit3A_287 : i32 to vector<576x296xi32>
    %select_n3A_289 = arith.select %eq3A_286, %add3A_4, %broadcast_in_dim3A_288 : vector<576x296xi1>, vector<576x296xi32>
    %reduce_sum3A_290 = arith.constant dense<0> : vector<296xi32>
    %reduce_sum3A_291 = vector.multi_reduction <add>, %select_n3A_289, %reduce_sum3A_290 [0] : vector<576x296xi32> to vector<296xi32>
    %broadcast_in_dim3A_292 = vector.shape_cast %reduce_sum3A_291 : vector<296xi32> to vector<1x296xi32>
    %swap3A_293 = arith.constant 4 : index
    %swap3A_294 = arith.constant 0 : index
    %swap3A_295 = arith.constant 0 : index
    %swap3A_296 = vector.load %arg3[%swap3A_293, %swap3A_294, %swap3A_295] : memref<16x1x296xi32, #tpu.memory_space<vmem>>, vector<1x1x296xi32>
    %swap3A_297 = vector.shape_cast %swap3A_296 : vector<1x1x296xi32> to vector<1x296xi32>
    %swap3A_298 = vector.shape_cast %broadcast_in_dim3A_292 : vector<1x296xi32> to vector<1x1x296xi32>
    tpu.vector_store %arg3[%swap3A_293, %swap3A_294, %swap3A_295], %swap3A_298 {strides = array<i32>} : memref<16x1x296xi32, #tpu.memory_space<vmem>>, vector<1x1x296xi32>,
    %mul3A_299 = arith.constant 16 : i32
    %mul3A_300 = arith.muli %arg0, %mul3A_299 : i32
    %add3A_301 = arith.constant 5 : i32
    %add3A_302 = arith.addi %mul3A_300, %add3A_301 : i32
    %iota3A_303 = tpu.iota {dimensions = array<i32: 0>} : vector<64x576xi32>
    %eq3A_304 = vector.broadcast %add3A_302 : i32 to vector<64x576xi32>
    %eq3A_305 = arith.cmpi eq, %iota3A_303, %eq3A_304 : vector<64x576xi32>
    %get3A_306 = arith.constant 0 : index
    %get3A_307 = arith.constant 0 : index
    %get3A_308 = vector.load %arg1[%get3A_306, %get3A_307] : memref<64x576xf32, #tpu.memory_space<vmem>>, vector<64x576xf32>
    %jit3A_309 = arith.constant 0.000000e+00 : f32
    %broadcast_in_dim3A_310 = vector.broadcast %jit3A_309 : f32 to vector<64x576xf32>
    %select_n3A_311 = arith.select %eq3A_305, %get3A_308, %broadcast_in_dim3A_310 : vector<64x576xi1>, vector<64x576xf32>
    %reduce_sum3A_312 = arith.constant dense<0.000000e+00> : vector<576xf32>
    %reduce_sum3A_313 = vector.multi_reduction <add>, %select_n3A_311, %reduce_sum3A_312 [0] : vector<64x576xf32> to vector<576xf32>
    %broadcast_in_dim3A_314 = vector.shape_cast %reduce_sum3A_313 : vector<576xf32> to vector<1x576xf32>
    %iota3A_315 = tpu.iota {dimensions = array<i32: 1>} : vector<576x64xi32>
    %eq3A_316 = vector.broadcast %add3A_302 : i32 to vector<576x64xi32>
    %eq3A_317 = arith.cmpi eq, %iota3A_315, %eq3A_316 : vector<576x64xi32>
    %get3A_318 = arith.constant 0 : index
    %get3A_319 = arith.constant 0 : index
    %get3A_320 = vector.load %arg2[%get3A_318, %get3A_319] : memref<576x64xf32, #tpu.memory_space<vmem>>, vector<576x64xf32>
    %jit3A_321 = arith.constant 0.000000e+00 : f32
    %broadcast_in_dim3A_322 = vector.broadcast %jit3A_321 : f32 to vector<576x64xf32>
    %select_n3A_323 = arith.select %eq3A_317, %get3A_320, %broadcast_in_dim3A_322 : vector<576x64xi1>, vector<576x64xf32>
    %reduce_sum3A_324 = arith.constant dense<0.000000e+00> : vector<576xf32>
    %reduce_sum3A_325 = vector.multi_reduction <add>, %select_n3A_323, %reduce_sum3A_324 [1] : vector<576x64xf32> to vector<576xf32>
    %broadcast_in_dim3A_326 = vector.shape_cast %reduce_sum3A_325 : vector<576xf32> to vector<576x1xf32>
    %lt3A_327 = vector.broadcast %broadcast_in_dim3A_314 : vector<1x576xf32> to vector<576x576xf32>
    %lt3A_328 = vector.broadcast %broadcast_in_dim3A_326 : vector<576x1xf32> to vector<576x576xf32>
    %lt3A_329 = arith.cmpf olt, %lt3A_327, %lt3A_328 : vector<576x576xf32>
    %eq3A_330 = vector.broadcast %broadcast_in_dim3A_314 : vector<1x576xf32> to vector<576x576xf32>
    %eq3A_331 = vector.broadcast %broadcast_in_dim3A_326 : vector<576x1xf32> to vector<576x576xf32>
    %eq3A_332 = arith.cmpf oeq, %eq3A_330, %eq3A_331 : vector<576x576xf32>
    %and3A_333 = arith.andi %eq3A_332, %lt3A : vector<576x576xi1>
    %or3A_334 = arith.ori %lt3A_329, %and3A_333 : vector<576x576xi1>
    %jit3A_335 = arith.constant 1 : i32
    %jit3A_336 = arith.constant 0 : i32
    %broadcast_in_dim3A_337 = vector.broadcast %jit3A_335 : i32 to vector<576x576xi32>
    %broadcast_in_dim3A_338 = vector.broadcast %jit3A_336 : i32 to vector<576x576xi32>
    %select_n3A_339 = arith.select %or3A_334, %broadcast_in_dim3A_337, %broadcast_in_dim3A_338 : vector<576x576xi1>, vector<576x576xi32>
    %reduce_sum3A_340 = arith.constant dense<0> : vector<576xi32>
    %reduce_sum3A_341 = vector.multi_reduction <add>, %select_n3A_339, %reduce_sum3A_340 [1] : vector<576x576xi32> to vector<576xi32>
    %broadcast_in_dim3A_342 = vector.shape_cast %reduce_sum3A_341 : vector<576xi32> to vector<576x1xi32>
    %sub3A_343 = arith.constant 1 : i32
    %sub3A_344 = vector.broadcast %sub3A_343 : i32 to vector<576x296xi32>
    %sub3A_345 = arith.subi %iota3A_1, %sub3A_344 : vector<576x296xi32>
    %eq3A_346 = vector.broadcast %broadcast_in_dim3A_342 : vector<576x1xi32> to vector<576x296xi32>
    %eq3A_347 = arith.cmpi eq, %eq3A_346, %sub3A_345 : vector<576x296xi32>
    %jit3A_348 = arith.constant 0 : i32
    %broadcast_in_dim3A_349 = vector.broadcast %jit3A_348 : i32 to vector<576x296xi32>
    %select_n3A_350 = arith.select %eq3A_347, %add3A_4, %broadcast_in_dim3A_349 : vector<576x296xi1>, vector<576x296xi32>
    %reduce_sum3A_351 = arith.constant dense<0> : vector<296xi32>
    %reduce_sum3A_352 = vector.multi_reduction <add>, %select_n3A_350, %reduce_sum3A_351 [0] : vector<576x296xi32> to vector<296xi32>
    %broadcast_in_dim3A_353 = vector.shape_cast %reduce_sum3A_352 : vector<296xi32> to vector<1x296xi32>
    %swap3A_354 = arith.constant 5 : index
    %swap3A_355 = arith.constant 0 : index
    %swap3A_356 = arith.constant 0 : index
    %swap3A_357 = vector.load %arg3[%swap3A_354, %swap3A_355, %swap3A_356] : memref<16x1x296xi32, #tpu.memory_space<vmem>>, vector<1x1x296xi32>
    %swap3A_358 = vector.shape_cast %swap3A_357 : vector<1x1x296xi32> to vector<1x296xi32>
    %swap3A_359 = vector.shape_cast %broadcast_in_dim3A_353 : vector<1x296xi32> to vector<1x1x296xi32>
    tpu.vector_store %arg3[%swap3A_354, %swap3A_355, %swap3A_356], %swap3A_359 {strides = array<i32>} : memref<16x1x296xi32, #tpu.memory_space<vmem>>, vector<1x1x296xi32>,
    %mul3A_360 = arith.constant 16 : i32
    %mul3A_361 = arith.muli %arg0, %mul3A_360 : i32
    %add3A_362 = arith.constant 6 : i32
    %add3A_363 = arith.addi %mul3A_361, %add3A_362 : i32
    %iota3A_364 = tpu.iota {dimensions = array<i32: 0>} : vector<64x576xi32>
    %eq3A_365 = vector.broadcast %add3A_363 : i32 to vector<64x576xi32>
    %eq3A_366 = arith.cmpi eq, %iota3A_364, %eq3A_365 : vector<64x576xi32>
    %get3A_367 = arith.constant 0 : index
    %get3A_368 = arith.constant 0 : index
    %get3A_369 = vector.load %arg1[%get3A_367, %get3A_368] : memref<64x576xf32, #tpu.memory_space<vmem>>, vector<64x576xf32>
    %jit3A_370 = arith.constant 0.000000e+00 : f32
    %broadcast_in_dim3A_371 = vector.broadcast %jit3A_370 : f32 to vector<64x576xf32>
    %select_n3A_372 = arith.select %eq3A_366, %get3A_369, %broadcast_in_dim3A_371 : vector<64x576xi1>, vector<64x576xf32>
    %reduce_sum3A_373 = arith.constant dense<0.000000e+00> : vector<576xf32>
    %reduce_sum3A_374 = vector.multi_reduction <add>, %select_n3A_372, %reduce_sum3A_373 [0] : vector<64x576xf32> to vector<576xf32>
    %broadcast_in_dim3A_375 = vector.shape_cast %reduce_sum3A_374 : vector<576xf32> to vector<1x576xf32>
    %iota3A_376 = tpu.iota {dimensions = array<i32: 1>} : vector<576x64xi32>
    %eq3A_377 = vector.broadcast %add3A_363 : i32 to vector<576x64xi32>
    %eq3A_378 = arith.cmpi eq, %iota3A_376, %eq3A_377 : vector<576x64xi32>
    %get3A_379 = arith.constant 0 : index
    %get3A_380 = arith.constant 0 : index
    %get3A_381 = vector.load %arg2[%get3A_379, %get3A_380] : memref<576x64xf32, #tpu.memory_space<vmem>>, vector<576x64xf32>
    %jit3A_382 = arith.constant 0.000000e+00 : f32
    %broadcast_in_dim3A_383 = vector.broadcast %jit3A_382 : f32 to vector<576x64xf32>
    %select_n3A_384 = arith.select %eq3A_378, %get3A_381, %broadcast_in_dim3A_383 : vector<576x64xi1>, vector<576x64xf32>
    %reduce_sum3A_385 = arith.constant dense<0.000000e+00> : vector<576xf32>
    %reduce_sum3A_386 = vector.multi_reduction <add>, %select_n3A_384, %reduce_sum3A_385 [1] : vector<576x64xf32> to vector<576xf32>
    %broadcast_in_dim3A_387 = vector.shape_cast %reduce_sum3A_386 : vector<576xf32> to vector<576x1xf32>
    %lt3A_388 = vector.broadcast %broadcast_in_dim3A_375 : vector<1x576xf32> to vector<576x576xf32>
    %lt3A_389 = vector.broadcast %broadcast_in_dim3A_387 : vector<576x1xf32> to vector<576x576xf32>
    %lt3A_390 = arith.cmpf olt, %lt3A_388, %lt3A_389 : vector<576x576xf32>
    %eq3A_391 = vector.broadcast %broadcast_in_dim3A_375 : vector<1x576xf32> to vector<576x576xf32>
    %eq3A_392 = vector.broadcast %broadcast_in_dim3A_387 : vector<576x1xf32> to vector<576x576xf32>
    %eq3A_393 = arith.cmpf oeq, %eq3A_391, %eq3A_392 : vector<576x576xf32>
    %and3A_394 = arith.andi %eq3A_393, %lt3A : vector<576x576xi1>
    %or3A_395 = arith.ori %lt3A_390, %and3A_394 : vector<576x576xi1>
    %jit3A_396 = arith.constant 1 : i32
    %jit3A_397 = arith.constant 0 : i32
    %broadcast_in_dim3A_398 = vector.broadcast %jit3A_396 : i32 to vector<576x576xi32>
    %broadcast_in_dim3A_399 = vector.broadcast %jit3A_397 : i32 to vector<576x576xi32>
    %select_n3A_400 = arith.select %or3A_395, %broadcast_in_dim3A_398, %broadcast_in_dim3A_399 : vector<576x576xi1>, vector<576x576xi32>
    %reduce_sum3A_401 = arith.constant dense<0> : vector<576xi32>
    %reduce_sum3A_402 = vector.multi_reduction <add>, %select_n3A_400, %reduce_sum3A_401 [1] : vector<576x576xi32> to vector<576xi32>
    %broadcast_in_dim3A_403 = vector.shape_cast %reduce_sum3A_402 : vector<576xi32> to vector<576x1xi32>
    %sub3A_404 = arith.constant 1 : i32
    %sub3A_405 = vector.broadcast %sub3A_404 : i32 to vector<576x296xi32>
    %sub3A_406 = arith.subi %iota3A_1, %sub3A_405 : vector<576x296xi32>
    %eq3A_407 = vector.broadcast %broadcast_in_dim3A_403 : vector<576x1xi32> to vector<576x296xi32>
    %eq3A_408 = arith.cmpi eq, %eq3A_407, %sub3A_406 : vector<576x296xi32>
    %jit3A_409 = arith.constant 0 : i32
    %broadcast_in_dim3A_410 = vector.broadcast %jit3A_409 : i32 to vector<576x296xi32>
    %select_n3A_411 = arith.select %eq3A_408, %add3A_4, %broadcast_in_dim3A_410 : vector<576x296xi1>, vector<576x296xi32>
    %reduce_sum3A_412 = arith.constant dense<0> : vector<296xi32>
    %reduce_sum3A_413 = vector.multi_reduction <add>, %select_n3A_411, %reduce_sum3A_412 [0] : vector<576x296xi32> to vector<296xi32>
    %broadcast_in_dim3A_414 = vector.shape_cast %reduce_sum3A_413 : vector<296xi32> to vector<1x296xi32>
    %swap3A_415 = arith.constant 6 : index
    %swap3A_416 = arith.constant 0 : index
    %swap3A_417 = arith.constant 0 : index
    %swap3A_418 = vector.load %arg3[%swap3A_415, %swap3A_416, %swap3A_417] : memref<16x1x296xi32, #tpu.memory_space<vmem>>, vector<1x1x296xi32>
    %swap3A_419 = vector.shape_cast %swap3A_418 : vector<1x1x296xi32> to vector<1x296xi32>
    %swap3A_420 = vector.shape_cast %broadcast_in_dim3A_414 : vector<1x296xi32> to vector<1x1x296xi32>
    tpu.vector_store %arg3[%swap3A_415, %swap3A_416, %swap3A_417], %swap3A_420 {strides = array<i32>} : memref<16x1x296xi32, #tpu.memory_space<vmem>>, vector<1x1x296xi32>,
    %mul3A_421 = arith.constant 16 : i32
    %mul3A_422 = arith.muli %arg0, %mul3A_421 : i32
    %add3A_423 = arith.constant 7 : i32
    %add3A_424 = arith.addi %mul3A_422, %add3A_423 : i32
    %iota3A_425 = tpu.iota {dimensions = array<i32: 0>} : vector<64x576xi32>
    %eq3A_426 = vector.broadcast %add3A_424 : i32 to vector<64x576xi32>
    %eq3A_427 = arith.cmpi eq, %iota3A_425, %eq3A_426 : vector<64x576xi32>
    %get3A_428 = arith.constant 0 : index
    %get3A_429 = arith.constant 0 : index
    %get3A_430 = vector.load %arg1[%get3A_428, %get3A_429] : memref<64x576xf32, #tpu.memory_space<vmem>>, vector<64x576xf32>
    %jit3A_431 = arith.constant 0.000000e+00 : f32
    %broadcast_in_dim3A_432 = vector.broadcast %jit3A_431 : f32 to vector<64x576xf32>
    %select_n3A_433 = arith.select %eq3A_427, %get3A_430, %broadcast_in_dim3A_432 : vector<64x576xi1>, vector<64x576xf32>
    %reduce_sum3A_434 = arith.constant dense<0.000000e+00> : vector<576xf32>
    %reduce_sum3A_435 = vector.multi_reduction <add>, %select_n3A_433, %reduce_sum3A_434 [0] : vector<64x576xf32> to vector<576xf32>
    %broadcast_in_dim3A_436 = vector.shape_cast %reduce_sum3A_435 : vector<576xf32> to vector<1x576xf32>
    %iota3A_437 = tpu.iota {dimensions = array<i32: 1>} : vector<576x64xi32>
    %eq3A_438 = vector.broadcast %add3A_424 : i32 to vector<576x64xi32>
    %eq3A_439 = arith.cmpi eq, %iota3A_437, %eq3A_438 : vector<576x64xi32>
    %get3A_440 = arith.constant 0 : index
    %get3A_441 = arith.constant 0 : index
    %get3A_442 = vector.load %arg2[%get3A_440, %get3A_441] : memref<576x64xf32, #tpu.memory_space<vmem>>, vector<576x64xf32>
    %jit3A_443 = arith.constant 0.000000e+00 : f32
    %broadcast_in_dim3A_444 = vector.broadcast %jit3A_443 : f32 to vector<576x64xf32>
    %select_n3A_445 = arith.select %eq3A_439, %get3A_442, %broadcast_in_dim3A_444 : vector<576x64xi1>, vector<576x64xf32>
    %reduce_sum3A_446 = arith.constant dense<0.000000e+00> : vector<576xf32>
    %reduce_sum3A_447 = vector.multi_reduction <add>, %select_n3A_445, %reduce_sum3A_446 [1] : vector<576x64xf32> to vector<576xf32>
    %broadcast_in_dim3A_448 = vector.shape_cast %reduce_sum3A_447 : vector<576xf32> to vector<576x1xf32>
    %lt3A_449 = vector.broadcast %broadcast_in_dim3A_436 : vector<1x576xf32> to vector<576x576xf32>
    %lt3A_450 = vector.broadcast %broadcast_in_dim3A_448 : vector<576x1xf32> to vector<576x576xf32>
    %lt3A_451 = arith.cmpf olt, %lt3A_449, %lt3A_450 : vector<576x576xf32>
    %eq3A_452 = vector.broadcast %broadcast_in_dim3A_436 : vector<1x576xf32> to vector<576x576xf32>
    %eq3A_453 = vector.broadcast %broadcast_in_dim3A_448 : vector<576x1xf32> to vector<576x576xf32>
    %eq3A_454 = arith.cmpf oeq, %eq3A_452, %eq3A_453 : vector<576x576xf32>
    %and3A_455 = arith.andi %eq3A_454, %lt3A : vector<576x576xi1>
    %or3A_456 = arith.ori %lt3A_451, %and3A_455 : vector<576x576xi1>
    %jit3A_457 = arith.constant 1 : i32
    %jit3A_458 = arith.constant 0 : i32
    %broadcast_in_dim3A_459 = vector.broadcast %jit3A_457 : i32 to vector<576x576xi32>
    %broadcast_in_dim3A_460 = vector.broadcast %jit3A_458 : i32 to vector<576x576xi32>
    %select_n3A_461 = arith.select %or3A_456, %broadcast_in_dim3A_459, %broadcast_in_dim3A_460 : vector<576x576xi1>, vector<576x576xi32>
    %reduce_sum3A_462 = arith.constant dense<0> : vector<576xi32>
    %reduce_sum3A_463 = vector.multi_reduction <add>, %select_n3A_461, %reduce_sum3A_462 [1] : vector<576x576xi32> to vector<576xi32>
    %broadcast_in_dim3A_464 = vector.shape_cast %reduce_sum3A_463 : vector<576xi32> to vector<576x1xi32>
    %sub3A_465 = arith.constant 1 : i32
    %sub3A_466 = vector.broadcast %sub3A_465 : i32 to vector<576x296xi32>
    %sub3A_467 = arith.subi %iota3A_1, %sub3A_466 : vector<576x296xi32>
    %eq3A_468 = vector.broadcast %broadcast_in_dim3A_464 : vector<576x1xi32> to vector<576x296xi32>
    %eq3A_469 = arith.cmpi eq, %eq3A_468, %sub3A_467 : vector<576x296xi32>
    %jit3A_470 = arith.constant 0 : i32
    %broadcast_in_dim3A_471 = vector.broadcast %jit3A_470 : i32 to vector<576x296xi32>
    %select_n3A_472 = arith.select %eq3A_469, %add3A_4, %broadcast_in_dim3A_471 : vector<576x296xi1>, vector<576x296xi32>
    %reduce_sum3A_473 = arith.constant dense<0> : vector<296xi32>
    %reduce_sum3A_474 = vector.multi_reduction <add>, %select_n3A_472, %reduce_sum3A_473 [0] : vector<576x296xi32> to vector<296xi32>
    %broadcast_in_dim3A_475 = vector.shape_cast %reduce_sum3A_474 : vector<296xi32> to vector<1x296xi32>
    %swap3A_476 = arith.constant 7 : index
    %swap3A_477 = arith.constant 0 : index
    %swap3A_478 = arith.constant 0 : index
    %swap3A_479 = vector.load %arg3[%swap3A_476, %swap3A_477, %swap3A_478] : memref<16x1x296xi32, #tpu.memory_space<vmem>>, vector<1x1x296xi32>
    %swap3A_480 = vector.shape_cast %swap3A_479 : vector<1x1x296xi32> to vector<1x296xi32>
    %swap3A_481 = vector.shape_cast %broadcast_in_dim3A_475 : vector<1x296xi32> to vector<1x1x296xi32>
    tpu.vector_store %arg3[%swap3A_476, %swap3A_477, %swap3A_478], %swap3A_481 {strides = array<i32>} : memref<16x1x296xi32, #tpu.memory_space<vmem>>, vector<1x1x296xi32>,
    %mul3A_482 = arith.constant 16 : i32
    %mul3A_483 = arith.muli %arg0, %mul3A_482 : i32
    %add3A_484 = arith.constant 8 : i32
    %add3A_485 = arith.addi %mul3A_483, %add3A_484 : i32
    %iota3A_486 = tpu.iota {dimensions = array<i32: 0>} : vector<64x576xi32>
    %eq3A_487 = vector.broadcast %add3A_485 : i32 to vector<64x576xi32>
    %eq3A_488 = arith.cmpi eq, %iota3A_486, %eq3A_487 : vector<64x576xi32>
    %get3A_489 = arith.constant 0 : index
    %get3A_490 = arith.constant 0 : index
    %get3A_491 = vector.load %arg1[%get3A_489, %get3A_490] : memref<64x576xf32, #tpu.memory_space<vmem>>, vector<64x576xf32>
    %jit3A_492 = arith.constant 0.000000e+00 : f32
    %broadcast_in_dim3A_493 = vector.broadcast %jit3A_492 : f32 to vector<64x576xf32>
    %select_n3A_494 = arith.select %eq3A_488, %get3A_491, %broadcast_in_dim3A_493 : vector<64x576xi1>, vector<64x576xf32>
    %reduce_sum3A_495 = arith.constant dense<0.000000e+00> : vector<576xf32>
    %reduce_sum3A_496 = vector.multi_reduction <add>, %select_n3A_494, %reduce_sum3A_495 [0] : vector<64x576xf32> to vector<576xf32>
    %broadcast_in_dim3A_497 = vector.shape_cast %reduce_sum3A_496 : vector<576xf32> to vector<1x576xf32>
    %iota3A_498 = tpu.iota {dimensions = array<i32: 1>} : vector<576x64xi32>
    %eq3A_499 = vector.broadcast %add3A_485 : i32 to vector<576x64xi32>
    %eq3A_500 = arith.cmpi eq, %iota3A_498, %eq3A_499 : vector<576x64xi32>
    %get3A_501 = arith.constant 0 : index
    %get3A_502 = arith.constant 0 : index
    %get3A_503 = vector.load %arg2[%get3A_501, %get3A_502] : memref<576x64xf32, #tpu.memory_space<vmem>>, vector<576x64xf32>
    %jit3A_504 = arith.constant 0.000000e+00 : f32
    %broadcast_in_dim3A_505 = vector.broadcast %jit3A_504 : f32 to vector<576x64xf32>
    %select_n3A_506 = arith.select %eq3A_500, %get3A_503, %broadcast_in_dim3A_505 : vector<576x64xi1>, vector<576x64xf32>
    %reduce_sum3A_507 = arith.constant dense<0.000000e+00> : vector<576xf32>
    %reduce_sum3A_508 = vector.multi_reduction <add>, %select_n3A_506, %reduce_sum3A_507 [1] : vector<576x64xf32> to vector<576xf32>
    %broadcast_in_dim3A_509 = vector.shape_cast %reduce_sum3A_508 : vector<576xf32> to vector<576x1xf32>
    %lt3A_510 = vector.broadcast %broadcast_in_dim3A_497 : vector<1x576xf32> to vector<576x576xf32>
    %lt3A_511 = vector.broadcast %broadcast_in_dim3A_509 : vector<576x1xf32> to vector<576x576xf32>
    %lt3A_512 = arith.cmpf olt, %lt3A_510, %lt3A_511 : vector<576x576xf32>
    %eq3A_513 = vector.broadcast %broadcast_in_dim3A_497 : vector<1x576xf32> to vector<576x576xf32>
    %eq3A_514 = vector.broadcast %broadcast_in_dim3A_509 : vector<576x1xf32> to vector<576x576xf32>
    %eq3A_515 = arith.cmpf oeq, %eq3A_513, %eq3A_514 : vector<576x576xf32>
    %and3A_516 = arith.andi %eq3A_515, %lt3A : vector<576x576xi1>
    %or3A_517 = arith.ori %lt3A_512, %and3A_516 : vector<576x576xi1>
    %jit3A_518 = arith.constant 1 : i32
    %jit3A_519 = arith.constant 0 : i32
    %broadcast_in_dim3A_520 = vector.broadcast %jit3A_518 : i32 to vector<576x576xi32>
    %broadcast_in_dim3A_521 = vector.broadcast %jit3A_519 : i32 to vector<576x576xi32>
    %select_n3A_522 = arith.select %or3A_517, %broadcast_in_dim3A_520, %broadcast_in_dim3A_521 : vector<576x576xi1>, vector<576x576xi32>
    %reduce_sum3A_523 = arith.constant dense<0> : vector<576xi32>
    %reduce_sum3A_524 = vector.multi_reduction <add>, %select_n3A_522, %reduce_sum3A_523 [1] : vector<576x576xi32> to vector<576xi32>
    %broadcast_in_dim3A_525 = vector.shape_cast %reduce_sum3A_524 : vector<576xi32> to vector<576x1xi32>
    %sub3A_526 = arith.constant 1 : i32
    %sub3A_527 = vector.broadcast %sub3A_526 : i32 to vector<576x296xi32>
    %sub3A_528 = arith.subi %iota3A_1, %sub3A_527 : vector<576x296xi32>
    %eq3A_529 = vector.broadcast %broadcast_in_dim3A_525 : vector<576x1xi32> to vector<576x296xi32>
    %eq3A_530 = arith.cmpi eq, %eq3A_529, %sub3A_528 : vector<576x296xi32>
    %jit3A_531 = arith.constant 0 : i32
    %broadcast_in_dim3A_532 = vector.broadcast %jit3A_531 : i32 to vector<576x296xi32>
    %select_n3A_533 = arith.select %eq3A_530, %add3A_4, %broadcast_in_dim3A_532 : vector<576x296xi1>, vector<576x296xi32>
    %reduce_sum3A_534 = arith.constant dense<0> : vector<296xi32>
    %reduce_sum3A_535 = vector.multi_reduction <add>, %select_n3A_533, %reduce_sum3A_534 [0] : vector<576x296xi32> to vector<296xi32>
    %broadcast_in_dim3A_536 = vector.shape_cast %reduce_sum3A_535 : vector<296xi32> to vector<1x296xi32>
    %swap3A_537 = arith.constant 8 : index
    %swap3A_538 = arith.constant 0 : index
    %swap3A_539 = arith.constant 0 : index
    %swap3A_540 = vector.load %arg3[%swap3A_537, %swap3A_538, %swap3A_539] : memref<16x1x296xi32, #tpu.memory_space<vmem>>, vector<1x1x296xi32>
    %swap3A_541 = vector.shape_cast %swap3A_540 : vector<1x1x296xi32> to vector<1x296xi32>
    %swap3A_542 = vector.shape_cast %broadcast_in_dim3A_536 : vector<1x296xi32> to vector<1x1x296xi32>
    tpu.vector_store %arg3[%swap3A_537, %swap3A_538, %swap3A_539], %swap3A_542 {strides = array<i32>} : memref<16x1x296xi32, #tpu.memory_space<vmem>>, vector<1x1x296xi32>,
    %mul3A_543 = arith.constant 16 : i32
    %mul3A_544 = arith.muli %arg0, %mul3A_543 : i32
    %add3A_545 = arith.constant 9 : i32
    %add3A_546 = arith.addi %mul3A_544, %add3A_545 : i32
    %iota3A_547 = tpu.iota {dimensions = array<i32: 0>} : vector<64x576xi32>
    %eq3A_548 = vector.broadcast %add3A_546 : i32 to vector<64x576xi32>
    %eq3A_549 = arith.cmpi eq, %iota3A_547, %eq3A_548 : vector<64x576xi32>
    %get3A_550 = arith.constant 0 : index
    %get3A_551 = arith.constant 0 : index
    %get3A_552 = vector.load %arg1[%get3A_550, %get3A_551] : memref<64x576xf32, #tpu.memory_space<vmem>>, vector<64x576xf32>
    %jit3A_553 = arith.constant 0.000000e+00 : f32
    %broadcast_in_dim3A_554 = vector.broadcast %jit3A_553 : f32 to vector<64x576xf32>
    %select_n3A_555 = arith.select %eq3A_549, %get3A_552, %broadcast_in_dim3A_554 : vector<64x576xi1>, vector<64x576xf32>
    %reduce_sum3A_556 = arith.constant dense<0.000000e+00> : vector<576xf32>
    %reduce_sum3A_557 = vector.multi_reduction <add>, %select_n3A_555, %reduce_sum3A_556 [0] : vector<64x576xf32> to vector<576xf32>
    %broadcast_in_dim3A_558 = vector.shape_cast %reduce_sum3A_557 : vector<576xf32> to vector<1x576xf32>
    %iota3A_559 = tpu.iota {dimensions = array<i32: 1>} : vector<576x64xi32>
    %eq3A_560 = vector.broadcast %add3A_546 : i32 to vector<576x64xi32>
    %eq3A_561 = arith.cmpi eq, %iota3A_559, %eq3A_560 : vector<576x64xi32>
    %get3A_562 = arith.constant 0 : index
    %get3A_563 = arith.constant 0 : index
    %get3A_564 = vector.load %arg2[%get3A_562, %get3A_563] : memref<576x64xf32, #tpu.memory_space<vmem>>, vector<576x64xf32>
    %jit3A_565 = arith.constant 0.000000e+00 : f32
    %broadcast_in_dim3A_566 = vector.broadcast %jit3A_565 : f32 to vector<576x64xf32>
    %select_n3A_567 = arith.select %eq3A_561, %get3A_564, %broadcast_in_dim3A_566 : vector<576x64xi1>, vector<576x64xf32>
    %reduce_sum3A_568 = arith.constant dense<0.000000e+00> : vector<576xf32>
    %reduce_sum3A_569 = vector.multi_reduction <add>, %select_n3A_567, %reduce_sum3A_568 [1] : vector<576x64xf32> to vector<576xf32>
    %broadcast_in_dim3A_570 = vector.shape_cast %reduce_sum3A_569 : vector<576xf32> to vector<576x1xf32>
    %lt3A_571 = vector.broadcast %broadcast_in_dim3A_558 : vector<1x576xf32> to vector<576x576xf32>
    %lt3A_572 = vector.broadcast %broadcast_in_dim3A_570 : vector<576x1xf32> to vector<576x576xf32>
    %lt3A_573 = arith.cmpf olt, %lt3A_571, %lt3A_572 : vector<576x576xf32>
    %eq3A_574 = vector.broadcast %broadcast_in_dim3A_558 : vector<1x576xf32> to vector<576x576xf32>
    %eq3A_575 = vector.broadcast %broadcast_in_dim3A_570 : vector<576x1xf32> to vector<576x576xf32>
    %eq3A_576 = arith.cmpf oeq, %eq3A_574, %eq3A_575 : vector<576x576xf32>
    %and3A_577 = arith.andi %eq3A_576, %lt3A : vector<576x576xi1>
    %or3A_578 = arith.ori %lt3A_573, %and3A_577 : vector<576x576xi1>
    %jit3A_579 = arith.constant 1 : i32
    %jit3A_580 = arith.constant 0 : i32
    %broadcast_in_dim3A_581 = vector.broadcast %jit3A_579 : i32 to vector<576x576xi32>
    %broadcast_in_dim3A_582 = vector.broadcast %jit3A_580 : i32 to vector<576x576xi32>
    %select_n3A_583 = arith.select %or3A_578, %broadcast_in_dim3A_581, %broadcast_in_dim3A_582 : vector<576x576xi1>, vector<576x576xi32>
    %reduce_sum3A_584 = arith.constant dense<0> : vector<576xi32>
    %reduce_sum3A_585 = vector.multi_reduction <add>, %select_n3A_583, %reduce_sum3A_584 [1] : vector<576x576xi32> to vector<576xi32>
    %broadcast_in_dim3A_586 = vector.shape_cast %reduce_sum3A_585 : vector<576xi32> to vector<576x1xi32>
    %sub3A_587 = arith.constant 1 : i32
    %sub3A_588 = vector.broadcast %sub3A_587 : i32 to vector<576x296xi32>
    %sub3A_589 = arith.subi %iota3A_1, %sub3A_588 : vector<576x296xi32>
    %eq3A_590 = vector.broadcast %broadcast_in_dim3A_586 : vector<576x1xi32> to vector<576x296xi32>
    %eq3A_591 = arith.cmpi eq, %eq3A_590, %sub3A_589 : vector<576x296xi32>
    %jit3A_592 = arith.constant 0 : i32
    %broadcast_in_dim3A_593 = vector.broadcast %jit3A_592 : i32 to vector<576x296xi32>
    %select_n3A_594 = arith.select %eq3A_591, %add3A_4, %broadcast_in_dim3A_593 : vector<576x296xi1>, vector<576x296xi32>
    %reduce_sum3A_595 = arith.constant dense<0> : vector<296xi32>
    %reduce_sum3A_596 = vector.multi_reduction <add>, %select_n3A_594, %reduce_sum3A_595 [0] : vector<576x296xi32> to vector<296xi32>
    %broadcast_in_dim3A_597 = vector.shape_cast %reduce_sum3A_596 : vector<296xi32> to vector<1x296xi32>
    %swap3A_598 = arith.constant 9 : index
    %swap3A_599 = arith.constant 0 : index
    %swap3A_600 = arith.constant 0 : index
    %swap3A_601 = vector.load %arg3[%swap3A_598, %swap3A_599, %swap3A_600] : memref<16x1x296xi32, #tpu.memory_space<vmem>>, vector<1x1x296xi32>
    %swap3A_602 = vector.shape_cast %swap3A_601 : vector<1x1x296xi32> to vector<1x296xi32>
    %swap3A_603 = vector.shape_cast %broadcast_in_dim3A_597 : vector<1x296xi32> to vector<1x1x296xi32>
    tpu.vector_store %arg3[%swap3A_598, %swap3A_599, %swap3A_600], %swap3A_603 {strides = array<i32>} : memref<16x1x296xi32, #tpu.memory_space<vmem>>, vector<1x1x296xi32>,
    %mul3A_604 = arith.constant 16 : i32
    %mul3A_605 = arith.muli %arg0, %mul3A_604 : i32
    %add3A_606 = arith.constant 10 : i32
    %add3A_607 = arith.addi %mul3A_605, %add3A_606 : i32
    %iota3A_608 = tpu.iota {dimensions = array<i32: 0>} : vector<64x576xi32>
    %eq3A_609 = vector.broadcast %add3A_607 : i32 to vector<64x576xi32>
    %eq3A_610 = arith.cmpi eq, %iota3A_608, %eq3A_609 : vector<64x576xi32>
    %get3A_611 = arith.constant 0 : index
    %get3A_612 = arith.constant 0 : index
    %get3A_613 = vector.load %arg1[%get3A_611, %get3A_612] : memref<64x576xf32, #tpu.memory_space<vmem>>, vector<64x576xf32>
    %jit3A_614 = arith.constant 0.000000e+00 : f32
    %broadcast_in_dim3A_615 = vector.broadcast %jit3A_614 : f32 to vector<64x576xf32>
    %select_n3A_616 = arith.select %eq3A_610, %get3A_613, %broadcast_in_dim3A_615 : vector<64x576xi1>, vector<64x576xf32>
    %reduce_sum3A_617 = arith.constant dense<0.000000e+00> : vector<576xf32>
    %reduce_sum3A_618 = vector.multi_reduction <add>, %select_n3A_616, %reduce_sum3A_617 [0] : vector<64x576xf32> to vector<576xf32>
    %broadcast_in_dim3A_619 = vector.shape_cast %reduce_sum3A_618 : vector<576xf32> to vector<1x576xf32>
    %iota3A_620 = tpu.iota {dimensions = array<i32: 1>} : vector<576x64xi32>
    %eq3A_621 = vector.broadcast %add3A_607 : i32 to vector<576x64xi32>
    %eq3A_622 = arith.cmpi eq, %iota3A_620, %eq3A_621 : vector<576x64xi32>
    %get3A_623 = arith.constant 0 : index
    %get3A_624 = arith.constant 0 : index
    %get3A_625 = vector.load %arg2[%get3A_623, %get3A_624] : memref<576x64xf32, #tpu.memory_space<vmem>>, vector<576x64xf32>
    %jit3A_626 = arith.constant 0.000000e+00 : f32
    %broadcast_in_dim3A_627 = vector.broadcast %jit3A_626 : f32 to vector<576x64xf32>
    %select_n3A_628 = arith.select %eq3A_622, %get3A_625, %broadcast_in_dim3A_627 : vector<576x64xi1>, vector<576x64xf32>
    %reduce_sum3A_629 = arith.constant dense<0.000000e+00> : vector<576xf32>
    %reduce_sum3A_630 = vector.multi_reduction <add>, %select_n3A_628, %reduce_sum3A_629 [1] : vector<576x64xf32> to vector<576xf32>
    %broadcast_in_dim3A_631 = vector.shape_cast %reduce_sum3A_630 : vector<576xf32> to vector<576x1xf32>
    %lt3A_632 = vector.broadcast %broadcast_in_dim3A_619 : vector<1x576xf32> to vector<576x576xf32>
    %lt3A_633 = vector.broadcast %broadcast_in_dim3A_631 : vector<576x1xf32> to vector<576x576xf32>
    %lt3A_634 = arith.cmpf olt, %lt3A_632, %lt3A_633 : vector<576x576xf32>
    %eq3A_635 = vector.broadcast %broadcast_in_dim3A_619 : vector<1x576xf32> to vector<576x576xf32>
    %eq3A_636 = vector.broadcast %broadcast_in_dim3A_631 : vector<576x1xf32> to vector<576x576xf32>
    %eq3A_637 = arith.cmpf oeq, %eq3A_635, %eq3A_636 : vector<576x576xf32>
    %and3A_638 = arith.andi %eq3A_637, %lt3A : vector<576x576xi1>
    %or3A_639 = arith.ori %lt3A_634, %and3A_638 : vector<576x576xi1>
    %jit3A_640 = arith.constant 1 : i32
    %jit3A_641 = arith.constant 0 : i32
    %broadcast_in_dim3A_642 = vector.broadcast %jit3A_640 : i32 to vector<576x576xi32>
    %broadcast_in_dim3A_643 = vector.broadcast %jit3A_641 : i32 to vector<576x576xi32>
    %select_n3A_644 = arith.select %or3A_639, %broadcast_in_dim3A_642, %broadcast_in_dim3A_643 : vector<576x576xi1>, vector<576x576xi32>
    %reduce_sum3A_645 = arith.constant dense<0> : vector<576xi32>
    %reduce_sum3A_646 = vector.multi_reduction <add>, %select_n3A_644, %reduce_sum3A_645 [1] : vector<576x576xi32> to vector<576xi32>
    %broadcast_in_dim3A_647 = vector.shape_cast %reduce_sum3A_646 : vector<576xi32> to vector<576x1xi32>
    %sub3A_648 = arith.constant 1 : i32
    %sub3A_649 = vector.broadcast %sub3A_648 : i32 to vector<576x296xi32>
    %sub3A_650 = arith.subi %iota3A_1, %sub3A_649 : vector<576x296xi32>
    %eq3A_651 = vector.broadcast %broadcast_in_dim3A_647 : vector<576x1xi32> to vector<576x296xi32>
    %eq3A_652 = arith.cmpi eq, %eq3A_651, %sub3A_650 : vector<576x296xi32>
    %jit3A_653 = arith.constant 0 : i32
    %broadcast_in_dim3A_654 = vector.broadcast %jit3A_653 : i32 to vector<576x296xi32>
    %select_n3A_655 = arith.select %eq3A_652, %add3A_4, %broadcast_in_dim3A_654 : vector<576x296xi1>, vector<576x296xi32>
    %reduce_sum3A_656 = arith.constant dense<0> : vector<296xi32>
    %reduce_sum3A_657 = vector.multi_reduction <add>, %select_n3A_655, %reduce_sum3A_656 [0] : vector<576x296xi32> to vector<296xi32>
    %broadcast_in_dim3A_658 = vector.shape_cast %reduce_sum3A_657 : vector<296xi32> to vector<1x296xi32>
    %swap3A_659 = arith.constant 10 : index
    %swap3A_660 = arith.constant 0 : index
    %swap3A_661 = arith.constant 0 : index
    %swap3A_662 = vector.load %arg3[%swap3A_659, %swap3A_660, %swap3A_661] : memref<16x1x296xi32, #tpu.memory_space<vmem>>, vector<1x1x296xi32>
    %swap3A_663 = vector.shape_cast %swap3A_662 : vector<1x1x296xi32> to vector<1x296xi32>
    %swap3A_664 = vector.shape_cast %broadcast_in_dim3A_658 : vector<1x296xi32> to vector<1x1x296xi32>
    tpu.vector_store %arg3[%swap3A_659, %swap3A_660, %swap3A_661], %swap3A_664 {strides = array<i32>} : memref<16x1x296xi32, #tpu.memory_space<vmem>>, vector<1x1x296xi32>,
    %mul3A_665 = arith.constant 16 : i32
    %mul3A_666 = arith.muli %arg0, %mul3A_665 : i32
    %add3A_667 = arith.constant 11 : i32
    %add3A_668 = arith.addi %mul3A_666, %add3A_667 : i32
    %iota3A_669 = tpu.iota {dimensions = array<i32: 0>} : vector<64x576xi32>
    %eq3A_670 = vector.broadcast %add3A_668 : i32 to vector<64x576xi32>
    %eq3A_671 = arith.cmpi eq, %iota3A_669, %eq3A_670 : vector<64x576xi32>
    %get3A_672 = arith.constant 0 : index
    %get3A_673 = arith.constant 0 : index
    %get3A_674 = vector.load %arg1[%get3A_672, %get3A_673] : memref<64x576xf32, #tpu.memory_space<vmem>>, vector<64x576xf32>
    %jit3A_675 = arith.constant 0.000000e+00 : f32
    %broadcast_in_dim3A_676 = vector.broadcast %jit3A_675 : f32 to vector<64x576xf32>
    %select_n3A_677 = arith.select %eq3A_671, %get3A_674, %broadcast_in_dim3A_676 : vector<64x576xi1>, vector<64x576xf32>
    %reduce_sum3A_678 = arith.constant dense<0.000000e+00> : vector<576xf32>
    %reduce_sum3A_679 = vector.multi_reduction <add>, %select_n3A_677, %reduce_sum3A_678 [0] : vector<64x576xf32> to vector<576xf32>
    %broadcast_in_dim3A_680 = vector.shape_cast %reduce_sum3A_679 : vector<576xf32> to vector<1x576xf32>
    %iota3A_681 = tpu.iota {dimensions = array<i32: 1>} : vector<576x64xi32>
    %eq3A_682 = vector.broadcast %add3A_668 : i32 to vector<576x64xi32>
    %eq3A_683 = arith.cmpi eq, %iota3A_681, %eq3A_682 : vector<576x64xi32>
    %get3A_684 = arith.constant 0 : index
    %get3A_685 = arith.constant 0 : index
    %get3A_686 = vector.load %arg2[%get3A_684, %get3A_685] : memref<576x64xf32, #tpu.memory_space<vmem>>, vector<576x64xf32>
    %jit3A_687 = arith.constant 0.000000e+00 : f32
    %broadcast_in_dim3A_688 = vector.broadcast %jit3A_687 : f32 to vector<576x64xf32>
    %select_n3A_689 = arith.select %eq3A_683, %get3A_686, %broadcast_in_dim3A_688 : vector<576x64xi1>, vector<576x64xf32>
    %reduce_sum3A_690 = arith.constant dense<0.000000e+00> : vector<576xf32>
    %reduce_sum3A_691 = vector.multi_reduction <add>, %select_n3A_689, %reduce_sum3A_690 [1] : vector<576x64xf32> to vector<576xf32>
    %broadcast_in_dim3A_692 = vector.shape_cast %reduce_sum3A_691 : vector<576xf32> to vector<576x1xf32>
    %lt3A_693 = vector.broadcast %broadcast_in_dim3A_680 : vector<1x576xf32> to vector<576x576xf32>
    %lt3A_694 = vector.broadcast %broadcast_in_dim3A_692 : vector<576x1xf32> to vector<576x576xf32>
    %lt3A_695 = arith.cmpf olt, %lt3A_693, %lt3A_694 : vector<576x576xf32>
    %eq3A_696 = vector.broadcast %broadcast_in_dim3A_680 : vector<1x576xf32> to vector<576x576xf32>
    %eq3A_697 = vector.broadcast %broadcast_in_dim3A_692 : vector<576x1xf32> to vector<576x576xf32>
    %eq3A_698 = arith.cmpf oeq, %eq3A_696, %eq3A_697 : vector<576x576xf32>
    %and3A_699 = arith.andi %eq3A_698, %lt3A : vector<576x576xi1>
    %or3A_700 = arith.ori %lt3A_695, %and3A_699 : vector<576x576xi1>
    %jit3A_701 = arith.constant 1 : i32
    %jit3A_702 = arith.constant 0 : i32
    %broadcast_in_dim3A_703 = vector.broadcast %jit3A_701 : i32 to vector<576x576xi32>
    %broadcast_in_dim3A_704 = vector.broadcast %jit3A_702 : i32 to vector<576x576xi32>
    %select_n3A_705 = arith.select %or3A_700, %broadcast_in_dim3A_703, %broadcast_in_dim3A_704 : vector<576x576xi1>, vector<576x576xi32>
    %reduce_sum3A_706 = arith.constant dense<0> : vector<576xi32>
    %reduce_sum3A_707 = vector.multi_reduction <add>, %select_n3A_705, %reduce_sum3A_706 [1] : vector<576x576xi32> to vector<576xi32>
    %broadcast_in_dim3A_708 = vector.shape_cast %reduce_sum3A_707 : vector<576xi32> to vector<576x1xi32>
    %sub3A_709 = arith.constant 1 : i32
    %sub3A_710 = vector.broadcast %sub3A_709 : i32 to vector<576x296xi32>
    %sub3A_711 = arith.subi %iota3A_1, %sub3A_710 : vector<576x296xi32>
    %eq3A_712 = vector.broadcast %broadcast_in_dim3A_708 : vector<576x1xi32> to vector<576x296xi32>
    %eq3A_713 = arith.cmpi eq, %eq3A_712, %sub3A_711 : vector<576x296xi32>
    %jit3A_714 = arith.constant 0 : i32
    %broadcast_in_dim3A_715 = vector.broadcast %jit3A_714 : i32 to vector<576x296xi32>
    %select_n3A_716 = arith.select %eq3A_713, %add3A_4, %broadcast_in_dim3A_715 : vector<576x296xi1>, vector<576x296xi32>
    %reduce_sum3A_717 = arith.constant dense<0> : vector<296xi32>
    %reduce_sum3A_718 = vector.multi_reduction <add>, %select_n3A_716, %reduce_sum3A_717 [0] : vector<576x296xi32> to vector<296xi32>
    %broadcast_in_dim3A_719 = vector.shape_cast %reduce_sum3A_718 : vector<296xi32> to vector<1x296xi32>
    %swap3A_720 = arith.constant 11 : index
    %swap3A_721 = arith.constant 0 : index
    %swap3A_722 = arith.constant 0 : index
    %swap3A_723 = vector.load %arg3[%swap3A_720, %swap3A_721, %swap3A_722] : memref<16x1x296xi32, #tpu.memory_space<vmem>>, vector<1x1x296xi32>
    %swap3A_724 = vector.shape_cast %swap3A_723 : vector<1x1x296xi32> to vector<1x296xi32>
    %swap3A_725 = vector.shape_cast %broadcast_in_dim3A_719 : vector<1x296xi32> to vector<1x1x296xi32>
    tpu.vector_store %arg3[%swap3A_720, %swap3A_721, %swap3A_722], %swap3A_725 {strides = array<i32>} : memref<16x1x296xi32, #tpu.memory_space<vmem>>, vector<1x1x296xi32>,
    %mul3A_726 = arith.constant 16 : i32
    %mul3A_727 = arith.muli %arg0, %mul3A_726 : i32
    %add3A_728 = arith.constant 12 : i32
    %add3A_729 = arith.addi %mul3A_727, %add3A_728 : i32
    %iota3A_730 = tpu.iota {dimensions = array<i32: 0>} : vector<64x576xi32>
    %eq3A_731 = vector.broadcast %add3A_729 : i32 to vector<64x576xi32>
    %eq3A_732 = arith.cmpi eq, %iota3A_730, %eq3A_731 : vector<64x576xi32>
    %get3A_733 = arith.constant 0 : index
    %get3A_734 = arith.constant 0 : index
    %get3A_735 = vector.load %arg1[%get3A_733, %get3A_734] : memref<64x576xf32, #tpu.memory_space<vmem>>, vector<64x576xf32>
    %jit3A_736 = arith.constant 0.000000e+00 : f32
    %broadcast_in_dim3A_737 = vector.broadcast %jit3A_736 : f32 to vector<64x576xf32>
    %select_n3A_738 = arith.select %eq3A_732, %get3A_735, %broadcast_in_dim3A_737 : vector<64x576xi1>, vector<64x576xf32>
    %reduce_sum3A_739 = arith.constant dense<0.000000e+00> : vector<576xf32>
    %reduce_sum3A_740 = vector.multi_reduction <add>, %select_n3A_738, %reduce_sum3A_739 [0] : vector<64x576xf32> to vector<576xf32>
    %broadcast_in_dim3A_741 = vector.shape_cast %reduce_sum3A_740 : vector<576xf32> to vector<1x576xf32>
    %iota3A_742 = tpu.iota {dimensions = array<i32: 1>} : vector<576x64xi32>
    %eq3A_743 = vector.broadcast %add3A_729 : i32 to vector<576x64xi32>
    %eq3A_744 = arith.cmpi eq, %iota3A_742, %eq3A_743 : vector<576x64xi32>
    %get3A_745 = arith.constant 0 : index
    %get3A_746 = arith.constant 0 : index
    %get3A_747 = vector.load %arg2[%get3A_745, %get3A_746] : memref<576x64xf32, #tpu.memory_space<vmem>>, vector<576x64xf32>
    %jit3A_748 = arith.constant 0.000000e+00 : f32
    %broadcast_in_dim3A_749 = vector.broadcast %jit3A_748 : f32 to vector<576x64xf32>
    %select_n3A_750 = arith.select %eq3A_744, %get3A_747, %broadcast_in_dim3A_749 : vector<576x64xi1>, vector<576x64xf32>
    %reduce_sum3A_751 = arith.constant dense<0.000000e+00> : vector<576xf32>
    %reduce_sum3A_752 = vector.multi_reduction <add>, %select_n3A_750, %reduce_sum3A_751 [1] : vector<576x64xf32> to vector<576xf32>
    %broadcast_in_dim3A_753 = vector.shape_cast %reduce_sum3A_752 : vector<576xf32> to vector<576x1xf32>
    %lt3A_754 = vector.broadcast %broadcast_in_dim3A_741 : vector<1x576xf32> to vector<576x576xf32>
    %lt3A_755 = vector.broadcast %broadcast_in_dim3A_753 : vector<576x1xf32> to vector<576x576xf32>
    %lt3A_756 = arith.cmpf olt, %lt3A_754, %lt3A_755 : vector<576x576xf32>
    %eq3A_757 = vector.broadcast %broadcast_in_dim3A_741 : vector<1x576xf32> to vector<576x576xf32>
    %eq3A_758 = vector.broadcast %broadcast_in_dim3A_753 : vector<576x1xf32> to vector<576x576xf32>
    %eq3A_759 = arith.cmpf oeq, %eq3A_757, %eq3A_758 : vector<576x576xf32>
    %and3A_760 = arith.andi %eq3A_759, %lt3A : vector<576x576xi1>
    %or3A_761 = arith.ori %lt3A_756, %and3A_760 : vector<576x576xi1>
    %jit3A_762 = arith.constant 1 : i32
    %jit3A_763 = arith.constant 0 : i32
    %broadcast_in_dim3A_764 = vector.broadcast %jit3A_762 : i32 to vector<576x576xi32>
    %broadcast_in_dim3A_765 = vector.broadcast %jit3A_763 : i32 to vector<576x576xi32>
    %select_n3A_766 = arith.select %or3A_761, %broadcast_in_dim3A_764, %broadcast_in_dim3A_765 : vector<576x576xi1>, vector<576x576xi32>
    %reduce_sum3A_767 = arith.constant dense<0> : vector<576xi32>
    %reduce_sum3A_768 = vector.multi_reduction <add>, %select_n3A_766, %reduce_sum3A_767 [1] : vector<576x576xi32> to vector<576xi32>
    %broadcast_in_dim3A_769 = vector.shape_cast %reduce_sum3A_768 : vector<576xi32> to vector<576x1xi32>
    %sub3A_770 = arith.constant 1 : i32
    %sub3A_771 = vector.broadcast %sub3A_770 : i32 to vector<576x296xi32>
    %sub3A_772 = arith.subi %iota3A_1, %sub3A_771 : vector<576x296xi32>
    %eq3A_773 = vector.broadcast %broadcast_in_dim3A_769 : vector<576x1xi32> to vector<576x296xi32>
    %eq3A_774 = arith.cmpi eq, %eq3A_773, %sub3A_772 : vector<576x296xi32>
    %jit3A_775 = arith.constant 0 : i32
    %broadcast_in_dim3A_776 = vector.broadcast %jit3A_775 : i32 to vector<576x296xi32>
    %select_n3A_777 = arith.select %eq3A_774, %add3A_4, %broadcast_in_dim3A_776 : vector<576x296xi1>, vector<576x296xi32>
    %reduce_sum3A_778 = arith.constant dense<0> : vector<296xi32>
    %reduce_sum3A_779 = vector.multi_reduction <add>, %select_n3A_777, %reduce_sum3A_778 [0] : vector<576x296xi32> to vector<296xi32>
    %broadcast_in_dim3A_780 = vector.shape_cast %reduce_sum3A_779 : vector<296xi32> to vector<1x296xi32>
    %swap3A_781 = arith.constant 12 : index
    %swap3A_782 = arith.constant 0 : index
    %swap3A_783 = arith.constant 0 : index
    %swap3A_784 = vector.load %arg3[%swap3A_781, %swap3A_782, %swap3A_783] : memref<16x1x296xi32, #tpu.memory_space<vmem>>, vector<1x1x296xi32>
    %swap3A_785 = vector.shape_cast %swap3A_784 : vector<1x1x296xi32> to vector<1x296xi32>
    %swap3A_786 = vector.shape_cast %broadcast_in_dim3A_780 : vector<1x296xi32> to vector<1x1x296xi32>
    tpu.vector_store %arg3[%swap3A_781, %swap3A_782, %swap3A_783], %swap3A_786 {strides = array<i32>} : memref<16x1x296xi32, #tpu.memory_space<vmem>>, vector<1x1x296xi32>,
    %mul3A_787 = arith.constant 16 : i32
    %mul3A_788 = arith.muli %arg0, %mul3A_787 : i32
    %add3A_789 = arith.constant 13 : i32
    %add3A_790 = arith.addi %mul3A_788, %add3A_789 : i32
    %iota3A_791 = tpu.iota {dimensions = array<i32: 0>} : vector<64x576xi32>
    %eq3A_792 = vector.broadcast %add3A_790 : i32 to vector<64x576xi32>
    %eq3A_793 = arith.cmpi eq, %iota3A_791, %eq3A_792 : vector<64x576xi32>
    %get3A_794 = arith.constant 0 : index
    %get3A_795 = arith.constant 0 : index
    %get3A_796 = vector.load %arg1[%get3A_794, %get3A_795] : memref<64x576xf32, #tpu.memory_space<vmem>>, vector<64x576xf32>
    %jit3A_797 = arith.constant 0.000000e+00 : f32
    %broadcast_in_dim3A_798 = vector.broadcast %jit3A_797 : f32 to vector<64x576xf32>
    %select_n3A_799 = arith.select %eq3A_793, %get3A_796, %broadcast_in_dim3A_798 : vector<64x576xi1>, vector<64x576xf32>
    %reduce_sum3A_800 = arith.constant dense<0.000000e+00> : vector<576xf32>
    %reduce_sum3A_801 = vector.multi_reduction <add>, %select_n3A_799, %reduce_sum3A_800 [0] : vector<64x576xf32> to vector<576xf32>
    %broadcast_in_dim3A_802 = vector.shape_cast %reduce_sum3A_801 : vector<576xf32> to vector<1x576xf32>
    %iota3A_803 = tpu.iota {dimensions = array<i32: 1>} : vector<576x64xi32>
    %eq3A_804 = vector.broadcast %add3A_790 : i32 to vector<576x64xi32>
    %eq3A_805 = arith.cmpi eq, %iota3A_803, %eq3A_804 : vector<576x64xi32>
    %get3A_806 = arith.constant 0 : index
    %get3A_807 = arith.constant 0 : index
    %get3A_808 = vector.load %arg2[%get3A_806, %get3A_807] : memref<576x64xf32, #tpu.memory_space<vmem>>, vector<576x64xf32>
    %jit3A_809 = arith.constant 0.000000e+00 : f32
    %broadcast_in_dim3A_810 = vector.broadcast %jit3A_809 : f32 to vector<576x64xf32>
    %select_n3A_811 = arith.select %eq3A_805, %get3A_808, %broadcast_in_dim3A_810 : vector<576x64xi1>, vector<576x64xf32>
    %reduce_sum3A_812 = arith.constant dense<0.000000e+00> : vector<576xf32>
    %reduce_sum3A_813 = vector.multi_reduction <add>, %select_n3A_811, %reduce_sum3A_812 [1] : vector<576x64xf32> to vector<576xf32>
    %broadcast_in_dim3A_814 = vector.shape_cast %reduce_sum3A_813 : vector<576xf32> to vector<576x1xf32>
    %lt3A_815 = vector.broadcast %broadcast_in_dim3A_802 : vector<1x576xf32> to vector<576x576xf32>
    %lt3A_816 = vector.broadcast %broadcast_in_dim3A_814 : vector<576x1xf32> to vector<576x576xf32>
    %lt3A_817 = arith.cmpf olt, %lt3A_815, %lt3A_816 : vector<576x576xf32>
    %eq3A_818 = vector.broadcast %broadcast_in_dim3A_802 : vector<1x576xf32> to vector<576x576xf32>
    %eq3A_819 = vector.broadcast %broadcast_in_dim3A_814 : vector<576x1xf32> to vector<576x576xf32>
    %eq3A_820 = arith.cmpf oeq, %eq3A_818, %eq3A_819 : vector<576x576xf32>
    %and3A_821 = arith.andi %eq3A_820, %lt3A : vector<576x576xi1>
    %or3A_822 = arith.ori %lt3A_817, %and3A_821 : vector<576x576xi1>
    %jit3A_823 = arith.constant 1 : i32
    %jit3A_824 = arith.constant 0 : i32
    %broadcast_in_dim3A_825 = vector.broadcast %jit3A_823 : i32 to vector<576x576xi32>
    %broadcast_in_dim3A_826 = vector.broadcast %jit3A_824 : i32 to vector<576x576xi32>
    %select_n3A_827 = arith.select %or3A_822, %broadcast_in_dim3A_825, %broadcast_in_dim3A_826 : vector<576x576xi1>, vector<576x576xi32>
    %reduce_sum3A_828 = arith.constant dense<0> : vector<576xi32>
    %reduce_sum3A_829 = vector.multi_reduction <add>, %select_n3A_827, %reduce_sum3A_828 [1] : vector<576x576xi32> to vector<576xi32>
    %broadcast_in_dim3A_830 = vector.shape_cast %reduce_sum3A_829 : vector<576xi32> to vector<576x1xi32>
    %sub3A_831 = arith.constant 1 : i32
    %sub3A_832 = vector.broadcast %sub3A_831 : i32 to vector<576x296xi32>
    %sub3A_833 = arith.subi %iota3A_1, %sub3A_832 : vector<576x296xi32>
    %eq3A_834 = vector.broadcast %broadcast_in_dim3A_830 : vector<576x1xi32> to vector<576x296xi32>
    %eq3A_835 = arith.cmpi eq, %eq3A_834, %sub3A_833 : vector<576x296xi32>
    %jit3A_836 = arith.constant 0 : i32
    %broadcast_in_dim3A_837 = vector.broadcast %jit3A_836 : i32 to vector<576x296xi32>
    %select_n3A_838 = arith.select %eq3A_835, %add3A_4, %broadcast_in_dim3A_837 : vector<576x296xi1>, vector<576x296xi32>
    %reduce_sum3A_839 = arith.constant dense<0> : vector<296xi32>
    %reduce_sum3A_840 = vector.multi_reduction <add>, %select_n3A_838, %reduce_sum3A_839 [0] : vector<576x296xi32> to vector<296xi32>
    %broadcast_in_dim3A_841 = vector.shape_cast %reduce_sum3A_840 : vector<296xi32> to vector<1x296xi32>
    %swap3A_842 = arith.constant 13 : index
    %swap3A_843 = arith.constant 0 : index
    %swap3A_844 = arith.constant 0 : index
    %swap3A_845 = vector.load %arg3[%swap3A_842, %swap3A_843, %swap3A_844] : memref<16x1x296xi32, #tpu.memory_space<vmem>>, vector<1x1x296xi32>
    %swap3A_846 = vector.shape_cast %swap3A_845 : vector<1x1x296xi32> to vector<1x296xi32>
    %swap3A_847 = vector.shape_cast %broadcast_in_dim3A_841 : vector<1x296xi32> to vector<1x1x296xi32>
    tpu.vector_store %arg3[%swap3A_842, %swap3A_843, %swap3A_844], %swap3A_847 {strides = array<i32>} : memref<16x1x296xi32, #tpu.memory_space<vmem>>, vector<1x1x296xi32>,
    %mul3A_848 = arith.constant 16 : i32
    %mul3A_849 = arith.muli %arg0, %mul3A_848 : i32
    %add3A_850 = arith.constant 14 : i32
    %add3A_851 = arith.addi %mul3A_849, %add3A_850 : i32
    %iota3A_852 = tpu.iota {dimensions = array<i32: 0>} : vector<64x576xi32>
    %eq3A_853 = vector.broadcast %add3A_851 : i32 to vector<64x576xi32>
    %eq3A_854 = arith.cmpi eq, %iota3A_852, %eq3A_853 : vector<64x576xi32>
    %get3A_855 = arith.constant 0 : index
    %get3A_856 = arith.constant 0 : index
    %get3A_857 = vector.load %arg1[%get3A_855, %get3A_856] : memref<64x576xf32, #tpu.memory_space<vmem>>, vector<64x576xf32>
    %jit3A_858 = arith.constant 0.000000e+00 : f32
    %broadcast_in_dim3A_859 = vector.broadcast %jit3A_858 : f32 to vector<64x576xf32>
    %select_n3A_860 = arith.select %eq3A_854, %get3A_857, %broadcast_in_dim3A_859 : vector<64x576xi1>, vector<64x576xf32>
    %reduce_sum3A_861 = arith.constant dense<0.000000e+00> : vector<576xf32>
    %reduce_sum3A_862 = vector.multi_reduction <add>, %select_n3A_860, %reduce_sum3A_861 [0] : vector<64x576xf32> to vector<576xf32>
    %broadcast_in_dim3A_863 = vector.shape_cast %reduce_sum3A_862 : vector<576xf32> to vector<1x576xf32>
    %iota3A_864 = tpu.iota {dimensions = array<i32: 1>} : vector<576x64xi32>
    %eq3A_865 = vector.broadcast %add3A_851 : i32 to vector<576x64xi32>
    %eq3A_866 = arith.cmpi eq, %iota3A_864, %eq3A_865 : vector<576x64xi32>
    %get3A_867 = arith.constant 0 : index
    %get3A_868 = arith.constant 0 : index
    %get3A_869 = vector.load %arg2[%get3A_867, %get3A_868] : memref<576x64xf32, #tpu.memory_space<vmem>>, vector<576x64xf32>
    %jit3A_870 = arith.constant 0.000000e+00 : f32
    %broadcast_in_dim3A_871 = vector.broadcast %jit3A_870 : f32 to vector<576x64xf32>
    %select_n3A_872 = arith.select %eq3A_866, %get3A_869, %broadcast_in_dim3A_871 : vector<576x64xi1>, vector<576x64xf32>
    %reduce_sum3A_873 = arith.constant dense<0.000000e+00> : vector<576xf32>
    %reduce_sum3A_874 = vector.multi_reduction <add>, %select_n3A_872, %reduce_sum3A_873 [1] : vector<576x64xf32> to vector<576xf32>
    %broadcast_in_dim3A_875 = vector.shape_cast %reduce_sum3A_874 : vector<576xf32> to vector<576x1xf32>
    %lt3A_876 = vector.broadcast %broadcast_in_dim3A_863 : vector<1x576xf32> to vector<576x576xf32>
    %lt3A_877 = vector.broadcast %broadcast_in_dim3A_875 : vector<576x1xf32> to vector<576x576xf32>
    %lt3A_878 = arith.cmpf olt, %lt3A_876, %lt3A_877 : vector<576x576xf32>
    %eq3A_879 = vector.broadcast %broadcast_in_dim3A_863 : vector<1x576xf32> to vector<576x576xf32>
    %eq3A_880 = vector.broadcast %broadcast_in_dim3A_875 : vector<576x1xf32> to vector<576x576xf32>
    %eq3A_881 = arith.cmpf oeq, %eq3A_879, %eq3A_880 : vector<576x576xf32>
    %and3A_882 = arith.andi %eq3A_881, %lt3A : vector<576x576xi1>
    %or3A_883 = arith.ori %lt3A_878, %and3A_882 : vector<576x576xi1>
    %jit3A_884 = arith.constant 1 : i32
    %jit3A_885 = arith.constant 0 : i32
    %broadcast_in_dim3A_886 = vector.broadcast %jit3A_884 : i32 to vector<576x576xi32>
    %broadcast_in_dim3A_887 = vector.broadcast %jit3A_885 : i32 to vector<576x576xi32>
    %select_n3A_888 = arith.select %or3A_883, %broadcast_in_dim3A_886, %broadcast_in_dim3A_887 : vector<576x576xi1>, vector<576x576xi32>
    %reduce_sum3A_889 = arith.constant dense<0> : vector<576xi32>
    %reduce_sum3A_890 = vector.multi_reduction <add>, %select_n3A_888, %reduce_sum3A_889 [1] : vector<576x576xi32> to vector<576xi32>
    %broadcast_in_dim3A_891 = vector.shape_cast %reduce_sum3A_890 : vector<576xi32> to vector<576x1xi32>
    %sub3A_892 = arith.constant 1 : i32
    %sub3A_893 = vector.broadcast %sub3A_892 : i32 to vector<576x296xi32>
    %sub3A_894 = arith.subi %iota3A_1, %sub3A_893 : vector<576x296xi32>
    %eq3A_895 = vector.broadcast %broadcast_in_dim3A_891 : vector<576x1xi32> to vector<576x296xi32>
    %eq3A_896 = arith.cmpi eq, %eq3A_895, %sub3A_894 : vector<576x296xi32>
    %jit3A_897 = arith.constant 0 : i32
    %broadcast_in_dim3A_898 = vector.broadcast %jit3A_897 : i32 to vector<576x296xi32>
    %select_n3A_899 = arith.select %eq3A_896, %add3A_4, %broadcast_in_dim3A_898 : vector<576x296xi1>, vector<576x296xi32>
    %reduce_sum3A_900 = arith.constant dense<0> : vector<296xi32>
    %reduce_sum3A_901 = vector.multi_reduction <add>, %select_n3A_899, %reduce_sum3A_900 [0] : vector<576x296xi32> to vector<296xi32>
    %broadcast_in_dim3A_902 = vector.shape_cast %reduce_sum3A_901 : vector<296xi32> to vector<1x296xi32>
    %swap3A_903 = arith.constant 14 : index
    %swap3A_904 = arith.constant 0 : index
    %swap3A_905 = arith.constant 0 : index
    %swap3A_906 = vector.load %arg3[%swap3A_903, %swap3A_904, %swap3A_905] : memref<16x1x296xi32, #tpu.memory_space<vmem>>, vector<1x1x296xi32>
    %swap3A_907 = vector.shape_cast %swap3A_906 : vector<1x1x296xi32> to vector<1x296xi32>
    %swap3A_908 = vector.shape_cast %broadcast_in_dim3A_902 : vector<1x296xi32> to vector<1x1x296xi32>
    tpu.vector_store %arg3[%swap3A_903, %swap3A_904, %swap3A_905], %swap3A_908 {strides = array<i32>} : memref<16x1x296xi32, #tpu.memory_space<vmem>>, vector<1x1x296xi32>,
    %mul3A_909 = arith.constant 16 : i32
    %mul3A_910 = arith.muli %arg0, %mul3A_909 : i32
    %add3A_911 = arith.constant 15 : i32
    %add3A_912 = arith.addi %mul3A_910, %add3A_911 : i32
    %iota3A_913 = tpu.iota {dimensions = array<i32: 0>} : vector<64x576xi32>
    %eq3A_914 = vector.broadcast %add3A_912 : i32 to vector<64x576xi32>
    %eq3A_915 = arith.cmpi eq, %iota3A_913, %eq3A_914 : vector<64x576xi32>
    %get3A_916 = arith.constant 0 : index
    %get3A_917 = arith.constant 0 : index
    %get3A_918 = vector.load %arg1[%get3A_916, %get3A_917] : memref<64x576xf32, #tpu.memory_space<vmem>>, vector<64x576xf32>
    %jit3A_919 = arith.constant 0.000000e+00 : f32
    %broadcast_in_dim3A_920 = vector.broadcast %jit3A_919 : f32 to vector<64x576xf32>
    %select_n3A_921 = arith.select %eq3A_915, %get3A_918, %broadcast_in_dim3A_920 : vector<64x576xi1>, vector<64x576xf32>
    %reduce_sum3A_922 = arith.constant dense<0.000000e+00> : vector<576xf32>
    %reduce_sum3A_923 = vector.multi_reduction <add>, %select_n3A_921, %reduce_sum3A_922 [0] : vector<64x576xf32> to vector<576xf32>
    %broadcast_in_dim3A_924 = vector.shape_cast %reduce_sum3A_923 : vector<576xf32> to vector<1x576xf32>
    %iota3A_925 = tpu.iota {dimensions = array<i32: 1>} : vector<576x64xi32>
    %eq3A_926 = vector.broadcast %add3A_912 : i32 to vector<576x64xi32>
    %eq3A_927 = arith.cmpi eq, %iota3A_925, %eq3A_926 : vector<576x64xi32>
    %get3A_928 = arith.constant 0 : index
    %get3A_929 = arith.constant 0 : index
    %get3A_930 = vector.load %arg2[%get3A_928, %get3A_929] : memref<576x64xf32, #tpu.memory_space<vmem>>, vector<576x64xf32>
    %jit3A_931 = arith.constant 0.000000e+00 : f32
    %broadcast_in_dim3A_932 = vector.broadcast %jit3A_931 : f32 to vector<576x64xf32>
    %select_n3A_933 = arith.select %eq3A_927, %get3A_930, %broadcast_in_dim3A_932 : vector<576x64xi1>, vector<576x64xf32>
    %reduce_sum3A_934 = arith.constant dense<0.000000e+00> : vector<576xf32>
    %reduce_sum3A_935 = vector.multi_reduction <add>, %select_n3A_933, %reduce_sum3A_934 [1] : vector<576x64xf32> to vector<576xf32>
    %broadcast_in_dim3A_936 = vector.shape_cast %reduce_sum3A_935 : vector<576xf32> to vector<576x1xf32>
    %lt3A_937 = vector.broadcast %broadcast_in_dim3A_924 : vector<1x576xf32> to vector<576x576xf32>
    %lt3A_938 = vector.broadcast %broadcast_in_dim3A_936 : vector<576x1xf32> to vector<576x576xf32>
    %lt3A_939 = arith.cmpf olt, %lt3A_937, %lt3A_938 : vector<576x576xf32>
    %eq3A_940 = vector.broadcast %broadcast_in_dim3A_924 : vector<1x576xf32> to vector<576x576xf32>
    %eq3A_941 = vector.broadcast %broadcast_in_dim3A_936 : vector<576x1xf32> to vector<576x576xf32>
    %eq3A_942 = arith.cmpf oeq, %eq3A_940, %eq3A_941 : vector<576x576xf32>
    %and3A_943 = arith.andi %eq3A_942, %lt3A : vector<576x576xi1>
    %or3A_944 = arith.ori %lt3A_939, %and3A_943 : vector<576x576xi1>
    %jit3A_945 = arith.constant 1 : i32
    %jit3A_946 = arith.constant 0 : i32
    %broadcast_in_dim3A_947 = vector.broadcast %jit3A_945 : i32 to vector<576x576xi32>
    %broadcast_in_dim3A_948 = vector.broadcast %jit3A_946 : i32 to vector<576x576xi32>
    %select_n3A_949 = arith.select %or3A_944, %broadcast_in_dim3A_947, %broadcast_in_dim3A_948 : vector<576x576xi1>, vector<576x576xi32>
    %reduce_sum3A_950 = arith.constant dense<0> : vector<576xi32>
    %reduce_sum3A_951 = vector.multi_reduction <add>, %select_n3A_949, %reduce_sum3A_950 [1] : vector<576x576xi32> to vector<576xi32>
    %broadcast_in_dim3A_952 = vector.shape_cast %reduce_sum3A_951 : vector<576xi32> to vector<576x1xi32>
    %sub3A_953 = arith.constant 1 : i32
    %sub3A_954 = vector.broadcast %sub3A_953 : i32 to vector<576x296xi32>
    %sub3A_955 = arith.subi %iota3A_1, %sub3A_954 : vector<576x296xi32>
    %eq3A_956 = vector.broadcast %broadcast_in_dim3A_952 : vector<576x1xi32> to vector<576x296xi32>
    %eq3A_957 = arith.cmpi eq, %eq3A_956, %sub3A_955 : vector<576x296xi32>
    %jit3A_958 = arith.constant 0 : i32
    %broadcast_in_dim3A_959 = vector.broadcast %jit3A_958 : i32 to vector<576x296xi32>
    %select_n3A_960 = arith.select %eq3A_957, %add3A_4, %broadcast_in_dim3A_959 : vector<576x296xi1>, vector<576x296xi32>
    %reduce_sum3A_961 = arith.constant dense<0> : vector<296xi32>
    %reduce_sum3A_962 = vector.multi_reduction <add>, %select_n3A_960, %reduce_sum3A_961 [0] : vector<576x296xi32> to vector<296xi32>
    %broadcast_in_dim3A_963 = vector.shape_cast %reduce_sum3A_962 : vector<296xi32> to vector<1x296xi32>
    %swap3A_964 = arith.constant 15 : index
    %swap3A_965 = arith.constant 0 : index
    %swap3A_966 = arith.constant 0 : index
    %swap3A_967 = vector.load %arg3[%swap3A_964, %swap3A_965, %swap3A_966] : memref<16x1x296xi32, #tpu.memory_space<vmem>>, vector<1x1x296xi32>
    %swap3A_968 = vector.shape_cast %swap3A_967 : vector<1x1x296xi32> to vector<1x296xi32>
    %swap3A_969 = vector.shape_cast %broadcast_in_dim3A_963 : vector<1x296xi32> to vector<1x1x296xi32>
    tpu.vector_store %arg3[%swap3A_964, %swap3A_965, %swap3A_966], %swap3A_969 {strides = array<i32>} : memref<16x1x296xi32, #tpu.memory_space<vmem>>, vector<1x1x296xi32>,
    return
  }
  func.func @transform_0(%arg0: i32) -> (i32, i32) {
    %c0_i32 = arith.constant 0 : i32
    %c0_i32_0 = arith.constant 0 : i32
    %c0_i32_1 = arith.constant 0 : i32
    return %c0_i32, %c0_i32_0 : i32, i32
  }
  func.func @transform_1(%arg0: i32) -> (i32, i32) {
    %c0_i32 = arith.constant 0 : i32
    %c0_i32_0 = arith.constant 0 : i32
    %c0_i32_1 = arith.constant 0 : i32
    return %c0_i32, %c0_i32_0 : i32, i32
  }
  func.func @transform_2(%arg0: i32) -> (i32, i32, i32) {
    %c0_i32 = arith.constant 0 : i32
    %c0_i32_0 = arith.constant 0 : i32
    %c0_i32_1 = arith.constant 0 : i32
    return %arg0, %c0_i32, %c0_i32_0 : i32, i32, i32
  }
}

</mosaic_0001>

<sc_bundles>
// kernel: kernel.4.cloned.1.call-start
scs
__scs_entry_jumppad:
0x0: {  	(pc) =	sbr.rel $0x88, $3  }
0x1: {  	(tag) =	ssettag $0x0;
	lr =	simm.s32 $0x1  }
0x2: {  	[smem:$0x3F9F] =	sst lr;
	_ =	strace $0xD0000000  }
0x3: {  	_ = 	snop  }
0x4: {  	_ = 	snop  }
0x5: {  	_ = 	snop  }
0x6: {  	_ = 	snop  }
0x7: {  	_ = 	snop  }
__scs_overlays_trampoline_lowered:
0x8: {  	[smem:$0x3FAE] =	sst s0  }
0x9: {  	[smem:$0x3FAF] =	sst s1  }
0xa: {  	[smem:$0x3FB0] =	sst s2  }
0xb: {  	[smem:$0x3FB1] =	sst s3  }
0xc: {  	[smem:$0x3FB2] =	sst s4  }
0xd: {  	[smem:$0x3FB3] =	sst s5  }
0xe: {  	[smem:$0x3FB4] =	sst s6  }
0xf: {  	[smem:$0x3FB5] =	sst s7  }
0x10: {  	[smem:$0x3FB6] =	sst s8  }
0x11: {  	[smem:$0x3FB7] =	sst s9;
	s0 =	simm.s32 @!p0 $0x0  }
0x12: {  	s1 =	sld [smem:$0x3F9D];
	s0 =	simm.s32 @p0 $0x1  }
0x13: {  	[smem:$0x3FB8] =	sst s0;
	s0 =	simm.s32 @!p1 $0x0  }
0x14: {  	s2 =	sld [smem:$0x3F9C];
	s0 =	simm.s32 @p1 $0x1  }
0x15: {  	[smem:$0x3FB9] =	sst s0;
	s0 =	simm.s32 @!p2 $0x0  }
0x16: {  	s3 =	sld [smem:$0x3FDB];
	s0 =	simm.s32 @p2 $0x1  }
0x17: {  	s4 =	simm.s32 $0x1BF5;
	[smem:$0x3FBB] =	sst s0  }
0x18: {  	s0 =	sld [smem:$0x3F9E];
	_ =	swait.ge [sflag:s4], $0x0  }
0x19: {  	s7 =	sld [smem:$0x3F9F]  }
0x1a: {  	s8 =	sadd.s32 $0xFFFFE003, lr  }
0x1b: {  	s9 =	sadd.s32 $0xFFFFFEF7, lr;
	s5 =	simm.s32 $0xFFFFFFFF;
	p2 =	slt.u32 s8, $0xFFFFF086  }
0x1c: {  	p1 =	slt.u32 s9, $0xF7A;
	s5 =	simm.s32 @!p2 $0x0  }
0x1d: {  	s5 =	simm.s32 @p1 $0x1;
	p0 =	seq.s32 s7, s2  }
0x1e: {  	s7 =	smul.u32 @!p0 $0xF7A, s2;
	p2 =	seq.s32 @!p0 s5, $0x0  }
0x1f: {  	s9 =	smul.u32 $0xF7A, s1;
	s8 =	simm.s32 @!p0 $0x1BF5;
	p2 =	por !p2, p0  }
0x20: {  	[sflag:s8] =	ssyncset.s32 @!p0 $0xFFFFF086;
	s6 =	sadd.s32 @!p0 s3, s7;
	s7 =	simm.s32 @!p0 $0x108  }
0x21: {  	s3 =	sadd.s32 s3, s9;
	s6 =	sadd.s32 @!p0 $0x88, s6;
	s7 =	simm.s32 @p2 $0x1082  }
0x22: {  	[simem:s7], [sflag:s8] =	dma.local @!p0 [hbm:s6], $0xF7A  }
0x23: {  	s9 =	sor.u32 $0xD0000000, s2;
	s6 =	simm.s32 $0x108;
	_ =	swait.ge @!p0 [sflag:s8], $0x0  }
0x24: {  	s3 =	sadd.s32 $0x88, s3;
	s6 =	simm.s32 @!p1 $0x1082;
	[sflag:s4] =	ssyncset.s32 $0xFFFFF086  }
0x25: {  	[simem:s6], [sflag:s4] =	dma.local [hbm:s3], $0xF7A  }
0x26: {  	[smem:$0x3F9F] =	sst s1;
	(tag) =	ssettag s2;
	_ =	strace s9  }
0x27: {  	s1 =	sld [smem:$0x3FAF]  }
0x28: {  	s2 =	sld [smem:$0x3FB0]  }
0x29: {  	s4 =	sld [smem:$0x3FB2]  }
0x2a: {  	p0 =	seq.s32 s5, $0x0;
	s5 =	sld [smem:$0x3FB3]  }
0x2b: {  	s6 =	sld [smem:$0x3FB4]  }
0x2c: {  	s7 =	sld [smem:$0x3FB5]  }
0x2d: {  	s3 =	simm.s32 $0x108;
	s8 =	sld [smem:$0x3FB6]  }
0x2e: {  	s3 =	simm.s32 @!p0 $0x1082;
	s9 =	sld [smem:$0x3FB7]  }
0x2f: {  	lr =	sadd.s32 s0, s3;
	s0 =	sld [smem:$0x3FAE]  }
0x30: {  	s3 =	sld [smem:$0x3FB1]  }
0x31: {  	[smem:$0x3FBA] =	sst s10  }
0x32: {  	s10 =	sld [smem:$0x3FB8];
	_ =	sdelay $0x3  }
0x33: {  	p0 =	seq.s32 s10, $0x1;
	s10 =	sld [smem:$0x3FBA];
	_ =	sdelay $0x3  }
0x34: {  	[smem:$0x3FBA] =	sst s10  }
0x35: {  	s10 =	sld [smem:$0x3FB9];
	_ =	sdelay $0x3  }
0x36: {  	p1 =	seq.s32 s10, $0x1;
	s10 =	sld [smem:$0x3FBA];
	_ =	sdelay $0x3  }
0x37: {  	[smem:$0x3FBA] =	sst s10  }
0x38: {  	s10 =	sld [smem:$0x3FBB]  }
0x39: {  	_ = 	snop;
	(pc) =	sbr.ind lr, $3  }
0x3a: {  	_ = 	snop  }
0x3b: {  	_ = 	snop  }
0x3c: {  	p2 =	seq.s32 s10, $0x1;
	s10 =	sld [smem:$0x3FBA]  }
0x3d: {  	_ =	shalt  }
0x3e: {  	_ =	shalt  }
0x3f: {  	_ =	shalt  }
0x40: {  	_ =	shalt  }
0x41: {  	_ =	shalt  }
0x42: {  	_ =	shalt  }
0x43: {  	_ =	shalt  }
0x44: {  	_ =	shalt  }
0x45: {  	_ =	shalt  }
0x46: {  	_ =	shalt  }
0x47: {  	_ =	shalt  }
0x48: {  	_ =	shalt  }
0x49: {  	_ =	shalt  }
0x4a: {  	_ =	shalt  }
0x4b: {  	_ =	shalt  }
0x4c: {  	_ =	shalt  }
0x4d: {  	_ =	shalt  }
0x4e: {  	_ =	shalt  }
0x4f: {  	_ =	shalt  }
0x50: {  	_ =	shalt  }
0x51: {  	_ =	shalt  }
0x52: {  	_ =	shalt  }
0x53: {  	_ =	shalt  }
0x54: {  	_ =	shalt  }
0x55: {  	_ =	shalt  }
0x56: {  	_ =	shalt  }
0x57: {  	_ =	shalt  }
0x58: {  	_ =	shalt  }
0x59: {  	_ =	shalt  }
0x5a: {  	_ =	shalt  }
0x5b: {  	_ =	shalt  }
0x5c: {  	_ =	shalt  }
0x5d: {  	_ =	shalt  }
0x5e: {  	_ =	shalt  }
0x5f: {  	_ =	shalt  }
0x60: {  	_ =	shalt  }
0x61: {  	_ =	shalt  }
0x62: {  	_ =	shalt  }
0x63: {  	_ =	shalt  }
0x64: {  	_ =	shalt  }
0x65: {  	_ =	shalt  }
0x66: {  	_ =	shalt  }
0x67: {  	_ =	shalt  }
0x68: {  	_ =	shalt  }
0x69: {  	_ =	shalt  }
0x6a: {  	_ =	shalt  }
0x6b: {  	_ =	shalt  }
0x6c: {  	_ =	shalt  }
0x6d: {  	_ =	shalt  }
0x6e: {  	_ =	shalt  }
0x6f: {  	_ =	shalt  }
0x70: {  	_ =	shalt  }
0x71: {  	_ =	shalt  }
0x72: {  	_ =	shalt  }
0x73: {  	_ =	shalt  }
0x74: {  	_ =	shalt  }
0x75: {  	_ =	shalt  }
0x76: {  	_ =	shalt  }
0x77: {  	_ =	shalt  }
0x78: {  	_ =	shalt  }
0x79: {  	_ =	shalt  }
0x7a: {  	_ =	shalt  }
0x7b: {  	_ =	shalt  }
0x7c: {  	_ =	shalt  }
0x7d: {  	_ =	shalt  }
0x7e: {  	_ =	shalt  }
0x7f: {  	_ =	shalt  }
0x80: {  	_ =	shalt  }
0x81: {  	_ =	shalt  }
0x82: {  	_ =	shalt  }
0x83: {  	_ =	shalt  }
0x84: {  	_ =	shalt  }
0x85: {  	_ =	shalt  }
0x86: {  	_ =	shalt  }
0x87: {  	_ =	shalt  }
.Lfunc_end0:
.L_simem_size_0:
called_computation_lowered:
.L_overlay_start_0:
0x88: {  	s2 =	sld [smem:$0x3FD9]  }
0x89: {  	s3 =	sld [smem:$0x3FFE];
	_ =	sdelay $0x1  }
0x8a: {  	s1 =	srdreg.scid  }
0x8b: {  	s0 =	sand.u32 $0x1, s1  }
0x8c: {  	s17 =	sshll.u32 s0, $0xA;
	s2 =	sadd.s32 s3, s2  }
0x8d: {  	s2 =	sadd.s32 s2, s17  }
0x8e: {  	[smem:$0x3FC6] =	sst s2  }
0x8f: {  	_ = 	snop  }
0x90: {  	s2 =	sld [smem:$0x3FC9]  }
0x91: {  	s18 =	sld [smem:$0x3FD0];
	(tm) =	ssettm $0x1  }
0x92: {  	s4 =	sld [smem:$0x3FFB];
	_ =	sdelay $0x3  }
0x93: {  	_ =	strace s4  }
0x94: {  	s4 =	sld [smem:$0x3FFC];
	_ =	sdelay $0x3  }
0x95: {  	_ =	strace s4  }
0x96: {  	s4 =	sld [smem:$0x3FFD];
	_ =	sdelay $0x3  }
0x97: {  	_ =	strace s4  }
0x98: {  	_ =	strace $0x8FFFFFFF  }
0x99: {  	s19 =	sld [smem:$0x3FDB];
	_ =	sdelay $0x1  }
0x9a: {  	s5 =	simm.s32 $_scs_section_size  }
0x9b: {  	s6 =	simm.s32 $_size__tile_overlayer_lowered;
	s7 =	simm.s32 $_tile_overlayer_lowered  }
0x9c: {  	s22 =	simm.s32 $0x1BFF;
	s21 =	sshll.u32 s7, $0x1;
	s4 =	sadd.s32 s5, s19  }
0x9d: {  	s8 =	simm.s32 $0x0;
	s20 =	sshll.u32 s6, $0x1;
	s6 =	sadd.s32 s21, s4  }
0x9e: {  	[timem:s8], [sflag:s22] =	dma.local [hbm:s6], s20  }
0x9f: {  	_ =	swait.ge [sflag:s22], s20  }
0xa0: {  	s5 =	ssub.s32 $0x0, s20;
	[sflag:s22] =	ssyncset.done $0x0  }
0xa1: {  	[sflag:s22] =	ssyncadd.s32 s5;
	_ =	sdelay $0x1  }
0xa2: {  	s23 =	simm.s32 $0x1B8B  }
0xa3: {  	_ =	swait.ge [sflag:s23], $0x1  }
0xa4: {  	[sflag:s23] =	ssyncset.done $0x0  }
0xa5: {  	s25 =	simm.s32 $0x1B8E;
	s24 =	sld [smem:$0x3FFE];
	[sflag:s23] =	ssyncadd.s32 $0xFFFFFFFF  }
0xa6: {  	s26 =	simm.s32 $execute0_lowered;
	[smem:$0x3FD2] =	sst s25  }
0xa7: {  	s6 =	sshll.u32 s26, $0x1;
	_ =	strace $0x80000046;
	[dreg:$0x1] =	wrdreg $0xFFFFFFFF  }
0xa8: {  	s28 =	simm.s32 $_size_execute0_lowered;
	s4 =	sadd.s32 s4, s6;
	[dreg:$0x0] =	wrdreg $0x0  }
0xa9: {  	s6 =	sshll.u32 s28, $0x1;
	[dreg:$0x2] =	wrdreg s4  }
0xaa: {  	[dreg:$0x3] =	wrdreg s6  }
0xab: {  	[dreg:$0x4] =	wrdreg $0xC0  }
0xac: {  	_ =	task [dreg:s8], $0x5FFFF  }
0xad: {  	[dreg:$0x1] =	wrdreg $0xFFFFFFFF  }
0xae: {  	[dreg:$0x0] =	wrdreg $0x60  }
0xaf: {  	[dreg:$0x2] =	wrdreg s2  }
0xb0: {  	[dreg:$0x3] =	wrdreg s24  }
0xb1: {  	[dreg:$0x4] =	wrdreg s18  }
0xb2: {  	[dreg:$0x5] =	wrdreg $0x9  }
0xb3: {  	_ =	task.clear_ibuf [dreg:s8], $0x6FFFF;
	_ =	strace $0x90000046  }
0xb4: {  	s29 =	simm.s32 $0x9;
	_ =	strace $0x80000048  }
0xb5: {  	_ =	swait.ge [sflag:s29], $0x1  }
0xb6: {  	[sflag:s29] =	ssyncadd.s32 $0xFFFFFFFF  }
0xb7: {  	_ =	strace $0x90000048  }
0xb8: {  	_ =	sfence  }
0xb9: {  	s30 =	sld [smem:$0x0];
	_ =	sdelay $0x2  }
0xba: {  	s31 =	sshll.u32 s1, $0xD;
	s1 =	sshrl.u32 s1, $0x2  }
0xbb: {  	s3 =	sand.u32 $0x4000, s31;
	s1 =	sadd.s32 s1, s30  }
0xbc: {  	s0 =	sor.u32 s3, s0;
	s1 =	sshll.u32 s1, $0x11  }
0xbd: {  	s0 =	sor.u32 s1, s0  }
0xbe: {  	s0 =	sadd.s32 $0x8F2B, s0  }
0xbf: {  	[sflag:s0] =	ssyncadd.remote.s32 $0x1  }
0xc0: {  	_ =	sfence.sel $0xFFFF  }
0xc1: {  	[dreg:$0x0] =	wrdreg $0xFFFFFFFF;
	(pc) =	sbr.abs _section_cstart, $3  }
0xc2: {  	[dreg:$0x1] =	wrdreg $0xFFFFFFFF  }
0xc3: {  	_ =	task.clear_ibuf [dreg:s8], $0x2FFFF;
	_ =	strace $0x9FFFFFFF  }
0xc4: {  	(tm) =	ssettm $0x7FFFFFFF  }
0xc5: {  	_ =	shalt  }
tec
execute0_lowered:
.L_overlay_start_1:
0x0: {  	(tag) =	ssettag $0x1  }
0x1: {  	s0 =	srdreg.scid;
	s2 =	stileid.u32  }
0x2: {  	s0 =	sand.u32 $0x1, s0;
	s2 =	sshll.u32 s2, $0x1  }
0x3: {  	s2 =	sor.u32 s0, s2  }
0x4: {  	s1 =	rddreg [dreg:$0x0];
	s2 =	smul.u32 $0x121, s2  }
0x5: {  	s4 =	rddreg [dreg:$0x1]  }
0x6: {  	s6 =	rddreg [dreg:$0x2];
	s8 =	sshrl.u32 s2, $0x5  }
0x7: {  	s3 =	simm.s32 $0x0;
	s30 =	simm.s32 $0xC280;
	s5 =	sshll.u32 s8, $0x3  }
0x8: {  	s18 =	simm.s32 $0x1;
	s9 =	smul.u32 $0x1800, s8;
	s4 =	sadd.s32 s5, s4  }
0x9: {  	s20 =	simm.s32 $0x3;
	[smem:$0x7FF] =	sst s3;
	s4 =	sadd.s32 $0x600, s4  }
0xa: {  	_ =	strace $0x80000047;
	s6 =	sadd.s32 s6, s9;
	[dreg:$0x4] =	wrdreg s4  }
0xb: {  	s0 =	ssub.s32 $0x2, s0;
	s21 =	sadd.s32 $0x1800, s6;
	[dreg:$0x5] =	wrdreg s6  }
0xc: {  	s7 =	sshrl.u32 s0, $0x1;
	s22 =	sadd.s32 $0x3000, s6;
	[dreg:$0x6] =	wrdreg s21  }
0xd: {  	s0 =	ssub.s32 s0, s7;
	s23 =	sadd.s32 $0x4800, s6;
	[dreg:$0x7] =	wrdreg s22  }
0xe: {  	s7 =	sadd.s32 $0x200, s1;
	s24 =	sadd.s32 $0x6000, s6;
	[dreg:$0x8] =	wrdreg s23  }
0xf: {  	s2 =	sadd.s32 $0x121, s2;
	s25 =	sadd.s32 $0x7800, s6;
	[dreg:$0x9] =	wrdreg s24  }
0x10: {  	s0 =	smax.u32 s0, $0x1;
	s26 =	sadd.s32 $0x9000, s6;
	[dreg:$0xa] =	wrdreg s25  }
.Ltmp0:
0x11: {  	s28 =	sadd.s32 $0xA800, s6;
	[dreg:$0xb] =	wrdreg s26;
	(pc) =	sbr.rel .LBB2_1-.Ltmp0, $4  }
0x12: {  	s2 =	sshrl.u32 s2, $0x5;
	s31 =	sadd.s32 $0xC000, s6;
	[dreg:$0xc] =	wrdreg s28  }
0x13: {  	v2 =	vlaneseq.u32;
	s29 =	sadd.s32 $0x9, s8;
	s6 =	sadd.s32 $0xD800, s6;
	[dreg:$0xd] =	wrdreg s31  }
0x14: {  	vm0 =	vmmov $0xffff;
	v1 =	vshrl.u32 v2, $0x3;
	s5 =	sadd.s32 $0x100, s1;
	p0 =	sge.u32 s29, s2;
	[dreg:$0xe] =	wrdreg s6  }
0x15: {  	v0 =	vand.u32 $0x7, v2;
	v2 =	vor.u32 $0x8, v2;
	v1 =	vmul.u32 $0x8, v1;
	s25 =	simm.s32 $0x280;
	s21 =	simm.s32 $0x2;
	s22 =	simm.s32 $0x4  }
.LBB2_3:
0x16: {  	_ =	swait.ge [sflag:s18], $0xC000  }
0x17: {  	[sflag:s18] =	ssyncset.done $0x0;
	s23 =	rddreg [dreg:$0xd]  }
0x18: {  	s0 =	rddreg [dreg:$0xf];
	[sflag:s18] =	ssyncadd.s32 $0xFFFF4000  }
0x19: {  	[hbm4b:s23+s3] =	stream.linear.scatter [tilespmem:s25], [sflag:$0x3], $0xC000, $0x38;
	[tilespmem:$0x18280] =	vst v63  }
.LBB2_4:
0x1a: {  	s0 =	sadd.s32 $0xFFFFFFFF, s0  }
0x1b: {  	_ =	swait.ge [sflag:s20], $0xC000;
	p1 =	sne.s32 s0, $0x0  }
.Ltmp1:
0x1c: {  	[sflag:s20] =	ssyncset.done $0x0;
	(pc) =	sbr.rel @!p1 .LBB2_5-.Ltmp1, $4  }
0x1d: {  	[sflag:s20] =	ssyncadd.s32 $0xFFFF4000  }
0x1e: {  	_ =	swait.ge [sflag:s22], $0xC000  }
0x1f: {  	[sflag:s22] =	ssyncset.done $0x0  }
0x20: {  	[sflag:s22] =	ssyncadd.s32 $0xFFFF4000  }
.LBB2_1:
0x21: {  	[dreg:$0xf] =	wrdreg s0  }
0x22: {  	s23 =	rddreg [dreg:$0x4];
	s8 =	simm.s32 $0x5  }
0x23: {  	[tilespmem:s3], [sflag:$0x5] =	stream.linear.gather [hbm4b:s23+s3], $0x280, $0x38;
	[tilespmem:$0x18280] =	vst v63  }
0x24: {  	_ =	swait.ge [sflag:s8], $0x280  }
0x25: {  	[sflag:s8] =	ssyncset.done $0x0  }
0x26: {  	[sflag:s8] =	ssyncadd.s32 $0xFFFFFD80  }
0x27: {  	v3 =	vld [tilespmem:$0x0];
	_ =	sdelay $0x4  }
0x28: {  	v4 =	vshrl.u32 v3, $0x3  }
0x29: {  	v4 =	vmul.u32 $0x30, v4  }
0x2a: {  	v3 =	vand.u32 $0x7, v3  }
0x2b: {  	v3 =	vor.u32 v3, v4  }
0x2c: {  	v4 =	vperm.xlane v3, v0;
	_ =	sdelay $0x1  }
0x2d: {  	v4 =	vadd.s32 v1, v4;
	_ =	sdelay $0x3  }
0x2e: {  	v3 =	vperm.xlane v3, v2  }
0x2f: {  	[tilespmem:s25], [sflag:$0x1] =	stream.indirect_vreg.gather [hbm4b:s1+s3], $0x80, v4, vm0, $0xb8;
	[tilespmem:$0x18280] =	vst v63  }
0x30: {  	s9 =	simm.s32 $0xA80;
	v3 =	vadd.s32 v1, v3  }
0x31: {  	[tilespmem:s9], [sflag:$0x1] =	stream.indirect_vreg.gather [hbm4b:s5+s3], $0x80, v4, vm0, $0xb8;
	[tilespmem:$0x18280] =	vst v63  }
0x32: {  	s10 =	simm.s32 $0x1280  }
0x33: {  	[tilespmem:s10], [sflag:$0x1] =	stream.indirect_vreg.gather [hbm4b:s7+s3], $0x80, v4, vm0, $0xb8;
	[tilespmem:$0x18280] =	vst v63  }
0x34: {  	s11 =	simm.s32 $0x1A80  }
0x35: {  	[tilespmem:s11], [sflag:$0x1] =	stream.indirect_vreg.gather [hbm4b:s1+s3], $0x80, v3, vm0, $0xb8;
	[tilespmem:$0x18280] =	vst v63  }
0x36: {  	s12 =	simm.s32 $0x2280  }
0x37: {  	[tilespmem:s12], [sflag:$0x1] =	stream.indirect_vreg.gather [hbm4b:s5+s3], $0x80, v3, vm0, $0xb8;
	[tilespmem:$0x18280] =	vst v63  }
0x38: {  	s13 =	simm.s32 $0x2A80  }
0x39: {  	[tilespmem:s13], [sflag:$0x1] =	stream.indirect_vreg.gather [hbm4b:s7+s3], $0x80, v3, vm0, $0xb8;
	[tilespmem:$0x18280] =	vst v63  }
0x3a: {  	v3 =	vld [tilespmem:$0x10];
	_ =	sdelay $0x4  }
0x3b: {  	v29 =	vshrl.u32 v3, $0x3  }
0x3c: {  	v4 =	vmul.u32 $0x30, v29  }
0x3d: {  	v3 =	vand.u32 $0x7, v3  }
0x3e: {  	v3 =	vor.u32 v3, v4  }
0x3f: {  	v4 =	vperm.xlane v3, v0;
	_ =	sdelay $0x1  }
0x40: {  	v4 =	vadd.s32 v1, v4;
	_ =	sdelay $0x3  }
0x41: {  	s14 =	simm.s32 $0x3280;
	v3 =	vperm.xlane v3, v2  }
0x42: {  	[tilespmem:s14], [sflag:$0x1] =	stream.indirect_vreg.gather [hbm4b:s1+s3], $0x80, v4, vm0, $0xb8;
	[tilespmem:$0x18280] =	vst v63  }
0x43: {  	s15 =	simm.s32 $0x3A80;
	v3 =	vadd.s32 v1, v3  }
0x44: {  	[tilespmem:s15], [sflag:$0x1] =	stream.indirect_vreg.gather [hbm4b:s5+s3], $0x80, v4, vm0, $0xb8;
	[tilespmem:$0x18280] =	vst v63  }
0x45: {  	s16 =	simm.s32 $0x4280  }
0x46: {  	[tilespmem:s16], [sflag:$0x1] =	stream.indirect_vreg.gather [hbm4b:s7+s3], $0x80, v4, vm0, $0xb8;
	[tilespmem:$0x18280] =	vst v63  }
0x47: {  	s17 =	simm.s32 $0x4A80  }
0x48: {  	[tilespmem:s17], [sflag:$0x1] =	stream.indirect_vreg.gather [hbm4b:s1+s3], $0x80, v3, vm0, $0xb8;
	[tilespmem:$0x18280] =	vst v63  }
0x49: {  	s19 =	simm.s32 $0x5280  }
0x4a: {  	[tilespmem:s19], [sflag:$0x1] =	stream.indirect_vreg.gather [hbm4b:s5+s3], $0x80, v3, vm0, $0xb8;
	[tilespmem:$0x18280] =	vst v63  }
0x4b: {  	s23 =	simm.s32 $0x5A80  }
0x4c: {  	[tilespmem:s23], [sflag:$0x1] =	stream.indirect_vreg.gather [hbm4b:s7+s3], $0x80, v3, vm0, $0xb8;
	[tilespmem:$0x18280] =	vst v63  }
0x4d: {  	v3 =	vld [tilespmem:$0x20];
	_ =	sdelay $0x4  }
0x4e: {  	v30 =	vshrl.u32 v3, $0x3  }
0x4f: {  	v4 =	vmul.u32 $0x30, v30  }
0x50: {  	v3 =	vand.u32 $0x7, v3  }
0x51: {  	v3 =	vor.u32 v3, v4  }
0x52: {  	v4 =	vperm.xlane v3, v0;
	_ =	sdelay $0x1  }
0x53: {  	v4 =	vadd.s32 v1, v4;
	_ =	sdelay $0x3  }
0x54: {  	s24 =	simm.s32 $0x6280;
	v3 =	vperm.xlane v3, v2  }
0x55: {  	[tilespmem:s24], [sflag:$0x1] =	stream.indirect_vreg.gather [hbm4b:s1+s3], $0x80, v4, vm0, $0xb8;
	[tilespmem:$0x18280] =	vst v63  }
0x56: {  	s26 =	simm.s32 $0x6A80;
	v3 =	vadd.s32 v1, v3  }
0x57: {  	[tilespmem:s26], [sflag:$0x1] =	stream.indirect_vreg.gather [hbm4b:s5+s3], $0x80, v4, vm0, $0xb8;
	[tilespmem:$0x18280] =	vst v63  }
0x58: {  	s28 =	simm.s32 $0x7280  }
0x59: {  	[tilespmem:s28], [sflag:$0x1] =	stream.indirect_vreg.gather [hbm4b:s7+s3], $0x80, v4, vm0, $0xb8;
	[tilespmem:$0x18280] =	vst v63  }
0x5a: {  	s2 =	simm.s32 $0x7A80  }
0x5b: {  	[tilespmem:s2], [sflag:$0x1] =	stream.indirect_vreg.gather [hbm4b:s1+s3], $0x80, v3, vm0, $0xb8;
	[tilespmem:$0x18280] =	vst v63  }
0x5c: {  	s4 =	simm.s32 $0x8280  }
0x5d: {  	[tilespmem:s4], [sflag:$0x1] =	stream.indirect_vreg.gather [hbm4b:s5+s3], $0x80, v3, vm0, $0xb8;
	[tilespmem:$0x18280] =	vst v63  }
0x5e: {  	s9 =	simm.s32 $0x8A80  }
0x5f: {  	[tilespmem:s9], [sflag:$0x1] =	stream.indirect_vreg.gather [hbm4b:s7+s3], $0x80, v3, vm0, $0xb8;
	[tilespmem:$0x18280] =	vst v63  }
0x60: {  	v3 =	vld [tilespmem:$0x30];
	_ =	sdelay $0x4  }
0x61: {  	v31 =	vshrl.u32 v3, $0x3  }
0x62: {  	v4 =	vmul.u32 $0x30, v31  }
0x63: {  	v3 =	vand.u32 $0x7, v3  }
0x64: {  	v3 =	vor.u32 v3, v4  }
0x65: {  	v4 =	vperm.xlane v3, v0;
	_ =	sdelay $0x1  }
0x66: {  	v4 =	vadd.s32 v1, v4;
	_ =	sdelay $0x3  }
0x67: {  	s10 =	simm.s32 $0x9280;
	v3 =	vperm.xlane v3, v2  }
0x68: {  	[tilespmem:s10], [sflag:$0x1] =	stream.indirect_vreg.gather [hbm4b:s1+s3], $0x80, v4, vm0, $0xb8;
	[tilespmem:$0x18280] =	vst v63  }
0x69: {  	s13 =	simm.s32 $0x9A80;
	v3 =	vadd.s32 v1, v3  }
0x6a: {  	[tilespmem:s13], [sflag:$0x1] =	stream.indirect_vreg.gather [hbm4b:s5+s3], $0x80, v4, vm0, $0xb8;
	[tilespmem:$0x18280] =	vst v63  }
0x6b: {  	s14 =	simm.s32 $0xA280  }
0x6c: {  	[tilespmem:s14], [sflag:$0x1] =	stream.indirect_vreg.gather [hbm4b:s7+s3], $0x80, v4, vm0, $0xb8;
	[tilespmem:$0x18280] =	vst v63  }
0x6d: {  	s17 =	simm.s32 $0xAA80  }
0x6e: {  	[tilespmem:s17], [sflag:$0x1] =	stream.indirect_vreg.gather [hbm4b:s1+s3], $0x80, v3, vm0, $0xb8;
	[tilespmem:$0x18280] =	vst v63  }
0x6f: {  	s19 =	simm.s32 $0xB280  }
0x70: {  	[tilespmem:s19], [sflag:$0x1] =	stream.indirect_vreg.gather [hbm4b:s5+s3], $0x80, v3, vm0, $0xb8;
	[tilespmem:$0x18280] =	vst v63  }
0x71: {  	s23 =	simm.s32 $0xBA80  }
0x72: {  	[tilespmem:s23], [sflag:$0x1] =	stream.indirect_vreg.gather [hbm4b:s7+s3], $0x80, v3, vm0, $0xb8;
	[tilespmem:$0x18280] =	vst v63  }
0x73: {  	v3 =	vld [tilespmem:$0x40];
	_ =	sdelay $0x4  }
0x74: {  	v32 =	vshrl.u32 v3, $0x3  }
0x75: {  	v4 =	vmul.u32 $0x30, v32  }
0x76: {  	v3 =	vand.u32 $0x7, v3  }
0x77: {  	v3 =	vor.u32 v3, v4  }
0x78: {  	v4 =	vperm.xlane v3, v0;
	_ =	sdelay $0x1  }
0x79: {  	v4 =	vadd.s32 v1, v4;
	_ =	sdelay $0x3  }
0x7a: {  	v3 =	vperm.xlane v3, v2  }
0x7b: {  	[tilespmem:s30], [sflag:$0x2] =	stream.indirect_vreg.gather [hbm4b:s1+s3], $0x80, v4, vm0, $0xb8;
	[tilespmem:$0x18280] =	vst v63  }
0x7c: {  	s24 =	simm.s32 $0xCA80;
	v3 =	vadd.s32 v1, v3  }
0x7d: {  	[tilespmem:s24], [sflag:$0x2] =	stream.indirect_vreg.gather [hbm4b:s5+s3], $0x80, v4, vm0, $0xb8;
	[tilespmem:$0x18280] =	vst v63  }
0x7e: {  	s28 =	simm.s32 $0xD280  }
0x7f: {  	[tilespmem:s28], [sflag:$0x2] =	stream.indirect_vreg.gather [hbm4b:s7+s3], $0x80, v4, vm0, $0xb8;
	[tilespmem:$0x18280] =	vst v63  }
0x80: {  	s2 =	simm.s32 $0xDA80  }
0x81: {  	[tilespmem:s2], [sflag:$0x2] =	stream.indirect_vreg.gather [hbm4b:s1+s3], $0x80, v3, vm0, $0xb8;
	[tilespmem:$0x18280] =	vst v63  }
0x82: {  	s4 =	simm.s32 $0xE280  }
0x83: {  	[tilespmem:s4], [sflag:$0x2] =	stream.indirect_vreg.gather [hbm4b:s5+s3], $0x80, v3, vm0, $0xb8;
	[tilespmem:$0x18280] =	vst v63  }
0x84: {  	s9 =	simm.s32 $0xEA80  }
0x85: {  	[tilespmem:s9], [sflag:$0x2] =	stream.indirect_vreg.gather [hbm4b:s7+s3], $0x80, v3, vm0, $0xb8;
	[tilespmem:$0x18280] =	vst v63  }
0x86: {  	v3 =	vld [tilespmem:$0x50];
	_ =	sdelay $0x4  }
0x87: {  	v33 =	vshrl.u32 v3, $0x3  }
0x88: {  	v4 =	vmul.u32 $0x30, v33  }
0x89: {  	v3 =	vand.u32 $0x7, v3  }
0x8a: {  	v3 =	vor.u32 v3, v4  }
0x8b: {  	v4 =	vperm.xlane v3, v0;
	_ =	sdelay $0x1  }
0x8c: {  	v4 =	vadd.s32 v1, v4;
	_ =	sdelay $0x3  }
0x8d: {  	s10 =	simm.s32 $0xF280;
	v3 =	vperm.xlane v3, v2  }
0x8e: {  	[tilespmem:s10], [sflag:$0x2] =	stream.indirect_vreg.gather [hbm4b:s1+s3], $0x80, v4, vm0, $0xb8;
	[tilespmem:$0x18280] =	vst v63  }
0x8f: {  	s13 =	simm.s32 $0xFA80;
	v3 =	vadd.s32 v1, v3  }
0x90: {  	[tilespmem:s13], [sflag:$0x2] =	stream.indirect_vreg.gather [hbm4b:s5+s3], $0x80, v4, vm0, $0xb8;
	[tilespmem:$0x18280] =	vst v63  }
0x91: {  	s14 =	simm.s32 $0x10280  }
0x92: {  	[tilespmem:s14], [sflag:$0x2] =	stream.indirect_vreg.gather [hbm4b:s7+s3], $0x80, v4, vm0, $0xb8;
	[tilespmem:$0x18280] =	vst v63  }
0x93: {  	s17 =	simm.s32 $0x10A80  }
0x94: {  	[tilespmem:s17], [sflag:$0x2] =	stream.indirect_vreg.gather [hbm4b:s1+s3], $0x80, v3, vm0, $0xb8;
	[tilespmem:$0x18280] =	vst v63  }
0x95: {  	s19 =	simm.s32 $0x11280  }
0x96: {  	[tilespmem:s19], [sflag:$0x2] =	stream.indirect_vreg.gather [hbm4b:s5+s3], $0x80, v3, vm0, $0xb8;
	[tilespmem:$0x18280] =	vst v63  }
0x97: {  	s23 =	simm.s32 $0x11A80  }
0x98: {  	[tilespmem:s23], [sflag:$0x2] =	stream.indirect_vreg.gather [hbm4b:s7+s3], $0x80, v3, vm0, $0xb8;
	[tilespmem:$0x18280] =	vst v63  }
0x99: {  	v3 =	vld [tilespmem:$0x60];
	_ =	sdelay $0x4  }
0x9a: {  	v34 =	vshrl.u32 v3, $0x3  }
0x9b: {  	v4 =	vmul.u32 $0x30, v34  }
0x9c: {  	v3 =	vand.u32 $0x7, v3  }
0x9d: {  	v3 =	vor.u32 v3, v4  }
0x9e: {  	v4 =	vperm.xlane v3, v0;
	_ =	sdelay $0x1  }
0x9f: {  	v4 =	vadd.s32 v1, v4;
	_ =	sdelay $0x3  }
0xa0: {  	s24 =	simm.s32 $0x12280;
	v3 =	vperm.xlane v3, v2  }
0xa1: {  	[tilespmem:s24], [sflag:$0x2] =	stream.indirect_vreg.gather [hbm4b:s1+s3], $0x80, v4, vm0, $0xb8;
	[tilespmem:$0x18280] =	vst v63  }
0xa2: {  	s28 =	simm.s32 $0x12A80;
	v3 =	vadd.s32 v1, v3  }
0xa3: {  	[tilespmem:s28], [sflag:$0x2] =	stream.indirect_vreg.gather [hbm4b:s5+s3], $0x80, v4, vm0, $0xb8;
	[tilespmem:$0x18280] =	vst v63  }
0xa4: {  	s2 =	simm.s32 $0x13280  }
0xa5: {  	[tilespmem:s2], [sflag:$0x2] =	stream.indirect_vreg.gather [hbm4b:s7+s3], $0x80, v4, vm0, $0xb8;
	[tilespmem:$0x18280] =	vst v63  }
0xa6: {  	s4 =	simm.s32 $0x13A80  }
0xa7: {  	[tilespmem:s4], [sflag:$0x2] =	stream.indirect_vreg.gather [hbm4b:s1+s3], $0x80, v3, vm0, $0xb8;
	[tilespmem:$0x18280] =	vst v63  }
0xa8: {  	s9 =	simm.s32 $0x14280  }
0xa9: {  	[tilespmem:s9], [sflag:$0x2] =	stream.indirect_vreg.gather [hbm4b:s5+s3], $0x80, v3, vm0, $0xb8;
	[tilespmem:$0x18280] =	vst v63  }
0xaa: {  	s28 =	simm.s32 $0x14A80  }
0xab: {  	[tilespmem:s28], [sflag:$0x2] =	stream.indirect_vreg.gather [hbm4b:s7+s3], $0x80, v3, vm0, $0xb8;
	[tilespmem:$0x18280] =	vst v63  }
0xac: {  	v3 =	vld [tilespmem:$0x70];
	_ =	sdelay $0x4  }
0xad: {  	v35 =	vshrl.u32 v3, $0x3  }
0xae: {  	v4 =	vmul.u32 $0x30, v35  }
0xaf: {  	v3 =	vand.u32 $0x7, v3  }
0xb0: {  	v3 =	vor.u32 v3, v4  }
0xb1: {  	v4 =	vperm.xlane v3, v0;
	_ =	sdelay $0x1  }
0xb2: {  	v4 =	vadd.s32 v1, v4;
	_ =	sdelay $0x3  }
0xb3: {  	s10 =	simm.s32 $0x15280;
	v3 =	vperm.xlane v3, v2  }
0xb4: {  	[tilespmem:s10], [sflag:$0x2] =	stream.indirect_vreg.gather [hbm4b:s1+s3], $0x80, v4, vm0, $0xb8;
	[tilespmem:$0x18280] =	vst v63  }
0xb5: {  	s13 =	simm.s32 $0x15A80;
	v3 =	vadd.s32 v1, v3  }
0xb6: {  	[tilespmem:s13], [sflag:$0x2] =	stream.indirect_vreg.gather [hbm4b:s5+s3], $0x80, v4, vm0, $0xb8;
	[tilespmem:$0x18280] =	vst v63  }
0xb7: {  	s14 =	simm.s32 $0x16280  }
0xb8: {  	[tilespmem:s14], [sflag:$0x2] =	stream.indirect_vreg.gather [hbm4b:s7+s3], $0x80, v4, vm0, $0xb8;
	[tilespmem:$0x18280] =	vst v63  }
0xb9: {  	s17 =	simm.s32 $0x16A80  }
0xba: {  	[tilespmem:s17], [sflag:$0x2] =	stream.indirect_vreg.gather [hbm4b:s1+s3], $0x80, v3, vm0, $0xb8;
	[tilespmem:$0x18280] =	vst v63  }
0xbb: {  	s19 =	simm.s32 $0x17280  }
0xbc: {  	[tilespmem:s19], [sflag:$0x2] =	stream.indirect_vreg.gather [hbm4b:s5+s3], $0x80, v3, vm0, $0xb8;
	[tilespmem:$0x18280] =	vst v63  }
0xbd: {  	s23 =	simm.s32 $0x17A80  }
0xbe: {  	[tilespmem:s23], [sflag:$0x2] =	stream.indirect_vreg.gather [hbm4b:s7+s3], $0x80, v3, vm0, $0xb8;
	[tilespmem:$0x18280] =	vst v63  }
0xbf: {  	_ =	swait.ge [sflag:s18], $0xC000  }
0xc0: {  	[sflag:s18] =	ssyncset.done $0x0  }
0xc1: {  	s24 =	rddreg [dreg:$0x5];
	[sflag:s18] =	ssyncadd.s32 $0xFFFF4000  }
0xc2: {  	[hbm4b:s24+s3] =	stream.linear.scatter [tilespmem:s25], [sflag:$0x3], $0xC000, $0x38;
	[tilespmem:$0x18280] =	vst v63  }
0xc3: {  	_ =	swait.ge [sflag:s20], $0xC000  }
0xc4: {  	[sflag:s20] =	ssyncset.done $0x0  }
0xc5: {  	[sflag:s20] =	ssyncadd.s32 $0xFFFF4000  }
0xc6: {  	v3 =	vld [tilespmem:$0x80];
	_ =	sdelay $0x4  }
0xc7: {  	v36 =	vshrl.u32 v3, $0x3  }
0xc8: {  	v4 =	vmul.u32 $0x30, v36  }
0xc9: {  	v3 =	vand.u32 $0x7, v3  }
0xca: {  	v3 =	vor.u32 v3, v4  }
0xcb: {  	v4 =	vperm.xlane v3, v0;
	_ =	sdelay $0x1  }
0xcc: {  	v4 =	vadd.s32 v1, v4;
	_ =	sdelay $0x3  }
0xcd: {  	v3 =	vperm.xlane v3, v2  }
0xce: {  	[tilespmem:s25], [sflag:$0x1] =	stream.indirect_vreg.gather [hbm4b:s1+s3], $0x80, v4, vm0, $0xb8;
	[tilespmem:$0x18280] =	vst v63  }
0xcf: {  	s30 =	simm.s32 $0xA80;
	v3 =	vadd.s32 v1, v3  }
0xd0: {  	[tilespmem:s30], [sflag:$0x1] =	stream.indirect_vreg.gather [hbm4b:s5+s3], $0x80, v4, vm0, $0xb8;
	[tilespmem:$0x18280] =	vst v63  }
0xd1: {  	s25 =	simm.s32 $0x1280  }
0xd2: {  	[tilespmem:s25], [sflag:$0x1] =	stream.indirect_vreg.gather [hbm4b:s7+s3], $0x80, v4, vm0, $0xb8;
	[tilespmem:$0x18280] =	vst v63  }
0xd3: {  	s2 =	simm.s32 $0x1A80  }
0xd4: {  	[tilespmem:s2], [sflag:$0x1] =	stream.indirect_vreg.gather [hbm4b:s1+s3], $0x80, v3, vm0, $0xb8;
	[tilespmem:$0x18280] =	vst v63  }
0xd5: {  	s4 =	simm.s32 $0x2280  }
0xd6: {  	[tilespmem:s4], [sflag:$0x1] =	stream.indirect_vreg.gather [hbm4b:s5+s3], $0x80, v3, vm0, $0xb8;
	[tilespmem:$0x18280] =	vst v63  }
0xd7: {  	s6 =	simm.s32 $0x2A80  }
0xd8: {  	[tilespmem:s6], [sflag:$0x1] =	stream.indirect_vreg.gather [hbm4b:s7+s3], $0x80, v3, vm0, $0xb8;
	[tilespmem:$0x18280] =	vst v63  }
0xd9: {  	v3 =	vld [tilespmem:$0x90];
	_ =	sdelay $0x4  }
0xda: {  	v37 =	vshrl.u32 v3, $0x3  }
0xdb: {  	v4 =	vmul.u32 $0x30, v37  }
0xdc: {  	v3 =	vand.u32 $0x7, v3  }
0xdd: {  	v3 =	vor.u32 v3, v4  }
0xde: {  	v4 =	vperm.xlane v3, v0;
	_ =	sdelay $0x1  }
0xdf: {  	v4 =	vadd.s32 v1, v4;
	_ =	sdelay $0x3  }
0xe0: {  	s8 =	simm.s32 $0x3280;
	v3 =	vperm.xlane v3, v2  }
0xe1: {  	[tilespmem:s8], [sflag:$0x1] =	stream.indirect_vreg.gather [hbm4b:s1+s3], $0x80, v4, vm0, $0xb8;
	[tilespmem:$0x18280] =	vst v63  }
0xe2: {  	s6 =	simm.s32 $0x3A80;
	v3 =	vadd.s32 v1, v3  }
0xe3: {  	[tilespmem:s6], [sflag:$0x1] =	stream.indirect_vreg.gather [hbm4b:s5+s3], $0x80, v4, vm0, $0xb8;
	[tilespmem:$0x18280] =	vst v63  }
0xe4: {  	s8 =	simm.s32 $0x4280  }
0xe5: {  	[tilespmem:s8], [sflag:$0x1] =	stream.indirect_vreg.gather [hbm4b:s7+s3], $0x80, v4, vm0, $0xb8;
	[tilespmem:$0x18280] =	vst v63  }
0xe6: {  	s9 =	simm.s32 $0x4A80  }
0xe7: {  	[tilespmem:s9], [sflag:$0x1] =	stream.indirect_vreg.gather [hbm4b:s1+s3], $0x80, v3, vm0, $0xb8;
	[tilespmem:$0x18280] =	vst v63  }
0xe8: {  	s10 =	simm.s32 $0x5280  }
0xe9: {  	[tilespmem:s10], [sflag:$0x1] =	stream.indirect_vreg.gather [hbm4b:s5+s3], $0x80, v3, vm0, $0xb8;
	[tilespmem:$0x18280] =	vst v63  }
0xea: {  	s11 =	simm.s32 $0x5A80  }
0xeb: {  	[tilespmem:s11], [sflag:$0x1] =	stream.indirect_vreg.gather [hbm4b:s7+s3], $0x80, v3, vm0, $0xb8;
	[tilespmem:$0x18280] =	vst v63  }
0xec: {  	v3 =	vld [tilespmem:$0xA0];
	_ =	sdelay $0x4  }
0xed: {  	v38 =	vshrl.u32 v3, $0x3  }
0xee: {  	v4 =	vmul.u32 $0x30, v38  }
0xef: {  	v3 =	vand.u32 $0x7, v3  }
0xf0: {  	v3 =	vor.u32 v3, v4  }
0xf1: {  	v4 =	vperm.xlane v3, v0;
	_ =	sdelay $0x1  }
0xf2: {  	v4 =	vadd.s32 v1, v4;
	_ =	sdelay $0x3  }
0xf3: {  	s12 =	simm.s32 $0x6280;
	v3 =	vperm.xlane v3, v2  }
0xf4: {  	[tilespmem:s12], [sflag:$0x1] =	stream.indirect_vreg.gather [hbm4b:s1+s3], $0x80, v4, vm0, $0xb8;
	[tilespmem:$0x18280] =	vst v63  }
0xf5: {  	s11 =	simm.s32 $0x6A80;
	v3 =	vadd.s32 v1, v3  }
0xf6: {  	[tilespmem:s11], [sflag:$0x1] =	stream.indirect_vreg.gather [hbm4b:s5+s3], $0x80, v4, vm0, $0xb8;
	[tilespmem:$0x18280] =	vst v63  }
0xf7: {  	s12 =	simm.s32 $0x7280  }
0xf8: {  	[tilespmem:s12], [sflag:$0x1] =	stream.indirect_vreg.gather [hbm4b:s7+s3], $0x80, v4, vm0, $0xb8;
	[tilespmem:$0x18280] =	vst v63  }
0xf9: {  	s13 =	simm.s32 $0x7A80  }
0xfa: {  	[tilespmem:s13], [sflag:$0x1] =	stream.indirect_vreg.gather [hbm4b:s1+s3], $0x80, v3, vm0, $0xb8;
	[tilespmem:$0x18280] =	vst v63  }
0xfb: {  	s14 =	simm.s32 $0x8280  }
0xfc: {  	[tilespmem:s14], [sflag:$0x1] =	stream.indirect_vreg.gather [hbm4b:s5+s3], $0x80, v3, vm0, $0xb8;
	[tilespmem:$0x18280] =	vst v63  }
0xfd: {  	s15 =	simm.s32 $0x8A80  }
0xfe: {  	[tilespmem:s15], [sflag:$0x1] =	stream.indirect_vreg.gather [hbm4b:s7+s3], $0x80, v3, vm0, $0xb8;
	[tilespmem:$0x18280] =	vst v63  }
0xff: {  	v3 =	vld [tilespmem:$0xB0];
	_ =	sdelay $0x4  }
0x100: {  	v39 =	vshrl.u32 v3, $0x3  }
0x101: {  	v4 =	vmul.u32 $0x30, v39  }
0x102: {  	v3 =	vand.u32 $0x7, v3  }
0x103: {  	v3 =	vor.u32 v3, v4  }
0x104: {  	v4 =	vperm.xlane v3, v0;
	_ =	sdelay $0x1  }
0x105: {  	v4 =	vadd.s32 v1, v4;
	_ =	sdelay $0x3  }
0x106: {  	s16 =	simm.s32 $0x9280;
	v3 =	vperm.xlane v3, v2  }
0x107: {  	[tilespmem:s16], [sflag:$0x1] =	stream.indirect_vreg.gather [hbm4b:s1+s3], $0x80, v4, vm0, $0xb8;
	[tilespmem:$0x18280] =	vst v63  }
0x108: {  	s15 =	simm.s32 $0x9A80;
	v3 =	vadd.s32 v1, v3  }
0x109: {  	[tilespmem:s15], [sflag:$0x1] =	stream.indirect_vreg.gather [hbm4b:s5+s3], $0x80, v4, vm0, $0xb8;
	[tilespmem:$0x18280] =	vst v63  }
0x10a: {  	s16 =	simm.s32 $0xA280  }
0x10b: {  	[tilespmem:s16], [sflag:$0x1] =	stream.indirect_vreg.gather [hbm4b:s7+s3], $0x80, v4, vm0, $0xb8;
	[tilespmem:$0x18280] =	vst v63  }
0x10c: {  	s17 =	simm.s32 $0xAA80  }
0x10d: {  	[tilespmem:s17], [sflag:$0x1] =	stream.indirect_vreg.gather [hbm4b:s1+s3], $0x80, v3, vm0, $0xb8;
	[tilespmem:$0x18280] =	vst v63  }
0x10e: {  	s24 =	simm.s32 $0xB280  }
0x10f: {  	[tilespmem:s24], [sflag:$0x1] =	stream.indirect_vreg.gather [hbm4b:s5+s3], $0x80, v3, vm0, $0xb8;
	[tilespmem:$0x18280] =	vst v63  }
0x110: {  	s26 =	simm.s32 $0xBA80  }
0x111: {  	[tilespmem:s26], [sflag:$0x1] =	stream.indirect_vreg.gather [hbm4b:s7+s3], $0x80, v3, vm0, $0xb8;
	[tilespmem:$0x18280] =	vst v63  }
0x112: {  	_ =	swait.ge [sflag:s21], $0xC000  }
0x113: {  	[sflag:s21] =	ssyncset.done $0x0  }
0x114: {  	s19 =	simm.s32 $0xC280;
	s26 =	rddreg [dreg:$0x6];
	[sflag:s21] =	ssyncadd.s32 $0xFFFF4000  }
0x115: {  	[hbm4b:s26+s3] =	stream.linear.scatter [tilespmem:s19], [sflag:$0x4], $0xC000, $0x38;
	[tilespmem:$0x18280] =	vst v63  }
0x116: {  	_ =	swait.ge [sflag:s22], $0xC000  }
0x117: {  	[sflag:s22] =	ssyncset.done $0x0  }
0x118: {  	[sflag:s22] =	ssyncadd.s32 $0xFFFF4000  }
0x119: {  	v3 =	vld [tilespmem:$0xC0];
	_ =	sdelay $0x4  }
0x11a: {  	v40 =	vshrl.u32 v3, $0x3  }
0x11b: {  	v4 =	vmul.u32 $0x30, v40  }
0x11c: {  	v3 =	vand.u32 $0x7, v3  }
0x11d: {  	v3 =	vor.u32 v3, v4  }
0x11e: {  	v4 =	vperm.xlane v3, v0;
	_ =	sdelay $0x1  }
0x11f: {  	v4 =	vadd.s32 v1, v4;
	_ =	sdelay $0x3  }
0x120: {  	v3 =	vperm.xlane v3, v2  }
0x121: {  	[tilespmem:s19], [sflag:$0x2] =	stream.indirect_vreg.gather [hbm4b:s1+s3], $0x80, v4, vm0, $0xb8;
	[tilespmem:$0x18280] =	vst v63  }
0x122: {  	s26 =	simm.s32 $0xCA80;
	v3 =	vadd.s32 v1, v3  }
0x123: {  	[tilespmem:s26], [sflag:$0x2] =	stream.indirect_vreg.gather [hbm4b:s5+s3], $0x80, v4, vm0, $0xb8;
	[tilespmem:$0x18280] =	vst v63  }
0x124: {  	s19 =	simm.s32 $0xD280  }
0x125: {  	[tilespmem:s19], [sflag:$0x2] =	stream.indirect_vreg.gather [hbm4b:s7+s3], $0x80, v4, vm0, $0xb8;
	[tilespmem:$0x18280] =	vst v63  }
0x126: {  	s23 =	simm.s32 $0xDA80  }
0x127: {  	[tilespmem:s23], [sflag:$0x2] =	stream.indirect_vreg.gather [hbm4b:s1+s3], $0x80, v3, vm0, $0xb8;
	[tilespmem:$0x18280] =	vst v63  }
0x128: {  	s23 =	simm.s32 $0xE280  }
0x129: {  	[tilespmem:s23], [sflag:$0x2] =	stream.indirect_vreg.gather [hbm4b:s5+s3], $0x80, v3, vm0, $0xb8;
	[tilespmem:$0x18280] =	vst v63  }
0x12a: {  	s29 =	simm.s32 $0xEA80  }
0x12b: {  	[tilespmem:s29], [sflag:$0x2] =	stream.indirect_vreg.gather [hbm4b:s7+s3], $0x80, v3, vm0, $0xb8;
	[tilespmem:$0x18280] =	vst v63  }
0x12c: {  	v3 =	vld [tilespmem:$0xD0];
	_ =	sdelay $0x4  }
0x12d: {  	v41 =	vshrl.u32 v3, $0x3  }
0x12e: {  	v4 =	vmul.u32 $0x30, v41  }
0x12f: {  	v3 =	vand.u32 $0x7, v3  }
0x130: {  	v3 =	vor.u32 v3, v4  }
0x131: {  	v4 =	vperm.xlane v3, v0;
	_ =	sdelay $0x1  }
0x132: {  	v4 =	vadd.s32 v1, v4;
	_ =	sdelay $0x3  }
0x133: {  	s31 =	simm.s32 $0xF280;
	v3 =	vperm.xlane v3, v2  }
0x134: {  	[tilespmem:s31], [sflag:$0x2] =	stream.indirect_vreg.gather [hbm4b:s1+s3], $0x80, v4, vm0, $0xb8;
	[tilespmem:$0x18280] =	vst v63  }
0x135: {  	s23 =	simm.s32 $0xFA80;
	v3 =	vadd.s32 v1, v3  }
0x136: {  	[tilespmem:s23], [sflag:$0x2] =	stream.indirect_vreg.gather [hbm4b:s5+s3], $0x80, v4, vm0, $0xb8;
	[tilespmem:$0x18280] =	vst v63  }
0x137: {  	s23 =	simm.s32 $0x10280  }
0x138: {  	[tilespmem:s23], [sflag:$0x2] =	stream.indirect_vreg.gather [hbm4b:s7+s3], $0x80, v4, vm0, $0xb8;
	[tilespmem:$0x18280] =	vst v63  }
0x139: {  	s23 =	simm.s32 $0x10A80  }
0x13a: {  	[tilespmem:s23], [sflag:$0x2] =	stream.indirect_vreg.gather [hbm4b:s1+s3], $0x80, v3, vm0, $0xb8;
	[tilespmem:$0x18280] =	vst v63  }
0x13b: {  	s23 =	simm.s32 $0x11280  }
0x13c: {  	[tilespmem:s23], [sflag:$0x2] =	stream.indirect_vreg.gather [hbm4b:s5+s3], $0x80, v3, vm0, $0xb8;
	[tilespmem:$0x18280] =	vst v63  }
0x13d: {  	s23 =	simm.s32 $0x11A80  }
0x13e: {  	[tilespmem:s23], [sflag:$0x2] =	stream.indirect_vreg.gather [hbm4b:s7+s3], $0x80, v3, vm0, $0xb8;
	[tilespmem:$0x18280] =	vst v63  }
0x13f: {  	v3 =	vld [tilespmem:$0xE0];
	_ =	sdelay $0x4  }
0x140: {  	v42 =	vshrl.u32 v3, $0x3  }
0x141: {  	v4 =	vmul.u32 $0x30, v42  }
0x142: {  	v3 =	vand.u32 $0x7, v3  }
0x143: {  	v3 =	vor.u32 v3, v4  }
0x144: {  	v4 =	vperm.xlane v3, v0;
	_ =	sdelay $0x1  }
0x145: {  	v4 =	vadd.s32 v1, v4;
	_ =	sdelay $0x3  }
0x146: {  	s23 =	simm.s32 $0x12280;
	v3 =	vperm.xlane v3, v2  }
0x147: {  	[tilespmem:s23], [sflag:$0x2] =	stream.indirect_vreg.gather [hbm4b:s1+s3], $0x80, v4, vm0, $0xb8;
	[tilespmem:$0x18280] =	vst v63  }
0x148: {  	v3 =	vadd.s32 v1, v3;
	s23 =	simm.s32 $0x12A80  }
0x149: {  	[tilespmem:s23], [sflag:$0x2] =	stream.indirect_vreg.gather [hbm4b:s5+s3], $0x80, v4, vm0, $0xb8;
	[tilespmem:$0x18280] =	vst v63  }
0x14a: {  	s23 =	simm.s32 $0x13280  }
0x14b: {  	[tilespmem:s23], [sflag:$0x2] =	stream.indirect_vreg.gather [hbm4b:s7+s3], $0x80, v4, vm0, $0xb8;
	[tilespmem:$0x18280] =	vst v63  }
0x14c: {  	s23 =	simm.s32 $0x13A80  }
0x14d: {  	[tilespmem:s23], [sflag:$0x2] =	stream.indirect_vreg.gather [hbm4b:s1+s3], $0x80, v3, vm0, $0xb8;
	[tilespmem:$0x18280] =	vst v63  }
0x14e: {  	s23 =	simm.s32 $0x14280  }
0x14f: {  	[tilespmem:s23], [sflag:$0x2] =	stream.indirect_vreg.gather [hbm4b:s5+s3], $0x80, v3, vm0, $0xb8;
	[tilespmem:$0x18280] =	vst v63  }
0x150: {  	_ = 	snop  }
0x151: {  	[tilespmem:s28], [sflag:$0x2] =	stream.indirect_vreg.gather [hbm4b:s7+s3], $0x80, v3, vm0, $0xb8;
	[tilespmem:$0x18280] =	vst v63  }
0x152: {  	v3 =	vld [tilespmem:$0xF0];
	_ =	sdelay $0x4  }
0x153: {  	v43 =	vshrl.u32 v3, $0x3  }
0x154: {  	v4 =	vmul.u32 $0x30, v43  }
0x155: {  	v3 =	vand.u32 $0x7, v3  }
0x156: {  	v3 =	vor.u32 v3, v4  }
0x157: {  	v4 =	vperm.xlane v3, v0;
	_ =	sdelay $0x1  }
0x158: {  	v4 =	vadd.s32 v1, v4;
	_ =	sdelay $0x3  }
0x159: {  	s28 =	simm.s32 $0x15280;
	v3 =	vperm.xlane v3, v2  }
0x15a: {  	[tilespmem:s28], [sflag:$0x2] =	stream.indirect_vreg.gather [hbm4b:s1+s3], $0x80, v4, vm0, $0xb8;
	[tilespmem:$0x18280] =	vst v63  }
0x15b: {  	v3 =	vadd.s32 v1, v3;
	s28 =	simm.s32 $0x15A80  }
0x15c: {  	[tilespmem:s28], [sflag:$0x2] =	stream.indirect_vreg.gather [hbm4b:s5+s3], $0x80, v4, vm0, $0xb8;
	[tilespmem:$0x18280] =	vst v63  }
0x15d: {  	s23 =	simm.s32 $0x16280  }
0x15e: {  	[tilespmem:s23], [sflag:$0x2] =	stream.indirect_vreg.gather [hbm4b:s7+s3], $0x80, v4, vm0, $0xb8;
	[tilespmem:$0x18280] =	vst v63  }
0x15f: {  	s23 =	simm.s32 $0x16A80  }
0x160: {  	[tilespmem:s23], [sflag:$0x2] =	stream.indirect_vreg.gather [hbm4b:s1+s3], $0x80, v3, vm0, $0xb8;
	[tilespmem:$0x18280] =	vst v63  }
0x161: {  	s29 =	simm.s32 $0x17280  }
0x162: {  	[tilespmem:s29], [sflag:$0x2] =	stream.indirect_vreg.gather [hbm4b:s5+s3], $0x80, v3, vm0, $0xb8;
	[tilespmem:$0x18280] =	vst v63  }
0x163: {  	s31 =	simm.s32 $0x17A80  }
0x164: {  	[tilespmem:s31], [sflag:$0x2] =	stream.indirect_vreg.gather [hbm4b:s7+s3], $0x80, v3, vm0, $0xb8;
	[tilespmem:$0x18280] =	vst v63  }
0x165: {  	_ =	swait.ge [sflag:s18], $0xC000  }
0x166: {  	[sflag:s18] =	ssyncset.done $0x0  }
0x167: {  	s0 =	simm.s32 $0x280;
	s23 =	rddreg [dreg:$0x7];
	[sflag:s18] =	ssyncadd.s32 $0xFFFF4000  }
0x168: {  	[hbm4b:s23+s3] =	stream.linear.scatter [tilespmem:s0], [sflag:$0x3], $0xC000, $0x38;
	[tilespmem:$0x18280] =	vst v63  }
0x169: {  	_ =	swait.ge [sflag:s20], $0xC000  }
0x16a: {  	[sflag:s20] =	ssyncset.done $0x0  }
0x16b: {  	[sflag:s20] =	ssyncadd.s32 $0xFFFF4000  }
0x16c: {  	v3 =	vld [tilespmem:$0x100];
	_ =	sdelay $0x4  }
0x16d: {  	v44 =	vshrl.u32 v3, $0x3  }
0x16e: {  	v4 =	vmul.u32 $0x30, v44  }
0x16f: {  	v3 =	vand.u32 $0x7, v3  }
0x170: {  	v3 =	vor.u32 v3, v4  }
0x171: {  	v4 =	vperm.xlane v3, v0;
	_ =	sdelay $0x1  }
0x172: {  	v4 =	vadd.s32 v1, v4;
	_ =	sdelay $0x3  }
0x173: {  	v3 =	vperm.xlane v3, v2  }
0x174: {  	[tilespmem:s0], [sflag:$0x1] =	stream.indirect_vreg.gather [hbm4b:s1+s3], $0x80, v4, vm0, $0xb8;
	[tilespmem:$0x18280] =	vst v63  }
0x175: {  	v3 =	vadd.s32 v1, v3  }
0x176: {  	[tilespmem:s30], [sflag:$0x1] =	stream.indirect_vreg.gather [hbm4b:s5+s3], $0x80, v4, vm0, $0xb8;
	[tilespmem:$0x18280] =	vst v63  }
0x177: {  	_ = 	snop  }
0x178: {  	[tilespmem:s25], [sflag:$0x1] =	stream.indirect_vreg.gather [hbm4b:s7+s3], $0x80, v4, vm0, $0xb8;
	[tilespmem:$0x18280] =	vst v63  }
0x179: {  	_ = 	snop  }
0x17a: {  	[tilespmem:s2], [sflag:$0x1] =	stream.indirect_vreg.gather [hbm4b:s1+s3], $0x80, v3, vm0, $0xb8;
	[tilespmem:$0x18280] =	vst v63  }
0x17b: {  	_ = 	snop  }
0x17c: {  	[tilespmem:s4], [sflag:$0x1] =	stream.indirect_vreg.gather [hbm4b:s5+s3], $0x80, v3, vm0, $0xb8;
	[tilespmem:$0x18280] =	vst v63  }
0x17d: {  	s0 =	simm.s32 $0x2A80  }
0x17e: {  	[tilespmem:s0], [sflag:$0x1] =	stream.indirect_vreg.gather [hbm4b:s7+s3], $0x80, v3, vm0, $0xb8;
	[tilespmem:$0x18280] =	vst v63  }
0x17f: {  	v3 =	vld [tilespmem:$0x110];
	_ =	sdelay $0x4  }
0x180: {  	v45 =	vshrl.u32 v3, $0x3  }
0x181: {  	v4 =	vmul.u32 $0x30, v45  }
0x182: {  	v3 =	vand.u32 $0x7, v3  }
0x183: {  	v3 =	vor.u32 v3, v4  }
0x184: {  	v4 =	vperm.xlane v3, v0;
	_ =	sdelay $0x1  }
0x185: {  	v4 =	vadd.s32 v1, v4;
	_ =	sdelay $0x3  }
0x186: {  	s2 =	simm.s32 $0x3280;
	v3 =	vperm.xlane v3, v2  }
0x187: {  	[tilespmem:s2], [sflag:$0x1] =	stream.indirect_vreg.gather [hbm4b:s1+s3], $0x80, v4, vm0, $0xb8;
	[tilespmem:$0x18280] =	vst v63  }
0x188: {  	v3 =	vadd.s32 v1, v3  }
0x189: {  	[tilespmem:s6], [sflag:$0x1] =	stream.indirect_vreg.gather [hbm4b:s5+s3], $0x80, v4, vm0, $0xb8;
	[tilespmem:$0x18280] =	vst v63  }
0x18a: {  	_ = 	snop  }
0x18b: {  	[tilespmem:s8], [sflag:$0x1] =	stream.indirect_vreg.gather [hbm4b:s7+s3], $0x80, v4, vm0, $0xb8;
	[tilespmem:$0x18280] =	vst v63  }
0x18c: {  	_ = 	snop  }
0x18d: {  	[tilespmem:s9], [sflag:$0x1] =	stream.indirect_vreg.gather [hbm4b:s1+s3], $0x80, v3, vm0, $0xb8;
	[tilespmem:$0x18280] =	vst v63  }
0x18e: {  	_ = 	snop  }
0x18f: {  	[tilespmem:s10], [sflag:$0x1] =	stream.indirect_vreg.gather [hbm4b:s5+s3], $0x80, v3, vm0, $0xb8;
	[tilespmem:$0x18280] =	vst v63  }
0x190: {  	s6 =	simm.s32 $0x5A80  }
0x191: {  	[tilespmem:s6], [sflag:$0x1] =	stream.indirect_vreg.gather [hbm4b:s7+s3], $0x80, v3, vm0, $0xb8;
	[tilespmem:$0x18280] =	vst v63  }
0x192: {  	v3 =	vld [tilespmem:$0x120];
	_ =	sdelay $0x4  }
0x193: {  	v46 =	vshrl.u32 v3, $0x3  }
0x194: {  	v4 =	vmul.u32 $0x30, v46  }
0x195: {  	v3 =	vand.u32 $0x7, v3  }
0x196: {  	v3 =	vor.u32 v3, v4  }
0x197: {  	v4 =	vperm.xlane v3, v0;
	_ =	sdelay $0x1  }
0x198: {  	v4 =	vadd.s32 v1, v4;
	_ =	sdelay $0x3  }
0x199: {  	s9 =	simm.s32 $0x6280;
	v3 =	vperm.xlane v3, v2  }
0x19a: {  	[tilespmem:s9], [sflag:$0x1] =	stream.indirect_vreg.gather [hbm4b:s1+s3], $0x80, v4, vm0, $0xb8;
	[tilespmem:$0x18280] =	vst v63  }
0x19b: {  	v3 =	vadd.s32 v1, v3  }
0x19c: {  	[tilespmem:s11], [sflag:$0x1] =	stream.indirect_vreg.gather [hbm4b:s5+s3], $0x80, v4, vm0, $0xb8;
	[tilespmem:$0x18280] =	vst v63  }
0x19d: {  	_ = 	snop  }
0x19e: {  	[tilespmem:s12], [sflag:$0x1] =	stream.indirect_vreg.gather [hbm4b:s7+s3], $0x80, v4, vm0, $0xb8;
	[tilespmem:$0x18280] =	vst v63  }
0x19f: {  	_ = 	snop  }
0x1a0: {  	[tilespmem:s13], [sflag:$0x1] =	stream.indirect_vreg.gather [hbm4b:s1+s3], $0x80, v3, vm0, $0xb8;
	[tilespmem:$0x18280] =	vst v63  }
0x1a1: {  	_ = 	snop  }
0x1a2: {  	[tilespmem:s14], [sflag:$0x1] =	stream.indirect_vreg.gather [hbm4b:s5+s3], $0x80, v3, vm0, $0xb8;
	[tilespmem:$0x18280] =	vst v63  }
0x1a3: {  	s10 =	simm.s32 $0x8A80  }
0x1a4: {  	[tilespmem:s10], [sflag:$0x1] =	stream.indirect_vreg.gather [hbm4b:s7+s3], $0x80, v3, vm0, $0xb8;
	[tilespmem:$0x18280] =	vst v63  }
0x1a5: {  	v3 =	vld [tilespmem:$0x130];
	_ =	sdelay $0x4  }
0x1a6: {  	v47 =	vshrl.u32 v3, $0x3  }
0x1a7: {  	v4 =	vmul.u32 $0x30, v47  }
0x1a8: {  	v3 =	vand.u32 $0x7, v3  }
0x1a9: {  	v3 =	vor.u32 v3, v4  }
0x1aa: {  	v4 =	vperm.xlane v3, v0;
	_ =	sdelay $0x1  }
0x1ab: {  	v4 =	vadd.s32 v1, v4;
	_ =	sdelay $0x3  }
0x1ac: {  	s11 =	simm.s32 $0x9280;
	v3 =	vperm.xlane v3, v2  }
0x1ad: {  	[tilespmem:s11], [sflag:$0x1] =	stream.indirect_vreg.gather [hbm4b:s1+s3], $0x80, v4, vm0, $0xb8;
	[tilespmem:$0x18280] =	vst v63  }
0x1ae: {  	v3 =	vadd.s32 v1, v3  }
0x1af: {  	[tilespmem:s15], [sflag:$0x1] =	stream.indirect_vreg.gather [hbm4b:s5+s3], $0x80, v4, vm0, $0xb8;
	[tilespmem:$0x18280] =	vst v63  }
0x1b0: {  	_ = 	snop  }
0x1b1: {  	[tilespmem:s16], [sflag:$0x1] =	stream.indirect_vreg.gather [hbm4b:s7+s3], $0x80, v4, vm0, $0xb8;
	[tilespmem:$0x18280] =	vst v63  }
0x1b2: {  	_ = 	snop  }
0x1b3: {  	[tilespmem:s17], [sflag:$0x1] =	stream.indirect_vreg.gather [hbm4b:s1+s3], $0x80, v3, vm0, $0xb8;
	[tilespmem:$0x18280] =	vst v63  }
0x1b4: {  	_ = 	snop  }
0x1b5: {  	[tilespmem:s24], [sflag:$0x1] =	stream.indirect_vreg.gather [hbm4b:s5+s3], $0x80, v3, vm0, $0xb8;
	[tilespmem:$0x18280] =	vst v63  }
0x1b6: {  	s12 =	simm.s32 $0xBA80  }
0x1b7: {  	[tilespmem:s12], [sflag:$0x1] =	stream.indirect_vreg.gather [hbm4b:s7+s3], $0x80, v3, vm0, $0xb8;
	[tilespmem:$0x18280] =	vst v63  }
0x1b8: {  	_ =	swait.ge [sflag:s21], $0xC000  }
0x1b9: {  	[sflag:s21] =	ssyncset.done $0x0  }
0x1ba: {  	s30 =	simm.s32 $0xC280;
	s13 =	rddreg [dreg:$0x8];
	[sflag:s21] =	ssyncadd.s32 $0xFFFF4000  }
0x1bb: {  	[hbm4b:s13+s3] =	stream.linear.scatter [tilespmem:s30], [sflag:$0x4], $0xC000, $0x38;
	[tilespmem:$0x18280] =	vst v63  }
0x1bc: {  	_ =	swait.ge [sflag:s22], $0xC000  }
0x1bd: {  	[sflag:s22] =	ssyncset.done $0x0  }
0x1be: {  	[sflag:s22] =	ssyncadd.s32 $0xFFFF4000  }
0x1bf: {  	v3 =	vld [tilespmem:$0x140];
	_ =	sdelay $0x4  }
0x1c0: {  	v48 =	vshrl.u32 v3, $0x3  }
0x1c1: {  	v4 =	vmul.u32 $0x30, v48  }
0x1c2: {  	v3 =	vand.u32 $0x7, v3  }
0x1c3: {  	v3 =	vor.u32 v3, v4  }
0x1c4: {  	v4 =	vperm.xlane v3, v0;
	_ =	sdelay $0x1  }
0x1c5: {  	v4 =	vadd.s32 v1, v4;
	_ =	sdelay $0x3  }
0x1c6: {  	v3 =	vperm.xlane v3, v2  }
0x1c7: {  	[tilespmem:s30], [sflag:$0x2] =	stream.indirect_vreg.gather [hbm4b:s1+s3], $0x80, v4, vm0, $0xb8;
	[tilespmem:$0x18280] =	vst v63  }
0x1c8: {  	v3 =	vadd.s32 v1, v3  }
0x1c9: {  	[tilespmem:s26], [sflag:$0x2] =	stream.indirect_vreg.gather [hbm4b:s5+s3], $0x80, v4, vm0, $0xb8;
	[tilespmem:$0x18280] =	vst v63  }
0x1ca: {  	_ = 	snop  }
0x1cb: {  	[tilespmem:s19], [sflag:$0x2] =	stream.indirect_vreg.gather [hbm4b:s7+s3], $0x80, v4, vm0, $0xb8;
	[tilespmem:$0x18280] =	vst v63  }
0x1cc: {  	s23 =	simm.s32 $0xDA80  }
0x1cd: {  	[tilespmem:s23], [sflag:$0x2] =	stream.indirect_vreg.gather [hbm4b:s1+s3], $0x80, v3, vm0, $0xb8;
	[tilespmem:$0x18280] =	vst v63  }
0x1ce: {  	s24 =	simm.s32 $0xE280  }
0x1cf: {  	[tilespmem:s24], [sflag:$0x2] =	stream.indirect_vreg.gather [hbm4b:s5+s3], $0x80, v3, vm0, $0xb8;
	[tilespmem:$0x18280] =	vst v63  }
0x1d0: {  	s26 =	simm.s32 $0xEA80  }
0x1d1: {  	[tilespmem:s26], [sflag:$0x2] =	stream.indirect_vreg.gather [hbm4b:s7+s3], $0x80, v3, vm0, $0xb8;
	[tilespmem:$0x18280] =	vst v63  }
0x1d2: {  	v3 =	vld [tilespmem:$0x150];
	_ =	sdelay $0x4  }
0x1d3: {  	v49 =	vshrl.u32 v3, $0x3  }
0x1d4: {  	v4 =	vmul.u32 $0x30, v49  }
0x1d5: {  	v3 =	vand.u32 $0x7, v3  }
0x1d6: {  	v3 =	vor.u32 v3, v4  }
0x1d7: {  	v4 =	vperm.xlane v3, v0;
	_ =	sdelay $0x1  }
0x1d8: {  	v4 =	vadd.s32 v1, v4;
	_ =	sdelay $0x3  }
0x1d9: {  	s19 =	simm.s32 $0xF280;
	v3 =	vperm.xlane v3, v2  }
0x1da: {  	[tilespmem:s19], [sflag:$0x2] =	stream.indirect_vreg.gather [hbm4b:s1+s3], $0x80, v4, vm0, $0xb8;
	[tilespmem:$0x18280] =	vst v63  }
0x1db: {  	s23 =	simm.s32 $0xFA80;
	v3 =	vadd.s32 v1, v3  }
0x1dc: {  	[tilespmem:s23], [sflag:$0x2] =	stream.indirect_vreg.gather [hbm4b:s5+s3], $0x80, v4, vm0, $0xb8;
	[tilespmem:$0x18280] =	vst v63  }
0x1dd: {  	s24 =	simm.s32 $0x10280  }
0x1de: {  	[tilespmem:s24], [sflag:$0x2] =	stream.indirect_vreg.gather [hbm4b:s7+s3], $0x80, v4, vm0, $0xb8;
	[tilespmem:$0x18280] =	vst v63  }
0x1df: {  	s26 =	simm.s32 $0x10A80  }
0x1e0: {  	[tilespmem:s26], [sflag:$0x2] =	stream.indirect_vreg.gather [hbm4b:s1+s3], $0x80, v3, vm0, $0xb8;
	[tilespmem:$0x18280] =	vst v63  }
0x1e1: {  	s19 =	simm.s32 $0x11280  }
0x1e2: {  	[tilespmem:s19], [sflag:$0x2] =	stream.indirect_vreg.gather [hbm4b:s5+s3], $0x80, v3, vm0, $0xb8;
	[tilespmem:$0x18280] =	vst v63  }
0x1e3: {  	s23 =	simm.s32 $0x11A80  }
0x1e4: {  	[tilespmem:s23], [sflag:$0x2] =	stream.indirect_vreg.gather [hbm4b:s7+s3], $0x80, v3, vm0, $0xb8;
	[tilespmem:$0x18280] =	vst v63  }
0x1e5: {  	v3 =	vld [tilespmem:$0x160];
	_ =	sdelay $0x4  }
0x1e6: {  	v50 =	vshrl.u32 v3, $0x3  }
0x1e7: {  	v4 =	vmul.u32 $0x30, v50  }
0x1e8: {  	v3 =	vand.u32 $0x7, v3  }
0x1e9: {  	v3 =	vor.u32 v3, v4  }
0x1ea: {  	v4 =	vperm.xlane v3, v0;
	_ =	sdelay $0x1  }
0x1eb: {  	v4 =	vadd.s32 v1, v4;
	_ =	sdelay $0x3  }
0x1ec: {  	s24 =	simm.s32 $0x12280;
	v3 =	vperm.xlane v3, v2  }
0x1ed: {  	[tilespmem:s24], [sflag:$0x2] =	stream.indirect_vreg.gather [hbm4b:s1+s3], $0x80, v4, vm0, $0xb8;
	[tilespmem:$0x18280] =	vst v63  }
0x1ee: {  	s26 =	simm.s32 $0x12A80;
	v3 =	vadd.s32 v1, v3  }
0x1ef: {  	[tilespmem:s26], [sflag:$0x2] =	stream.indirect_vreg.gather [hbm4b:s5+s3], $0x80, v4, vm0, $0xb8;
	[tilespmem:$0x18280] =	vst v63  }
0x1f0: {  	s19 =	simm.s32 $0x13280  }
0x1f1: {  	[tilespmem:s19], [sflag:$0x2] =	stream.indirect_vreg.gather [hbm4b:s7+s3], $0x80, v4, vm0, $0xb8;
	[tilespmem:$0x18280] =	vst v63  }
0x1f2: {  	s23 =	simm.s32 $0x13A80  }
0x1f3: {  	[tilespmem:s23], [sflag:$0x2] =	stream.indirect_vreg.gather [hbm4b:s1+s3], $0x80, v3, vm0, $0xb8;
	[tilespmem:$0x18280] =	vst v63  }
0x1f4: {  	s24 =	simm.s32 $0x14280  }
0x1f5: {  	[tilespmem:s24], [sflag:$0x2] =	stream.indirect_vreg.gather [hbm4b:s5+s3], $0x80, v3, vm0, $0xb8;
	[tilespmem:$0x18280] =	vst v63  }
0x1f6: {  	s19 =	simm.s32 $0x14A80  }
0x1f7: {  	[tilespmem:s19], [sflag:$0x2] =	stream.indirect_vreg.gather [hbm4b:s7+s3], $0x80, v3, vm0, $0xb8;
	[tilespmem:$0x18280] =	vst v63  }
0x1f8: {  	v3 =	vld [tilespmem:$0x170];
	_ =	sdelay $0x4  }
0x1f9: {  	v51 =	vshrl.u32 v3, $0x3  }
0x1fa: {  	v4 =	vmul.u32 $0x30, v51  }
0x1fb: {  	v3 =	vand.u32 $0x7, v3  }
0x1fc: {  	v3 =	vor.u32 v3, v4  }
0x1fd: {  	v4 =	vperm.xlane v3, v0;
	_ =	sdelay $0x1  }
0x1fe: {  	v4 =	vadd.s32 v1, v4;
	_ =	sdelay $0x3  }
0x1ff: {  	s26 =	simm.s32 $0x15280;
	v3 =	vperm.xlane v3, v2  }
0x200: {  	[tilespmem:s26], [sflag:$0x2] =	stream.indirect_vreg.gather [hbm4b:s1+s3], $0x80, v4, vm0, $0xb8;
	[tilespmem:$0x18280] =	vst v63  }
0x201: {  	v3 =	vadd.s32 v1, v3  }
0x202: {  	[tilespmem:s28], [sflag:$0x2] =	stream.indirect_vreg.gather [hbm4b:s5+s3], $0x80, v4, vm0, $0xb8;
	[tilespmem:$0x18280] =	vst v63  }
0x203: {  	s28 =	simm.s32 $0x16280  }
0x204: {  	[tilespmem:s28], [sflag:$0x2] =	stream.indirect_vreg.gather [hbm4b:s7+s3], $0x80, v4, vm0, $0xb8;
	[tilespmem:$0x18280] =	vst v63  }
0x205: {  	s23 =	simm.s32 $0x16A80  }
0x206: {  	[tilespmem:s23], [sflag:$0x2] =	stream.indirect_vreg.gather [hbm4b:s1+s3], $0x80, v3, vm0, $0xb8;
	[tilespmem:$0x18280] =	vst v63  }
0x207: {  	_ = 	snop  }
0x208: {  	[tilespmem:s29], [sflag:$0x2] =	stream.indirect_vreg.gather [hbm4b:s5+s3], $0x80, v3, vm0, $0xb8;
	[tilespmem:$0x18280] =	vst v63  }
0x209: {  	_ = 	snop  }
0x20a: {  	[tilespmem:s31], [sflag:$0x2] =	stream.indirect_vreg.gather [hbm4b:s7+s3], $0x80, v3, vm0, $0xb8;
	[tilespmem:$0x18280] =	vst v63  }
0x20b: {  	_ =	swait.ge [sflag:s18], $0xC000  }
0x20c: {  	[sflag:s18] =	ssyncset.done $0x0  }
0x20d: {  	s25 =	simm.s32 $0x280;
	s24 =	rddreg [dreg:$0x9];
	[sflag:s18] =	ssyncadd.s32 $0xFFFF4000  }
0x20e: {  	[hbm4b:s24+s3] =	stream.linear.scatter [tilespmem:s25], [sflag:$0x3], $0xC000, $0x38;
	[tilespmem:$0x18280] =	vst v63  }
0x20f: {  	_ =	swait.ge [sflag:s20], $0xC000  }
0x210: {  	[sflag:s20] =	ssyncset.done $0x0  }
0x211: {  	[sflag:s20] =	ssyncadd.s32 $0xFFFF4000  }
0x212: {  	v3 =	vld [tilespmem:$0x180];
	_ =	sdelay $0x4  }
0x213: {  	v52 =	vshrl.u32 v3, $0x3  }
0x214: {  	v4 =	vmul.u32 $0x30, v52  }
0x215: {  	v3 =	vand.u32 $0x7, v3  }
0x216: {  	v3 =	vor.u32 v3, v4  }
0x217: {  	v4 =	vperm.xlane v3, v0;
	_ =	sdelay $0x1  }
0x218: {  	v4 =	vadd.s32 v1, v4;
	_ =	sdelay $0x3  }
0x219: {  	v3 =	vperm.xlane v3, v2  }
0x21a: {  	[tilespmem:s25], [sflag:$0x1] =	stream.indirect_vreg.gather [hbm4b:s1+s3], $0x80, v4, vm0, $0xb8;
	[tilespmem:$0x18280] =	vst v63  }
0x21b: {  	s28 =	simm.s32 $0xA80;
	v3 =	vadd.s32 v1, v3  }
0x21c: {  	[tilespmem:s28], [sflag:$0x1] =	stream.indirect_vreg.gather [hbm4b:s5+s3], $0x80, v4, vm0, $0xb8;
	[tilespmem:$0x18280] =	vst v63  }
0x21d: {  	s24 =	simm.s32 $0x1280  }
0x21e: {  	[tilespmem:s24], [sflag:$0x1] =	stream.indirect_vreg.gather [hbm4b:s7+s3], $0x80, v4, vm0, $0xb8;
	[tilespmem:$0x18280] =	vst v63  }
0x21f: {  	s28 =	simm.s32 $0x1A80  }
0x220: {  	[tilespmem:s28], [sflag:$0x1] =	stream.indirect_vreg.gather [hbm4b:s1+s3], $0x80, v3, vm0, $0xb8;
	[tilespmem:$0x18280] =	vst v63  }
0x221: {  	s23 =	simm.s32 $0x2280  }
0x222: {  	[tilespmem:s23], [sflag:$0x1] =	stream.indirect_vreg.gather [hbm4b:s5+s3], $0x80, v3, vm0, $0xb8;
	[tilespmem:$0x18280] =	vst v63  }
0x223: {  	_ = 	snop  }
0x224: {  	[tilespmem:s0], [sflag:$0x1] =	stream.indirect_vreg.gather [hbm4b:s7+s3], $0x80, v3, vm0, $0xb8;
	[tilespmem:$0x18280] =	vst v63  }
0x225: {  	v3 =	vld [tilespmem:$0x190];
	_ =	sdelay $0x4  }
0x226: {  	v53 =	vshrl.u32 v3, $0x3  }
0x227: {  	v4 =	vmul.u32 $0x30, v53  }
0x228: {  	v3 =	vand.u32 $0x7, v3  }
0x229: {  	v3 =	vor.u32 v3, v4  }
0x22a: {  	v4 =	vperm.xlane v3, v0;
	_ =	sdelay $0x1  }
0x22b: {  	v4 =	vadd.s32 v1, v4;
	_ =	sdelay $0x3  }
0x22c: {  	v3 =	vperm.xlane v3, v2  }
0x22d: {  	[tilespmem:s2], [sflag:$0x1] =	stream.indirect_vreg.gather [hbm4b:s1+s3], $0x80, v4, vm0, $0xb8;
	[tilespmem:$0x18280] =	vst v63  }
0x22e: {  	s23 =	simm.s32 $0x3A80;
	v3 =	vadd.s32 v1, v3  }
0x22f: {  	[tilespmem:s23], [sflag:$0x1] =	stream.indirect_vreg.gather [hbm4b:s5+s3], $0x80, v4, vm0, $0xb8;
	[tilespmem:$0x18280] =	vst v63  }
0x230: {  	s8 =	simm.s32 $0x4280  }
0x231: {  	[tilespmem:s8], [sflag:$0x1] =	stream.indirect_vreg.gather [hbm4b:s7+s3], $0x80, v4, vm0, $0xb8;
	[tilespmem:$0x18280] =	vst v63  }
0x232: {  	s13 =	simm.s32 $0x4A80  }
0x233: {  	[tilespmem:s13], [sflag:$0x1] =	stream.indirect_vreg.gather [hbm4b:s1+s3], $0x80, v3, vm0, $0xb8;
	[tilespmem:$0x18280] =	vst v63  }
0x234: {  	s23 =	simm.s32 $0x5280  }
0x235: {  	[tilespmem:s23], [sflag:$0x1] =	stream.indirect_vreg.gather [hbm4b:s5+s3], $0x80, v3, vm0, $0xb8;
	[tilespmem:$0x18280] =	vst v63  }
0x236: {  	_ = 	snop  }
0x237: {  	[tilespmem:s6], [sflag:$0x1] =	stream.indirect_vreg.gather [hbm4b:s7+s3], $0x80, v3, vm0, $0xb8;
	[tilespmem:$0x18280] =	vst v63  }
0x238: {  	v3 =	vld [tilespmem:$0x1A0];
	_ =	sdelay $0x4  }
0x239: {  	v54 =	vshrl.u32 v3, $0x3  }
0x23a: {  	v4 =	vmul.u32 $0x30, v54  }
0x23b: {  	v3 =	vand.u32 $0x7, v3  }
0x23c: {  	v3 =	vor.u32 v3, v4  }
0x23d: {  	v4 =	vperm.xlane v3, v0;
	_ =	sdelay $0x1  }
0x23e: {  	v4 =	vadd.s32 v1, v4;
	_ =	sdelay $0x3  }
0x23f: {  	v3 =	vperm.xlane v3, v2  }
0x240: {  	[tilespmem:s9], [sflag:$0x1] =	stream.indirect_vreg.gather [hbm4b:s1+s3], $0x80, v4, vm0, $0xb8;
	[tilespmem:$0x18280] =	vst v63  }
0x241: {  	s8 =	simm.s32 $0x6A80;
	v3 =	vadd.s32 v1, v3  }
0x242: {  	[tilespmem:s8], [sflag:$0x1] =	stream.indirect_vreg.gather [hbm4b:s5+s3], $0x80, v4, vm0, $0xb8;
	[tilespmem:$0x18280] =	vst v63  }
0x243: {  	s9 =	simm.s32 $0x7280  }
0x244: {  	[tilespmem:s9], [sflag:$0x1] =	stream.indirect_vreg.gather [hbm4b:s7+s3], $0x80, v4, vm0, $0xb8;
	[tilespmem:$0x18280] =	vst v63  }
0x245: {  	s13 =	simm.s32 $0x7A80  }
0x246: {  	[tilespmem:s13], [sflag:$0x1] =	stream.indirect_vreg.gather [hbm4b:s1+s3], $0x80, v3, vm0, $0xb8;
	[tilespmem:$0x18280] =	vst v63  }
0x247: {  	s14 =	simm.s32 $0x8280  }
0x248: {  	[tilespmem:s14], [sflag:$0x1] =	stream.indirect_vreg.gather [hbm4b:s5+s3], $0x80, v3, vm0, $0xb8;
	[tilespmem:$0x18280] =	vst v63  }
0x249: {  	_ = 	snop  }
0x24a: {  	[tilespmem:s10], [sflag:$0x1] =	stream.indirect_vreg.gather [hbm4b:s7+s3], $0x80, v3, vm0, $0xb8;
	[tilespmem:$0x18280] =	vst v63  }
0x24b: {  	v3 =	vld [tilespmem:$0x1B0];
	_ =	sdelay $0x4  }
0x24c: {  	v55 =	vshrl.u32 v3, $0x3  }
0x24d: {  	v4 =	vmul.u32 $0x30, v55  }
0x24e: {  	v3 =	vand.u32 $0x7, v3  }
0x24f: {  	v3 =	vor.u32 v3, v4  }
0x250: {  	v4 =	vperm.xlane v3, v0;
	_ =	sdelay $0x1  }
0x251: {  	v4 =	vadd.s32 v1, v4;
	_ =	sdelay $0x3  }
0x252: {  	v3 =	vperm.xlane v3, v2  }
0x253: {  	[tilespmem:s11], [sflag:$0x1] =	stream.indirect_vreg.gather [hbm4b:s1+s3], $0x80, v4, vm0, $0xb8;
	[tilespmem:$0x18280] =	vst v63  }
0x254: {  	s15 =	simm.s32 $0x9A80;
	v3 =	vadd.s32 v1, v3  }
0x255: {  	[tilespmem:s15], [sflag:$0x1] =	stream.indirect_vreg.gather [hbm4b:s5+s3], $0x80, v4, vm0, $0xb8;
	[tilespmem:$0x18280] =	vst v63  }
0x256: {  	s16 =	simm.s32 $0xA280  }
0x257: {  	[tilespmem:s16], [sflag:$0x1] =	stream.indirect_vreg.gather [hbm4b:s7+s3], $0x80, v4, vm0, $0xb8;
	[tilespmem:$0x18280] =	vst v63  }
0x258: {  	s17 =	simm.s32 $0xAA80  }
0x259: {  	[tilespmem:s17], [sflag:$0x1] =	stream.indirect_vreg.gather [hbm4b:s1+s3], $0x80, v3, vm0, $0xb8;
	[tilespmem:$0x18280] =	vst v63  }
0x25a: {  	s15 =	simm.s32 $0xB280  }
0x25b: {  	[tilespmem:s15], [sflag:$0x1] =	stream.indirect_vreg.gather [hbm4b:s5+s3], $0x80, v3, vm0, $0xb8;
	[tilespmem:$0x18280] =	vst v63  }
0x25c: {  	_ = 	snop  }
0x25d: {  	[tilespmem:s12], [sflag:$0x1] =	stream.indirect_vreg.gather [hbm4b:s7+s3], $0x80, v3, vm0, $0xb8;
	[tilespmem:$0x18280] =	vst v63  }
0x25e: {  	_ =	swait.ge [sflag:s21], $0xC000  }
0x25f: {  	[sflag:s21] =	ssyncset.done $0x0  }
0x260: {  	s16 =	rddreg [dreg:$0xa];
	[sflag:s21] =	ssyncadd.s32 $0xFFFF4000  }
0x261: {  	[hbm4b:s16+s3] =	stream.linear.scatter [tilespmem:s30], [sflag:$0x4], $0xC000, $0x38;
	[tilespmem:$0x18280] =	vst v63  }
0x262: {  	_ =	swait.ge [sflag:s22], $0xC000  }
0x263: {  	[sflag:s22] =	ssyncset.done $0x0  }
0x264: {  	[sflag:s22] =	ssyncadd.s32 $0xFFFF4000  }
0x265: {  	v3 =	vld [tilespmem:$0x1C0];
	_ =	sdelay $0x4  }
0x266: {  	v56 =	vshrl.u32 v3, $0x3  }
0x267: {  	v4 =	vmul.u32 $0x30, v56  }
0x268: {  	v3 =	vand.u32 $0x7, v3  }
0x269: {  	v3 =	vor.u32 v3, v4  }
0x26a: {  	v4 =	vperm.xlane v3, v0;
	_ =	sdelay $0x1  }
0x26b: {  	v4 =	vadd.s32 v1, v4;
	_ =	sdelay $0x3  }
0x26c: {  	v3 =	vperm.xlane v3, v2  }
0x26d: {  	[tilespmem:s30], [sflag:$0x2] =	stream.indirect_vreg.gather [hbm4b:s1+s3], $0x80, v4, vm0, $0xb8;
	[tilespmem:$0x18280] =	vst v63  }
0x26e: {  	s4 =	simm.s32 $0xCA80;
	v3 =	vadd.s32 v1, v3  }
0x26f: {  	[tilespmem:s4], [sflag:$0x2] =	stream.indirect_vreg.gather [hbm4b:s5+s3], $0x80, v4, vm0, $0xb8;
	[tilespmem:$0x18280] =	vst v63  }
0x270: {  	s17 =	simm.s32 $0xD280  }
0x271: {  	[tilespmem:s17], [sflag:$0x2] =	stream.indirect_vreg.gather [hbm4b:s7+s3], $0x80, v4, vm0, $0xb8;
	[tilespmem:$0x18280] =	vst v63  }
0x272: {  	s2 =	simm.s32 $0xDA80  }
0x273: {  	[tilespmem:s2], [sflag:$0x2] =	stream.indirect_vreg.gather [hbm4b:s1+s3], $0x80, v3, vm0, $0xb8;
	[tilespmem:$0x18280] =	vst v63  }
0x274: {  	s4 =	simm.s32 $0xE280  }
0x275: {  	[tilespmem:s4], [sflag:$0x2] =	stream.indirect_vreg.gather [hbm4b:s5+s3], $0x80, v3, vm0, $0xb8;
	[tilespmem:$0x18280] =	vst v63  }
0x276: {  	s8 =	simm.s32 $0xEA80  }
0x277: {  	[tilespmem:s8], [sflag:$0x2] =	stream.indirect_vreg.gather [hbm4b:s7+s3], $0x80, v3, vm0, $0xb8;
	[tilespmem:$0x18280] =	vst v63  }
0x278: {  	v3 =	vld [tilespmem:$0x1D0];
	_ =	sdelay $0x4  }
0x279: {  	v57 =	vshrl.u32 v3, $0x3  }
0x27a: {  	v4 =	vmul.u32 $0x30, v57  }
0x27b: {  	v3 =	vand.u32 $0x7, v3  }
0x27c: {  	v3 =	vor.u32 v3, v4  }
0x27d: {  	v4 =	vperm.xlane v3, v0;
	_ =	sdelay $0x1  }
0x27e: {  	v4 =	vadd.s32 v1, v4;
	_ =	sdelay $0x3  }
0x27f: {  	s6 =	simm.s32 $0xF280;
	v3 =	vperm.xlane v3, v2  }
0x280: {  	[tilespmem:s6], [sflag:$0x2] =	stream.indirect_vreg.gather [hbm4b:s1+s3], $0x80, v4, vm0, $0xb8;
	[tilespmem:$0x18280] =	vst v63  }
0x281: {  	s9 =	simm.s32 $0xFA80;
	v3 =	vadd.s32 v1, v3  }
0x282: {  	[tilespmem:s9], [sflag:$0x2] =	stream.indirect_vreg.gather [hbm4b:s5+s3], $0x80, v4, vm0, $0xb8;
	[tilespmem:$0x18280] =	vst v63  }
0x283: {  	s11 =	simm.s32 $0x10280  }
0x284: {  	[tilespmem:s11], [sflag:$0x2] =	stream.indirect_vreg.gather [hbm4b:s7+s3], $0x80, v4, vm0, $0xb8;
	[tilespmem:$0x18280] =	vst v63  }
0x285: {  	s10 =	simm.s32 $0x10A80  }
0x286: {  	[tilespmem:s10], [sflag:$0x2] =	stream.indirect_vreg.gather [hbm4b:s1+s3], $0x80, v3, vm0, $0xb8;
	[tilespmem:$0x18280] =	vst v63  }
0x287: {  	s12 =	simm.s32 $0x11280  }
0x288: {  	[tilespmem:s12], [sflag:$0x2] =	stream.indirect_vreg.gather [hbm4b:s5+s3], $0x80, v3, vm0, $0xb8;
	[tilespmem:$0x18280] =	vst v63  }
0x289: {  	s14 =	simm.s32 $0x11A80  }
0x28a: {  	[tilespmem:s14], [sflag:$0x2] =	stream.indirect_vreg.gather [hbm4b:s7+s3], $0x80, v3, vm0, $0xb8;
	[tilespmem:$0x18280] =	vst v63  }
0x28b: {  	v3 =	vld [tilespmem:$0x1E0];
	_ =	sdelay $0x4  }
0x28c: {  	v58 =	vshrl.u32 v3, $0x3  }
0x28d: {  	v4 =	vmul.u32 $0x30, v58  }
0x28e: {  	v3 =	vand.u32 $0x7, v3  }
0x28f: {  	v3 =	vor.u32 v3, v4  }
0x290: {  	v4 =	vperm.xlane v3, v0;
	_ =	sdelay $0x1  }
0x291: {  	v4 =	vadd.s32 v1, v4;
	_ =	sdelay $0x3  }
0x292: {  	s13 =	simm.s32 $0x12280;
	v3 =	vperm.xlane v3, v2  }
0x293: {  	[tilespmem:s13], [sflag:$0x2] =	stream.indirect_vreg.gather [hbm4b:s1+s3], $0x80, v4, vm0, $0xb8;
	[tilespmem:$0x18280] =	vst v63  }
0x294: {  	s15 =	simm.s32 $0x12A80;
	v3 =	vadd.s32 v1, v3  }
0x295: {  	[tilespmem:s15], [sflag:$0x2] =	stream.indirect_vreg.gather [hbm4b:s5+s3], $0x80, v4, vm0, $0xb8;
	[tilespmem:$0x18280] =	vst v63  }
0x296: {  	s17 =	simm.s32 $0x13280  }
0x297: {  	[tilespmem:s17], [sflag:$0x2] =	stream.indirect_vreg.gather [hbm4b:s7+s3], $0x80, v4, vm0, $0xb8;
	[tilespmem:$0x18280] =	vst v63  }
0x298: {  	s16 =	simm.s32 $0x13A80  }
0x299: {  	[tilespmem:s16], [sflag:$0x2] =	stream.indirect_vreg.gather [hbm4b:s1+s3], $0x80, v3, vm0, $0xb8;
	[tilespmem:$0x18280] =	vst v63  }
0x29a: {  	s31 =	simm.s32 $0x14280  }
0x29b: {  	[tilespmem:s31], [sflag:$0x2] =	stream.indirect_vreg.gather [hbm4b:s5+s3], $0x80, v3, vm0, $0xb8;
	[tilespmem:$0x18280] =	vst v63  }
0x29c: {  	_ = 	snop  }
0x29d: {  	[tilespmem:s19], [sflag:$0x2] =	stream.indirect_vreg.gather [hbm4b:s7+s3], $0x80, v3, vm0, $0xb8;
	[tilespmem:$0x18280] =	vst v63  }
0x29e: {  	v3 =	vld [tilespmem:$0x1F0];
	_ =	sdelay $0x4  }
0x29f: {  	v59 =	vshrl.u32 v3, $0x3  }
0x2a0: {  	v4 =	vmul.u32 $0x30, v59  }
0x2a1: {  	v3 =	vand.u32 $0x7, v3  }
0x2a2: {  	v3 =	vor.u32 v3, v4  }
0x2a3: {  	v4 =	vperm.xlane v3, v0;
	_ =	sdelay $0x1  }
0x2a4: {  	v4 =	vadd.s32 v1, v4;
	_ =	sdelay $0x3  }
0x2a5: {  	s23 =	simm.s32 $0x15280;
	v3 =	vperm.xlane v3, v2  }
0x2a6: {  	[tilespmem:s23], [sflag:$0x2] =	stream.indirect_vreg.gather [hbm4b:s1+s3], $0x80, v4, vm0, $0xb8;
	[tilespmem:$0x18280] =	vst v63  }
0x2a7: {  	s26 =	simm.s32 $0x15A80;
	v3 =	vadd.s32 v1, v3  }
0x2a8: {  	[tilespmem:s26], [sflag:$0x2] =	stream.indirect_vreg.gather [hbm4b:s5+s3], $0x80, v4, vm0, $0xb8;
	[tilespmem:$0x18280] =	vst v63  }
0x2a9: {  	s29 =	simm.s32 $0x16280  }
0x2aa: {  	[tilespmem:s29], [sflag:$0x2] =	stream.indirect_vreg.gather [hbm4b:s7+s3], $0x80, v4, vm0, $0xb8;
	[tilespmem:$0x18280] =	vst v63  }
0x2ab: {  	s26 =	simm.s32 $0x16A80  }
0x2ac: {  	[tilespmem:s26], [sflag:$0x2] =	stream.indirect_vreg.gather [hbm4b:s1+s3], $0x80, v3, vm0, $0xb8;
	[tilespmem:$0x18280] =	vst v63  }
0x2ad: {  	s23 =	simm.s32 $0x17280  }
0x2ae: {  	[tilespmem:s23], [sflag:$0x2] =	stream.indirect_vreg.gather [hbm4b:s5+s3], $0x80, v3, vm0, $0xb8;
	[tilespmem:$0x18280] =	vst v63  }
0x2af: {  	s23 =	simm.s32 $0x17A80  }
0x2b0: {  	[tilespmem:s23], [sflag:$0x2] =	stream.indirect_vreg.gather [hbm4b:s7+s3], $0x80, v3, vm0, $0xb8;
	[tilespmem:$0x18280] =	vst v63  }
0x2b1: {  	_ =	swait.ge [sflag:s18], $0xC000  }
0x2b2: {  	[sflag:s18] =	ssyncset.done $0x0  }
0x2b3: {  	s19 =	rddreg [dreg:$0xb];
	[sflag:s18] =	ssyncadd.s32 $0xFFFF4000  }
0x2b4: {  	[hbm4b:s19+s3] =	stream.linear.scatter [tilespmem:s25], [sflag:$0x3], $0xC000, $0x38;
	[tilespmem:$0x18280] =	vst v63  }
0x2b5: {  	_ =	swait.ge [sflag:s20], $0xC000  }
0x2b6: {  	[sflag:s20] =	ssyncset.done $0x0  }
0x2b7: {  	[sflag:s20] =	ssyncadd.s32 $0xFFFF4000  }
0x2b8: {  	v3 =	vld [tilespmem:$0x200];
	_ =	sdelay $0x4  }
0x2b9: {  	v60 =	vshrl.u32 v3, $0x3  }
0x2ba: {  	v4 =	vmul.u32 $0x30, v60  }
0x2bb: {  	v3 =	vand.u32 $0x7, v3  }
0x2bc: {  	v3 =	vor.u32 v3, v4  }
0x2bd: {  	v4 =	vperm.xlane v3, v0;
	_ =	sdelay $0x1  }
0x2be: {  	v4 =	vadd.s32 v1, v4;
	_ =	sdelay $0x3  }
0x2bf: {  	v3 =	vperm.xlane v3, v2  }
0x2c0: {  	[tilespmem:s25], [sflag:$0x1] =	stream.indirect_vreg.gather [hbm4b:s1+s3], $0x80, v4, vm0, $0xb8;
	[tilespmem:$0x18280] =	vst v63  }
0x2c1: {  	s23 =	simm.s32 $0xA80;
	v3 =	vadd.s32 v1, v3  }
0x2c2: {  	[tilespmem:s23], [sflag:$0x1] =	stream.indirect_vreg.gather [hbm4b:s5+s3], $0x80, v4, vm0, $0xb8;
	[tilespmem:$0x18280] =	vst v63  }
0x2c3: {  	_ = 	snop  }
0x2c4: {  	[tilespmem:s24], [sflag:$0x1] =	stream.indirect_vreg.gather [hbm4b:s7+s3], $0x80, v4, vm0, $0xb8;
	[tilespmem:$0x18280] =	vst v63  }
0x2c5: {  	_ = 	snop  }
0x2c6: {  	[tilespmem:s28], [sflag:$0x1] =	stream.indirect_vreg.gather [hbm4b:s1+s3], $0x80, v3, vm0, $0xb8;
	[tilespmem:$0x18280] =	vst v63  }
0x2c7: {  	s28 =	simm.s32 $0x2280  }
0x2c8: {  	[tilespmem:s28], [sflag:$0x1] =	stream.indirect_vreg.gather [hbm4b:s5+s3], $0x80, v3, vm0, $0xb8;
	[tilespmem:$0x18280] =	vst v63  }
0x2c9: {  	s0 =	simm.s32 $0x2A80  }
0x2ca: {  	[tilespmem:s0], [sflag:$0x1] =	stream.indirect_vreg.gather [hbm4b:s7+s3], $0x80, v3, vm0, $0xb8;
	[tilespmem:$0x18280] =	vst v63  }
0x2cb: {  	v3 =	vld [tilespmem:$0x210];
	_ =	sdelay $0x4  }
0x2cc: {  	v61 =	vshrl.u32 v3, $0x3  }
0x2cd: {  	v4 =	vmul.u32 $0x30, v61  }
0x2ce: {  	v3 =	vand.u32 $0x7, v3  }
0x2cf: {  	v3 =	vor.u32 v3, v4  }
0x2d0: {  	v4 =	vperm.xlane v3, v0;
	_ =	sdelay $0x1  }
0x2d1: {  	v4 =	vadd.s32 v1, v4;
	_ =	sdelay $0x3  }
0x2d2: {  	s23 =	simm.s32 $0x3280;
	v3 =	vperm.xlane v3, v2  }
0x2d3: {  	[tilespmem:s23], [sflag:$0x1] =	stream.indirect_vreg.gather [hbm4b:s1+s3], $0x80, v4, vm0, $0xb8;
	[tilespmem:$0x18280] =	vst v63  }
0x2d4: {  	s24 =	simm.s32 $0x3A80;
	v3 =	vadd.s32 v1, v3  }
0x2d5: {  	[tilespmem:s24], [sflag:$0x1] =	stream.indirect_vreg.gather [hbm4b:s5+s3], $0x80, v4, vm0, $0xb8;
	[tilespmem:$0x18280] =	vst v63  }
0x2d6: {  	s28 =	simm.s32 $0x4280  }
0x2d7: {  	[tilespmem:s28], [sflag:$0x1] =	stream.indirect_vreg.gather [hbm4b:s7+s3], $0x80, v4, vm0, $0xb8;
	[tilespmem:$0x18280] =	vst v63  }
0x2d8: {  	s19 =	simm.s32 $0x4A80  }
0x2d9: {  	[tilespmem:s19], [sflag:$0x1] =	stream.indirect_vreg.gather [hbm4b:s1+s3], $0x80, v3, vm0, $0xb8;
	[tilespmem:$0x18280] =	vst v63  }
0x2da: {  	s23 =	simm.s32 $0x5280  }
0x2db: {  	[tilespmem:s23], [sflag:$0x1] =	stream.indirect_vreg.gather [hbm4b:s5+s3], $0x80, v3, vm0, $0xb8;
	[tilespmem:$0x18280] =	vst v63  }
0x2dc: {  	s24 =	simm.s32 $0x5A80  }
0x2dd: {  	[tilespmem:s24], [sflag:$0x1] =	stream.indirect_vreg.gather [hbm4b:s7+s3], $0x80, v3, vm0, $0xb8;
	[tilespmem:$0x18280] =	vst v63  }
0x2de: {  	v3 =	vld [tilespmem:$0x220];
	_ =	sdelay $0x4  }
0x2df: {  	v62 =	vshrl.u32 v3, $0x3  }
0x2e0: {  	v4 =	vmul.u32 $0x30, v62  }
0x2e1: {  	v3 =	vand.u32 $0x7, v3  }
0x2e2: {  	v3 =	vor.u32 v3, v4  }
0x2e3: {  	v4 =	vperm.xlane v3, v0;
	_ =	sdelay $0x1  }
0x2e4: {  	v4 =	vadd.s32 v1, v4;
	_ =	sdelay $0x3  }
0x2e5: {  	s28 =	simm.s32 $0x6280;
	v3 =	vperm.xlane v3, v2  }
0x2e6: {  	[tilespmem:s28], [sflag:$0x1] =	stream.indirect_vreg.gather [hbm4b:s1+s3], $0x80, v4, vm0, $0xb8;
	[tilespmem:$0x18280] =	vst v63  }
0x2e7: {  	s19 =	simm.s32 $0x6A80;
	v3 =	vadd.s32 v1, v3  }
0x2e8: {  	[tilespmem:s19], [sflag:$0x1] =	stream.indirect_vreg.gather [hbm4b:s5+s3], $0x80, v4, vm0, $0xb8;
	[tilespmem:$0x18280] =	vst v63  }
0x2e9: {  	s23 =	simm.s32 $0x7280  }
0x2ea: {  	[tilespmem:s23], [sflag:$0x1] =	stream.indirect_vreg.gather [hbm4b:s7+s3], $0x80, v4, vm0, $0xb8;
	[tilespmem:$0x18280] =	vst v63  }
0x2eb: {  	s24 =	simm.s32 $0x7A80  }
0x2ec: {  	[tilespmem:s24], [sflag:$0x1] =	stream.indirect_vreg.gather [hbm4b:s1+s3], $0x80, v3, vm0, $0xb8;
	[tilespmem:$0x18280] =	vst v63  }
0x2ed: {  	s28 =	simm.s32 $0x8280  }
0x2ee: {  	[tilespmem:s28], [sflag:$0x1] =	stream.indirect_vreg.gather [hbm4b:s5+s3], $0x80, v3, vm0, $0xb8;
	[tilespmem:$0x18280] =	vst v63  }
0x2ef: {  	s19 =	simm.s32 $0x8A80  }
0x2f0: {  	[tilespmem:s19], [sflag:$0x1] =	stream.indirect_vreg.gather [hbm4b:s7+s3], $0x80, v3, vm0, $0xb8;
	[tilespmem:$0x18280] =	vst v63  }
0x2f1: {  	v3 =	vld [tilespmem:$0x230];
	_ =	sdelay $0x4  }
0x2f2: {  	v63 =	vshrl.u32 v3, $0x3  }
0x2f3: {  	v4 =	vmul.u32 $0x30, v63  }
0x2f4: {  	v3 =	vand.u32 $0x7, v3  }
0x2f5: {  	v3 =	vor.u32 v3, v4  }
0x2f6: {  	v4 =	vperm.xlane v3, v0;
	_ =	sdelay $0x1  }
0x2f7: {  	v4 =	vadd.s32 v1, v4;
	_ =	sdelay $0x3  }
0x2f8: {  	s23 =	simm.s32 $0x9280;
	v3 =	vperm.xlane v3, v2  }
0x2f9: {  	[tilespmem:s23], [sflag:$0x1] =	stream.indirect_vreg.gather [hbm4b:s1+s3], $0x80, v4, vm0, $0xb8;
	[tilespmem:$0x18280] =	vst v63  }
0x2fa: {  	s24 =	simm.s32 $0x9A80;
	v3 =	vadd.s32 v1, v3  }
0x2fb: {  	[tilespmem:s24], [sflag:$0x1] =	stream.indirect_vreg.gather [hbm4b:s5+s3], $0x80, v4, vm0, $0xb8;
	[tilespmem:$0x18280] =	vst v63  }
0x2fc: {  	s28 =	simm.s32 $0xA280  }
0x2fd: {  	[tilespmem:s28], [sflag:$0x1] =	stream.indirect_vreg.gather [hbm4b:s7+s3], $0x80, v4, vm0, $0xb8;
	[tilespmem:$0x18280] =	vst v63  }
0x2fe: {  	s19 =	simm.s32 $0xAA80  }
0x2ff: {  	[tilespmem:s19], [sflag:$0x1] =	stream.indirect_vreg.gather [hbm4b:s1+s3], $0x80, v3, vm0, $0xb8;
	[tilespmem:$0x18280] =	vst v63  }
0x300: {  	s23 =	simm.s32 $0xB280  }
0x301: {  	[tilespmem:s23], [sflag:$0x1] =	stream.indirect_vreg.gather [hbm4b:s5+s3], $0x80, v3, vm0, $0xb8;
	[tilespmem:$0x18280] =	vst v63  }
0x302: {  	s24 =	simm.s32 $0xBA80  }
0x303: {  	[tilespmem:s24], [sflag:$0x1] =	stream.indirect_vreg.gather [hbm4b:s7+s3], $0x80, v3, vm0, $0xb8;
	[tilespmem:$0x18280] =	vst v63  }
.Ltmp2:
0x304: {  	_ = 	snop;
	(pc) =	sbr.rel @p0 .LBB2_3-.Ltmp2, $4  }
0x305: {  	_ =	swait.ge [sflag:s21], $0xC000  }
0x306: {  	[sflag:s21] =	ssyncset.done $0x0  }
0x307: {  	s28 =	rddreg [dreg:$0xc];
	[sflag:s21] =	ssyncadd.s32 $0xFFFF4000  }
0x308: {  	[hbm4b:s28+s3] =	stream.linear.scatter [tilespmem:s30], [sflag:$0x4], $0xC000, $0x38;
	[tilespmem:$0x18280] =	vst v63  }
0x309: {  	_ =	swait.ge [sflag:s22], $0xC000  }
0x30a: {  	[sflag:s22] =	ssyncset.done $0x0  }
0x30b: {  	[sflag:s22] =	ssyncadd.s32 $0xFFFF4000  }
0x30c: {  	v3 =	vld [tilespmem:$0x240];
	_ =	sdelay $0x4  }
0x30d: {  	v4 =	vshrl.u32 v3, $0x3  }
0x30e: {  	v4 =	vmul.u32 $0x30, v4  }
0x30f: {  	v3 =	vand.u32 $0x7, v3  }
0x310: {  	v3 =	vor.u32 v3, v4  }
0x311: {  	v4 =	vperm.xlane v3, v0;
	_ =	sdelay $0x1  }
0x312: {  	v4 =	vadd.s32 v1, v4;
	_ =	sdelay $0x3  }
0x313: {  	v3 =	vperm.xlane v3, v2  }
0x314: {  	[tilespmem:s30], [sflag:$0x2] =	stream.indirect_vreg.gather [hbm4b:s1+s3], $0x80, v4, vm0, $0xb8;
	[tilespmem:$0x18280] =	vst v63  }
0x315: {  	s0 =	simm.s32 $0xCA80;
	v3 =	vadd.s32 v1, v3  }
0x316: {  	[tilespmem:s0], [sflag:$0x2] =	stream.indirect_vreg.gather [hbm4b:s5+s3], $0x80, v4, vm0, $0xb8;
	[tilespmem:$0x18280] =	vst v63  }
0x317: {  	s28 =	simm.s32 $0xD280  }
0x318: {  	[tilespmem:s28], [sflag:$0x2] =	stream.indirect_vreg.gather [hbm4b:s7+s3], $0x80, v4, vm0, $0xb8;
	[tilespmem:$0x18280] =	vst v63  }
0x319: {  	_ = 	snop  }
0x31a: {  	[tilespmem:s2], [sflag:$0x2] =	stream.indirect_vreg.gather [hbm4b:s1+s3], $0x80, v3, vm0, $0xb8;
	[tilespmem:$0x18280] =	vst v63  }
0x31b: {  	_ = 	snop  }
0x31c: {  	[tilespmem:s4], [sflag:$0x2] =	stream.indirect_vreg.gather [hbm4b:s5+s3], $0x80, v3, vm0, $0xb8;
	[tilespmem:$0x18280] =	vst v63  }
0x31d: {  	_ = 	snop  }
0x31e: {  	[tilespmem:s8], [sflag:$0x2] =	stream.indirect_vreg.gather [hbm4b:s7+s3], $0x80, v3, vm0, $0xb8;
	[tilespmem:$0x18280] =	vst v63  }
0x31f: {  	v3 =	vld [tilespmem:$0x250];
	_ =	sdelay $0x4  }
0x320: {  	v61 =	vshrl.u32 v3, $0x3  }
0x321: {  	v4 =	vmul.u32 $0x30, v61  }
0x322: {  	v3 =	vand.u32 $0x7, v3  }
0x323: {  	v3 =	vor.u32 v3, v4  }
0x324: {  	v4 =	vperm.xlane v3, v0;
	_ =	sdelay $0x1  }
0x325: {  	v4 =	vadd.s32 v1, v4;
	_ =	sdelay $0x3  }
0x326: {  	v3 =	vperm.xlane v3, v2  }
0x327: {  	[tilespmem:s6], [sflag:$0x2] =	stream.indirect_vreg.gather [hbm4b:s1+s3], $0x80, v4, vm0, $0xb8;
	[tilespmem:$0x18280] =	vst v63  }
0x328: {  	v3 =	vadd.s32 v1, v3  }
0x329: {  	[tilespmem:s9], [sflag:$0x2] =	stream.indirect_vreg.gather [hbm4b:s5+s3], $0x80, v4, vm0, $0xb8;
	[tilespmem:$0x18280] =	vst v63  }
0x32a: {  	_ = 	snop  }
0x32b: {  	[tilespmem:s11], [sflag:$0x2] =	stream.indirect_vreg.gather [hbm4b:s7+s3], $0x80, v4, vm0, $0xb8;
	[tilespmem:$0x18280] =	vst v63  }
0x32c: {  	_ = 	snop  }
0x32d: {  	[tilespmem:s10], [sflag:$0x2] =	stream.indirect_vreg.gather [hbm4b:s1+s3], $0x80, v3, vm0, $0xb8;
	[tilespmem:$0x18280] =	vst v63  }
0x32e: {  	_ = 	snop  }
0x32f: {  	[tilespmem:s12], [sflag:$0x2] =	stream.indirect_vreg.gather [hbm4b:s5+s3], $0x80, v3, vm0, $0xb8;
	[tilespmem:$0x18280] =	vst v63  }
0x330: {  	_ = 	snop  }
0x331: {  	[tilespmem:s14], [sflag:$0x2] =	stream.indirect_vreg.gather [hbm4b:s7+s3], $0x80, v3, vm0, $0xb8;
	[tilespmem:$0x18280] =	vst v63  }
0x332: {  	v3 =	vld [tilespmem:$0x260];
	_ =	sdelay $0x4  }
0x333: {  	v62 =	vshrl.u32 v3, $0x3  }
0x334: {  	v4 =	vmul.u32 $0x30, v62  }
0x335: {  	v3 =	vand.u32 $0x7, v3  }
0x336: {  	v3 =	vor.u32 v3, v4  }
0x337: {  	v4 =	vperm.xlane v3, v0;
	_ =	sdelay $0x1  }
0x338: {  	v4 =	vadd.s32 v1, v4;
	_ =	sdelay $0x3  }
0x339: {  	v3 =	vperm.xlane v3, v2  }
0x33a: {  	[tilespmem:s13], [sflag:$0x2] =	stream.indirect_vreg.gather [hbm4b:s1+s3], $0x80, v4, vm0, $0xb8;
	[tilespmem:$0x18280] =	vst v63  }
0x33b: {  	v3 =	vadd.s32 v1, v3  }
0x33c: {  	[tilespmem:s15], [sflag:$0x2] =	stream.indirect_vreg.gather [hbm4b:s5+s3], $0x80, v4, vm0, $0xb8;
	[tilespmem:$0x18280] =	vst v63  }
0x33d: {  	_ = 	snop  }
0x33e: {  	[tilespmem:s17], [sflag:$0x2] =	stream.indirect_vreg.gather [hbm4b:s7+s3], $0x80, v4, vm0, $0xb8;
	[tilespmem:$0x18280] =	vst v63  }
0x33f: {  	_ = 	snop  }
0x340: {  	[tilespmem:s16], [sflag:$0x2] =	stream.indirect_vreg.gather [hbm4b:s1+s3], $0x80, v3, vm0, $0xb8;
	[tilespmem:$0x18280] =	vst v63  }
0x341: {  	_ = 	snop  }
0x342: {  	[tilespmem:s31], [sflag:$0x2] =	stream.indirect_vreg.gather [hbm4b:s5+s3], $0x80, v3, vm0, $0xb8;
	[tilespmem:$0x18280] =	vst v63  }
0x343: {  	s19 =	simm.s32 $0x14A80  }
0x344: {  	[tilespmem:s19], [sflag:$0x2] =	stream.indirect_vreg.gather [hbm4b:s7+s3], $0x80, v3, vm0, $0xb8;
	[tilespmem:$0x18280] =	vst v63  }
0x345: {  	v3 =	vld [tilespmem:$0x270];
	_ =	sdelay $0x4  }
0x346: {  	v63 =	vshrl.u32 v3, $0x3  }
0x347: {  	v4 =	vmul.u32 $0x30, v63  }
0x348: {  	v3 =	vand.u32 $0x7, v3  }
0x349: {  	v3 =	vor.u32 v3, v4  }
0x34a: {  	v4 =	vperm.xlane v3, v0;
	_ =	sdelay $0x1  }
0x34b: {  	v4 =	vadd.s32 v1, v4;
	_ =	sdelay $0x3  }
0x34c: {  	s23 =	simm.s32 $0x15280;
	v3 =	vperm.xlane v3, v2  }
0x34d: {  	[tilespmem:s23], [sflag:$0x2] =	stream.indirect_vreg.gather [hbm4b:s1+s3], $0x80, v4, vm0, $0xb8;
	[tilespmem:$0x18280] =	vst v63  }
0x34e: {  	s24 =	simm.s32 $0x15A80;
	v3 =	vadd.s32 v1, v3  }
0x34f: {  	[tilespmem:s24], [sflag:$0x2] =	stream.indirect_vreg.gather [hbm4b:s5+s3], $0x80, v4, vm0, $0xb8;
	[tilespmem:$0x18280] =	vst v63  }
0x350: {  	_ = 	snop  }
0x351: {  	[tilespmem:s29], [sflag:$0x2] =	stream.indirect_vreg.gather [hbm4b:s7+s3], $0x80, v4, vm0, $0xb8;
	[tilespmem:$0x18280] =	vst v63  }
0x352: {  	_ = 	snop  }
0x353: {  	[tilespmem:s26], [sflag:$0x2] =	stream.indirect_vreg.gather [hbm4b:s1+s3], $0x80, v3, vm0, $0xb8;
	[tilespmem:$0x18280] =	vst v63  }
0x354: {  	s28 =	simm.s32 $0x17280  }
0x355: {  	[tilespmem:s28], [sflag:$0x2] =	stream.indirect_vreg.gather [hbm4b:s5+s3], $0x80, v3, vm0, $0xb8;
	[tilespmem:$0x18280] =	vst v63  }
0x356: {  	s29 =	simm.s32 $0x17A80  }
0x357: {  	[tilespmem:s29], [sflag:$0x2] =	stream.indirect_vreg.gather [hbm4b:s7+s3], $0x80, v3, vm0, $0xb8;
	[tilespmem:$0x18280] =	vst v63  }
0x358: {  	_ =	swait.ge [sflag:s18], $0xC000  }
0x359: {  	[sflag:s18] =	ssyncset.done $0x0  }
0x35a: {  	s23 =	rddreg [dreg:$0xd];
	[sflag:s18] =	ssyncadd.s32 $0xFFFF4000  }
0x35b: {  	[hbm4b:s23+s3] =	stream.linear.scatter [tilespmem:s25], [sflag:$0x3], $0xC000, $0x38;
	[tilespmem:$0x18280] =	vst v63  }
.Ltmp3:
0x35c: {  	_ = 	snop;
	(pc) =	sbr.rel .LBB2_4-.Ltmp3, $4  }
0x35d: {  	_ =	swait.ge [sflag:s21], $0xC000  }
0x35e: {  	[sflag:s21] =	ssyncset.done $0x0;
	s31 =	rddreg [dreg:$0xe]  }
0x35f: {  	s0 =	rddreg [dreg:$0xf];
	[sflag:s21] =	ssyncadd.s32 $0xFFFF4000  }
0x360: {  	[hbm4b:s31+s3] =	stream.linear.scatter [tilespmem:s30], [sflag:$0x4], $0xC000, $0x38;
	[tilespmem:$0x18280] =	vst v63  }
.LBB2_5:
0x361: {  	_ =	sfence.sel $0x180000  }
0x362: {  	[bflag:$0x0] =	sbarrier.arrive $0xFFFF  }
0x363: {  	_ =	strace $0x90000047  }
0x364: {  	s0 =	stileid.u32;
	[bflag:$0x2] =	sbarrier.arrive $0xFFFF  }
0x365: {  	p0 =	sne.s32 s0, $0x0;
	s0 =	rddreg [dreg:$0x3]  }
0x366: {  	s0 =	sadd.s32 @!p0 $0x100000, s0  }
0x367: {  	[sflag:s0] =	ssyncadd.tile.s32 @!p0 $0x1;
	_ =	shalt  }
.Lfunc_end2:
_tile_overlayer_lowered:
.L_overlay_start_2:
0x368: {  	(tag) =	ssettag $0x2  }
0x369: {  	s0 =	rddreg [dreg:$0x0];
	s2 =	stileid.u32  }
0x36a: {  	s1 =	rddreg [dreg:$0x1];
	p0 =	sne.s32 s2, $0x0  }
0x36b: {  	s3 =	rddreg [dreg:$0x2];
	[bflag:$0x3] =	sbarrier.arrive $0xFFFF;
	s2 =	simm.s32 @!p0 $0x1C05  }
0x36c: {  	[timem:s3], [sflag:s2] =	dma.local @!p0 [hbm:s0], s1  }
0x36d: {  	s0 =	simm.s32 @!p0 $0x5  }
0x36e: {  	_ =	swait.ge @!p0 [sflag:s0], s1  }
0x36f: {  	s1 =	ssub.s32 @!p0 $0x0, s1;
	[sflag:s0] =	ssyncset.done @!p0 $0x0  }
0x370: {  	[sflag:s0] =	ssyncadd.s32 @!p0 s1  }
0x371: {  	[bflag:$0x3] =	sbarrier.arrive $0xFFFF  }
0x372: {  	_ =	shalt  }

</sc_bundles>
